<compile_context>
chip_gen: v7x
topology: tpu7x:2x2x1
jax: 0.10.2.dev20260603
libtpu: 0.0.44.dev20260713+nightly
codegen_flags: <defaults>
</compile_context>

<pallas_src>
import jax
import jax.numpy as jnp
import numpy as np
from jax import lax
from jax.experimental import pallas as pl
from jax.experimental.pallas import tpu as pltpu
from jax.experimental.pallas import tpu_sc as plsc

N_NODES = 100000
N_EDGES = 1600000
DF = 128
DE = 16
MSG = 100
B = 4096
NBR = 20
NC, NS = 2, 16
NW = NC * NS

f32 = jnp.float32
i32 = jnp.int32


def _dot(a, b):
    return jnp.dot(a, b, preferred_element_type=f32)


def _dot16(a, b):
    return jnp.dot(a.astype(jnp.bfloat16), b.astype(jnp.bfloat16),
                   preferred_element_type=f32)


_SC_PARAMS = pltpu.CompilerParams(use_tc_tiling_on_sc=False)
_SC_PARAMS_NLP = pltpu.CompilerParams(use_tc_tiling_on_sc=False,
                                      needs_layout_passes=False)


def _sc_batch_gather(mem_h, nf_h, ef_h, lu_h, src_h, dst_h, eid_h,
                     mem_all_h, nf_all_h, lu_s_h, lu_d_h, ef_o_h,
                     idx_v, rows_v, ef_v, lu_tab, lu_buf, sem):
    wid = lax.axis_index("s") * NC + lax.axis_index("c")
    sl = pl.ds(wid * 128, 128)
    pltpu.sync_copy(lu_h, lu_tab)
    for half, (nidx_h, l_o) in enumerate(((src_h, lu_s_h), (dst_h, lu_d_h))):
        osl = pl.ds(half * B + wid * 128, 128)
        pltpu.sync_copy(nidx_h.at[sl], idx_v)
        pltpu.async_copy(mem_h.at[idx_v], rows_v, sem).wait()
        pltpu.sync_copy(rows_v, mem_all_h.at[osl])
        pltpu.async_copy(nf_h.at[idx_v], rows_v, sem).wait()
        pltpu.sync_copy(rows_v, nf_all_h.at[osl])

        def lug(k, _):
            ck = pl.ds(k * 16, 16)
            lu_buf[ck] = plsc.load_gather(lu_tab, [idx_v[ck]])
            return 0

        lax.fori_loop(0, 8, lug, 0)
        pltpu.sync_copy(lu_buf, l_o.at[sl])
    pltpu.sync_copy(eid_h.at[sl], idx_v)
    pltpu.async_copy(ef_h.at[idx_v], ef_v, sem).wait()
    pltpu.sync_copy(ef_v, ef_o_h.at[sl])


def _batch_gather(memory, node_features, edge_features, last_update, src, dst,
                  eid):
    big = jax.ShapeDtypeStruct((2 * B, DF), f32)
    row = lambda d: jax.ShapeDtypeStruct((B, d), f32)
    vec = jax.ShapeDtypeStruct((B,), f32)
    return pl.kernel(
        _sc_batch_gather,
        out_type=(big, big, vec, vec, row(DE)),
        mesh=plsc.VectorSubcoreMesh(core_axis_name="c", subcore_axis_name="s"),
        compiler_params=_SC_PARAMS_NLP,
        scratch_types=(
            pltpu.VMEM((128,), i32),
            pltpu.VMEM((128, DF), f32),
            pltpu.VMEM((128, DE), f32),
            pltpu.VMEM((N_NODES,), f32),
            pltpu.VMEM((128,), f32),
            pltpu.SemaphoreType.DMA,
        ),
    )(memory, node_features, edge_features, last_update, src, dst, eid)


def _msg_body(mem_all, ef, et, lu_s, lu_d, tw, tb,
              W1a, W1b, W1c, W1d, b1, W2, b2, out):
    mem_s = mem_all[0:B, :]
    mem_d = mem_all[B:2 * B, :]
    enc_s = jnp.cos((et[...] - lu_s[...]) * tw[...] + tb[...])
    enc_d = jnp.cos((et[...] - lu_d[...]) * tw[...] + tb[...])
    comm = _dot(ef[...], W1c[...]) + b1[...]
    h_s = _dot(mem_s, W1a[...]) + _dot(mem_d, W1b[...]) \
        + _dot(enc_s, W1d[...]) + comm
    h_d = _dot(mem_d, W1a[...]) + _dot(mem_s, W1b[...]) \
        + _dot(enc_d, W1d[...]) + comm
    out[0:B, :] = _dot(jax.nn.relu(h_s), W2[...]) + b2[...]
    out[B:2 * B, :] = _dot(jax.nn.relu(h_d), W2[...]) + b2[...]


def _messages(mem_all, ef, et2, lu_s, lu_d, tw, tb, W1, b1, W2, b2):
    return pl.pallas_call(
        _msg_body,
        out_shape=jax.ShapeDtypeStruct((2 * B, MSG), f32),
    )(mem_all, ef, et2, lu_s, lu_d, tw.reshape(1, DF), tb.reshape(1, DF),
      W1[:128], W1[128:256], W1[256:272], W1[272:],
      b1.reshape(1, -1), W2, b2.reshape(1, -1))


_CT = 256


def _agg_body(idc, idr, msgr, memr, nfr, Wx, Wh, bx, bh, out, acc, cnt):
    acc[...] = jnp.zeros(acc.shape, f32)
    cnt[...] = jnp.zeros(cnt.shape, f32)

    def step(j, _):
        idj = idr[:, pl.ds(j * 512, 512)]
        Mj = (idc[...] == idj).astype(f32)
        acc[...] += _dot16(Mj, msgr[pl.ds(j * 512, 512), :])
        cnt[...] += jnp.sum(Mj, axis=1, keepdims=True)
        return 0

    lax.fori_loop(0, (2 * B) // 512, step, 0)
    mean = acc[...] / cnt[...]
    gx = _dot(mean, Wx[...]) + bx[...]
    gh = _dot(memr[...], Wh[...]) + bh[...]
    r = jax.nn.sigmoid(gx[:, :128] + gh[:, :128])
    z = jax.nn.sigmoid(gx[:, 128:256] + gh[:, 128:256])
    n = jnp.tanh(gx[:, 256:] + r * gh[:, 256:])
    h = (1.0 - z) * n + z * memr[...]
    out[...] = nfr[...] + h


def _aggregate_gru(ids, msg, mem_all, nf_all, Wx, Wh, bx, bh):
    nt = (2 * B) // _CT
    return pl.pallas_call(
        _agg_body,
        grid=(nt,),
        in_specs=[
            pl.BlockSpec((_CT, 1), lambda i: (i, 0)),
            pl.BlockSpec((1, 2 * B), lambda i: (0, 0)),
            pl.BlockSpec((2 * B, MSG), lambda i: (0, 0)),
            pl.BlockSpec((_CT, DF), lambda i: (i, 0)),
            pl.BlockSpec((_CT, DF), lambda i: (i, 0)),
            pl.BlockSpec((MSG, 384), lambda i: (0, 0)),
            pl.BlockSpec((DF, 384), lambda i: (0, 0)),
            pl.BlockSpec((1, 384), lambda i: (0, 0)),
            pl.BlockSpec((1, 384), lambda i: (0, 0)),
        ],
        out_specs=pl.BlockSpec((_CT, DF), lambda i: (i, 0)),
        out_shape=jax.ShapeDtypeStruct((2 * B, DF), f32),
        scratch_shapes=[pltpu.VMEM((_CT, MSG), f32), pltpu.VMEM((_CT, 1), f32)],
    )(ids.reshape(2 * B, 1), ids.reshape(1, 2 * B), msg, mem_all, nf_all,
      Wx, Wh, bx.reshape(1, -1), bh.reshape(1, -1))


_DR = N_NODES // NS
_DCH = 250
_ER = (2 * B) // NS


def _sc_table_gather(nf_h, mem_h, ids_h, sval_h, ef_h, nodes_h, nbr_h, eid_h,
                     comb_h, feat_h, nbrF_h, nbrE_h,
                     va, vb, idx_v, rows_v, eidx_v, ef_v, sem, sem0, sem1):
    s = lax.axis_index("s")
    r0 = s * _DR

    def chunk(ci, _):
        sl = pl.ds(r0 + ci * _DCH, _DCH)
        pltpu.sync_copy(nf_h.at[sl], va)
        pltpu.sync_copy(mem_h.at[sl], vb)

        def row(r, _):
            for c8 in range(DF // 16):
                cs = pl.ds(c8 * 16, 16)
                va[r, cs] = va[r, cs] + vb[r, cs]
            return 0

        lax.fori_loop(0, _DCH, row, 0)
        pltpu.sync_copy(va, comb_h.at[sl])
        return 0

    lax.fori_loop(0, _DR // _DCH, chunk, 0)
    plsc.subcore_barrier()
    e0 = s * _ER

    def sc_chunk(j, _):
        sl = pl.ds(e0 + j * 128, 128)
        pltpu.sync_copy(ids_h.at[sl], idx_v.at[0])
        pltpu.sync_copy(sval_h.at[sl], rows_v.at[pl.ds(0, 128)])
        pltpu.async_copy(rows_v.at[pl.ds(0, 128)], comb_h.at[idx_v.at[0]],
                         sem).wait()
        return 0

    lax.fori_loop(0, _ER // 128, sc_chunk, 0)
    plsc.subcore_barrier()
    sems = (sem0, sem1)
    nb0 = s * ((3 * B) // NS)

    def nchunk(j, _):
        sl = pl.ds(nb0 + j * 128, 128)
        pltpu.sync_copy(nodes_h.at[sl], idx_v.at[0])
        pltpu.async_copy(comb_h.at[idx_v.at[0]], rows_v.at[pl.ds(0, 128)],
                         sem).wait()
        pltpu.sync_copy(rows_v.at[pl.ds(0, 128)], feat_h.at[sl])
        return 0

    lax.fori_loop(0, (3 * B) // NS // 128, nchunk, 0)
    b0 = s * _NBW1
    nchunks = _NBW1 // 128

    def fire(j, p):
        sl = pl.ds(b0 + j * 128, 128)
        pltpu.sync_copy(nbr_h.at[sl], idx_v.at[p])
        pltpu.sync_copy(eid_h.at[sl], eidx_v.at[p])
        pltpu.async_copy(comb_h.at[idx_v.at[p]],
                         rows_v.at[pl.ds(p * 128, 128)], sems[p])
        pltpu.async_copy(ef_h.at[eidx_v.at[p]],
                         ef_v.at[pl.ds(p * 128, 128)], sems[p])

    def drain(j, p):
        sl = pl.ds(b0 + j * 128, 128)
        pltpu.make_async_copy(comb_h.at[idx_v.at[p]],
                              rows_v.at[pl.ds(p * 128, 128)], sems[p]).wait()
        pltpu.make_async_copy(ef_h.at[eidx_v.at[p]],
                              ef_v.at[pl.ds(p * 128, 128)], sems[p]).wait()
        pltpu.sync_copy(rows_v.at[pl.ds(p * 128, 128)], nbrF_h.at[sl])
        pltpu.sync_copy(ef_v.at[pl.ds(p * 128, 128)], nbrE_h.at[sl])

    npairs = nchunks // 2

    def step(m, _):
        fire(2 * m + 1, 1)
        drain(2 * m, 0)

        @pl.when(m < npairs - 1)
        def _():
            fire(2 * m + 2, 0)

        drain(2 * m + 1, 1)
        return 0

    fire(0, 0)
    lax.fori_loop(0, npairs, step, 0)


_NBW1 = (3 * B * NBR) // NS


def _table_and_gather(node_features, memory, ids, sval, edge_features, nodes,
                      nbr_flat, eid_flat):
    return pl.kernel(
        _sc_table_gather,
        out_type=(jax.ShapeDtypeStruct((N_NODES, DF), f32),
                  jax.ShapeDtypeStruct((3 * B, DF), f32),
                  jax.ShapeDtypeStruct((3 * B * NBR, DF), f32),
                  jax.ShapeDtypeStruct((3 * B * NBR, DE), f32)),
        mesh=plsc.VectorSubcoreMesh(core_axis_name="c", subcore_axis_name="s",
                                    num_cores=1),
        compiler_params=_SC_PARAMS,
        scratch_types=(
            pltpu.VMEM((_DCH, DF), f32),
            pltpu.VMEM((_DCH, DF), f32),
            pltpu.VMEM((2, 128), i32),
            pltpu.VMEM((256, DF), f32),
            pltpu.VMEM((2, 128), i32),
            pltpu.VMEM((256, DE), f32),
            pltpu.SemaphoreType.DMA,
            pltpu.SemaphoreType.DMA,
            pltpu.SemaphoreType.DMA,
        ),
    )(node_features, memory, ids, sval, edge_features, nodes, nbr_flat,
      eid_flat)


_FT = 256


def _attn_body(featr, nbrFr, nbrTr, nbrEr, tsr, tw, tb,
               Wqa, Wqb, Wka, Wkb, Wkc, Wva, Wvb, Wvc, Woa, Wob,
               mW1a, mW1b, mb1, mW2, mb2, out):
    feat = featr[...]
    cosb = jnp.cos(tb[...])
    q = _dot(feat, Wqa[...]) + _dot(cosb, Wqb[...])
    dt = tsr[...] - nbrTr[...]
    twv = tw[...].reshape(1, 1, DF)
    tbv = tb[...].reshape(1, 1, DF)
    te3 = jnp.cos(dt[:, :, None] * twv + tbv)
    kf2 = nbrFr[...]
    te2 = te3.reshape(_FT * NBR, DF)
    ef2 = nbrEr[...]
    k2 = _dot16(kf2, Wka[...]) + _dot16(te2, Wkb[...]) + _dot16(ef2, Wkc[...])
    v2 = _dot16(kf2, Wva[...]) + _dot16(te2, Wvb[...]) + _dot16(ef2, Wvc[...])
    outs = []
    for h in range(2):
        hs = slice(128 * h, 128 * (h + 1))
        kh = k2[:, hs].reshape(_FT, NBR, 128)
        vh = v2[:, hs].reshape(_FT, NBR, 128)
        s = jnp.sum(q[:, hs][:, None, :] * kh, axis=-1) * (1.0 / np.sqrt(128.0))
        m = jnp.max(s, axis=1, keepdims=True)
        e = jnp.exp(s - m)
        p = e / jnp.sum(e, axis=1, keepdims=True)
        outs.append(jnp.sum(p[:, :, None] * vh, axis=1))
    o2 = _dot(outs[0], Woa[...]) + _dot(outs[1], Wob[...])
    emb = _dot(jax.nn.relu(_dot(o2, mW1a[...]) + _dot(feat, mW1b[...])
                           + mb1[...]), mW2[...]) + mb2[...]
    out[...] = emb


def _attention(feat, nbrF, nbrT, nbrE, ts2, tw, tb, Wq, Wk, Wv, Wo,
               mW1, mb1, mW2, mb2):
    nt = (3 * B) // _FT
    full = lambda shp: pl.BlockSpec(shp, lambda i, _s=len(shp): (0,) * _s)
    return pl.pallas_call(
        _attn_body,
        grid=(nt,),
        in_specs=[
            pl.BlockSpec((_FT, DF), lambda i: (i, 0)),
            pl.BlockSpec((_FT * NBR, DF), lambda i: (i, 0)),
            pl.BlockSpec((_FT, NBR), lambda i: (i, 0)),
            pl.BlockSpec((_FT * NBR, DE), lambda i: (i, 0)),
            pl.BlockSpec((_FT, 1), lambda i: (i % (B // _FT), 0)),
            full((1, DF)), full((1, DF)),
            full((DF, 256)), full((DF, 256)),
            full((DF, 256)), full((DF, 256)), full((DE, 256)),
            full((DF, 256)), full((DF, 256)), full((DE, 256)),
            full((128, 256)), full((128, 256)),
            full((256, DF)), full((DF, DF)), full((1, DF)),
            full((DF, DF)), full((1, DF)),
        ],
        out_specs=pl.BlockSpec((_FT, DF), lambda i: (i, 0)),
        out_shape=jax.ShapeDtypeStruct((3 * B, DF), f32),
    )(feat, nbrF, nbrT, nbrE,
      ts2, tw.reshape(1, DF), tb.reshape(1, DF),
      Wq[:128], Wq[128:], Wk[:128], Wk[128:256], Wk[256:],
      Wv[:128], Wv[128:256], Wv[256:], Wo[:128], Wo[128:],
      mW1[:256], mW1[256:], mb1.reshape(1, -1), mW2, mb2.reshape(1, -1))


def _aff_body(embr, A1a, A1b, ab1, A2, ab2, out):
    se = embr[0:B, :]
    de_ = embr[B:2 * B, :]
    ne = embr[2 * B:, :]
    sa = _dot(se, A1a[...])
    hp = jax.nn.relu(sa + _dot(de_, A1b[...]) + ab1[...])
    hn = jax.nn.relu(sa + _dot(ne, A1b[...]) + ab1[...])
    out[0:B, :] = _dot(hp, A2[...]) + ab2[...]
    out[B:, :] = _dot(hn, A2[...]) + ab2[...]


def _affinity(emb, A1, ab1, A2, ab2):
    return pl.pallas_call(
        _aff_body,
        out_shape=jax.ShapeDtypeStruct((2 * B, 1), f32),
    )(emb, A1[:128], A1[128:], ab1.reshape(1, -1), A2, ab2.reshape(1, -1))


def kernel(source_nodes, destination_nodes, negative_nodes, edge_times,
           edge_idxs, neighbors, neighbor_edge_idxs, neighbor_times,
           node_features, edge_features, memory, last_update, time_w, time_b,
           msg_W1, msg_b1, msg_W2, msg_b2, gru_Wx, gru_Wh, gru_bx, gru_bh,
           attn_Wq, attn_Wk, attn_Wv, attn_Wo, merge_W1, merge_b1, merge_W2,
           merge_b2, aff_W1, aff_b1, aff_W2, aff_b2):
    src = source_nodes.astype(i32)
    dst = destination_nodes.astype(i32)
    neg = negative_nodes.astype(i32)
    eid = edge_idxs.astype(i32)
    et2 = edge_times.reshape(B, 1)

    mem_all, nf_all, lu_s, lu_d, ef = _batch_gather(
        memory, node_features, edge_features, last_update, src, dst, eid)

    msg = _messages(mem_all, ef, et2, lu_s.reshape(B, 1),
                    lu_d.reshape(B, 1), time_w, time_b,
                    msg_W1, msg_b1, msg_W2, msg_b2)

    ids = jnp.concatenate([src, dst], 0)
    sval = _aggregate_gru(ids, msg, mem_all, nf_all,
                          gru_Wx, gru_Wh, gru_bx, gru_bh)

    nodes = jnp.concatenate([src, dst, neg], 0)
    _comb, feat, nbrF, nbrE = _table_and_gather(
        node_features, memory, ids, sval, edge_features, nodes,
        neighbors.reshape(-1).astype(i32),
        neighbor_edge_idxs.reshape(-1).astype(i32))

    emb = _attention(feat, nbrF, neighbor_times, nbrE, et2, time_w, time_b,
                     attn_Wq, attn_Wk, attn_Wv, attn_Wo,
                     merge_W1, merge_b1, merge_W2, merge_b2)

    return _affinity(emb, aff_W1, aff_b1, aff_W2, aff_b2)

# --- scband reference (transcript-rebuilt; emitter-appended) ---
"""Pipeline reference for scband-tgn-34711925686554 (READ-ONLY COPY).

The authoritative reference and input builder live on the scoring server;
editing this copy changes nothing except your own understanding.
"""

import jax, jax.numpy as jnp
import numpy as np

N_NODES = 100000
N_EDGES = 1600000
D_FEAT = 128
D_EDGE = 16
MEM = 128
MSG = 100
B = 4096
NBR = 20
H = 2
TSCALE = 1e5


def time_encode(t, w, b):
    return jnp.cos(t[..., None] * w + b)


def setup_inputs(seed: int = 0):
    key = jax.random.key(seed)
    ks = jax.random.split(key, 40)
    RAW = 2 * MEM + D_EDGE + D_FEAT
    QD = D_FEAT + D_FEAT
    KD = D_FEAT + D_FEAT + D_EDGE
    inp = {}
    inp['source_nodes'] = jax.random.randint(ks[0], (B,), 0, N_NODES)
    inp['destination_nodes'] = jax.random.randint(ks[1], (B,), 0, N_NODES)
    inp['negative_nodes'] = jax.random.randint(ks[2], (B,), 0, N_NODES)
    inp['edge_times'] = jax.random.uniform(ks[3], (B,), jnp.float32) * TSCALE
    inp['edge_idxs'] = jax.random.randint(ks[4], (B,), 0, N_EDGES)
    inp['neighbors'] = jax.random.randint(ks[5], (3 * B, NBR), 0, N_NODES)
    inp['neighbor_edge_idxs'] = jax.random.randint(ks[6], (3 * B, NBR), 0, N_EDGES)
    inp['neighbor_times'] = jax.random.uniform(ks[7], (3 * B, NBR), jnp.float32) * TSCALE
    inp['node_features'] = jax.random.normal(ks[8], (N_NODES, D_FEAT), jnp.float32) * 0.1
    inp['edge_features'] = jax.random.normal(ks[9], (N_EDGES, D_EDGE), jnp.float32) * 0.1
    inp['memory'] = jax.random.normal(ks[10], (N_NODES, MEM), jnp.float32) * 0.1
    inp['last_update'] = jax.random.uniform(ks[11], (N_NODES,), jnp.float32) * TSCALE * 0.5
    inp['time_w'] = jax.random.normal(ks[12], (D_FEAT,), jnp.float32) * 0.01
    inp['time_b'] = jax.random.normal(ks[13], (D_FEAT,), jnp.float32)
    inp['msg_W1'] = jax.random.normal(ks[14], (RAW, RAW // 2), jnp.float32) * 0.05
    inp['msg_b1'] = jnp.zeros((RAW // 2,), jnp.float32)
    inp['msg_W2'] = jax.random.normal(ks[15], (RAW // 2, MSG), jnp.float32) * 0.05
    inp['msg_b2'] = jnp.zeros((MSG,), jnp.float32)
    inp['gru_Wx'] = jax.random.normal(ks[16], (MSG, 3 * MEM), jnp.float32) * 0.05
    inp['gru_Wh'] = jax.random.normal(ks[17], (MEM, 3 * MEM), jnp.float32) * 0.05
    inp['gru_bx'] = jnp.zeros((3 * MEM,), jnp.float32)
    inp['gru_bh'] = jnp.zeros((3 * MEM,), jnp.float32)
    inp['attn_Wq'] = jax.random.normal(ks[18], (QD, QD), jnp.float32) * 0.05
    inp['attn_Wk'] = jax.random.normal(ks[19], (KD, QD), jnp.float32) * 0.05
    inp['attn_Wv'] = jax.random.normal(ks[20], (KD, QD), jnp.float32) * 0.05
    inp['attn_Wo'] = jax.random.normal(ks[21], (QD, QD), jnp.float32) * 0.05
    inp['merge_W1'] = jax.random.normal(ks[22], (QD + D_FEAT, D_FEAT), jnp.float32) * 0.05
    inp['merge_b1'] = jnp.zeros((D_FEAT,), jnp.float32)
    inp['merge_W2'] = jax.random.normal(ks[23], (D_FEAT, D_FEAT), jnp.float32) * 0.05
    inp['merge_b2'] = jnp.zeros((D_FEAT,), jnp.float32)
    inp['aff_W1'] = jax.random.normal(ks[24], (2 * D_FEAT, D_FEAT), jnp.float32) * 0.05
    inp['aff_b1'] = jnp.zeros((D_FEAT,), jnp.float32)
    inp['aff_W2'] = jax.random.normal(ks[25], (D_FEAT, 1), jnp.float32) * 0.05
    inp['aff_b2'] = jnp.zeros((1,), jnp.float32)
    return inp


def reference(source_nodes, destination_nodes, negative_nodes, edge_times, edge_idxs,
              neighbors, neighbor_edge_idxs, neighbor_times,
              node_features, edge_features, memory, last_update, time_w, time_b,
              msg_W1, msg_b1, msg_W2, msg_b2, gru_Wx, gru_Wh, gru_bx, gru_bh,
              attn_Wq, attn_Wk, attn_Wv, attn_Wo, merge_W1, merge_b1, merge_W2, merge_b2,
              aff_W1, aff_b1, aff_W2, aff_b2):
    # ---- raw messages: m_raw = [S_i(t-1), S_j(t-1), e_ij(t), Phi(dt)] for src and dst ----
    ef = edge_features[edge_idxs]
    src_mem = memory[source_nodes]
    dst_mem = memory[destination_nodes]
    enc_src = time_encode(edge_times - last_update[source_nodes], time_w, time_b)
    enc_dst = time_encode(edge_times - last_update[destination_nodes], time_w, time_b)
    raw_src = jnp.concatenate([src_mem, dst_mem, ef, enc_src], axis=1)
    raw_dst = jnp.concatenate([dst_mem, src_mem, ef, enc_dst], axis=1)
    raw = jnp.concatenate([raw_src, raw_dst], axis=0)
    # ---- MLP message function ----
    msg = jax.nn.relu(raw @ msg_W1 + msg_b1) @ msg_W2 + msg_b2
    # ---- mean aggregation per node (scatter-add) ----
    nodes_all = jnp.concatenate([source_nodes, destination_nodes], axis=0)
    counts = jax.ops.segment_sum(jnp.ones((2 * B,), jnp.float32), nodes_all, num_segments=N_NODES)
    msg_mean = jax.ops.segment_sum(msg, nodes_all, num_segments=N_NODES) / jnp.clip(counts, 1.0)[:, None]
    # ---- GRU memory updater ----
    gx = msg_mean @ gru_Wx + gru_bx
    gh = memory @ gru_Wh + gru_bh
    xr, xz, xn = jnp.split(gx, 3, axis=1)
    hr, hz, hn = jnp.split(gh, 3, axis=1)
    r = jax.nn.sigmoid(xr + hr)
    z = jax.nn.sigmoid(xz + hz)
    n = jnp.tanh(xn + r * hn)
    h_new = (1.0 - z) * n + z * memory
    has_msg = counts > 0
    updated_memory = jnp.where(has_msg[:, None], h_new, memory)
    # ---- temporal graph attention embedding (1 layer, 20 temporal neighbors) ----
    nodes = jnp.concatenate([source_nodes, destination_nodes, negative_nodes], axis=0)
    ts = jnp.concatenate([edge_times, edge_times, edge_times], axis=0)
    feat = node_features[nodes] + updated_memory[nodes]
    q_in = jnp.concatenate([feat, time_encode(jnp.zeros((3 * B,), jnp.float32), time_w, time_b)], axis=1)
    q = (q_in @ attn_Wq).reshape(3 * B, H, -1)
    nbr_feat = node_features[neighbors] + updated_memory[neighbors]
    nbr_ef = edge_features[neighbor_edge_idxs]
    nbr_te = time_encode(ts[:, None] - neighbor_times, time_w, time_b)
    k_in = jnp.concatenate([nbr_feat, nbr_te, nbr_ef], axis=-1)
    k = (k_in @ attn_Wk).reshape(3 * B, NBR, H, -1)
    v = (k_in @ attn_Wv).reshape(3 * B, NBR, H, -1)
    scores = jnp.einsum('bhd,bnhd->bhn', q, k) / np.sqrt(q.shape[-1])
    attn = jax.nn.softmax(scores, axis=-1)
    out = jnp.einsum('bhn,bnhd->bhd', attn, v).reshape(3 * B, -1) @ attn_Wo
    emb = jax.nn.relu(jnp.concatenate([out, feat], axis=1) @ merge_W1 + merge_b1) @ merge_W2 + merge_b2
    src_emb, dst_emb, neg_emb = emb[:B], emb[B:2 * B], emb[2 * B:]
    # ---- affinity score MergeLayer ----
    pos = jax.nn.relu(jnp.concatenate([src_emb, dst_emb], axis=1) @ aff_W1 + aff_b1) @ aff_W2 + aff_b2
    neg = jax.nn.relu(jnp.concatenate([src_emb, neg_emb], axis=1) @ aff_W1 + aff_b1) @ aff_W2 + aff_b2
    return jnp.concatenate([pos, neg], axis=0)

if __name__ == "__main__":
    import jax
    _d = setup_inputs()
    print(jax.jit(kernel)(*tuple(_d.values())))

</pallas_src>

<mosaic_0001>
#map = affine_map<(d0, d1) -> (0, 0)>
#map1 = affine_map<(d0, d1) -> (0)>
module attributes {stable_mosaic.version = 14 : i64} {
  func.func @_sc_table_gather(%arg0: i32, %arg1: i32, %arg2: memref<100000x128xf32, #tpu.memory_space<hbm>>, %arg3: memref<100000x128xf32, #tpu.memory_space<hbm>>, %arg4: memref<8192xi32, #tpu.memory_space<hbm>>, %arg5: memref<8192x128xf32, #tpu.memory_space<hbm>>, %arg6: memref<1600000x16xf32, #tpu.memory_space<hbm>>, %arg7: memref<12288xi32, #tpu.memory_space<hbm>>, %arg8: memref<245760xi32, #tpu.memory_space<hbm>>, %arg9: memref<245760xi32, #tpu.memory_space<hbm>>, %arg10: memref<100000x128xf32, #tpu.memory_space<hbm>>, %arg11: memref<12288x128xf32, #tpu.memory_space<hbm>>, %arg12: memref<245760x128xf32, #tpu.memory_space<hbm>>, %arg13: memref<245760x16xf32, #tpu.memory_space<hbm>>, %arg14: memref<250x128xf32, #tpu.memory_space<vmem>>, %arg15: memref<250x128xf32, #tpu.memory_space<vmem>>, %arg16: memref<2x128xi32, #tpu.memory_space<vmem>>, %arg17: memref<256x128xf32, #tpu.memory_space<vmem>>, %arg18: memref<2x128xi32, #tpu.memory_space<vmem>>, %arg19: memref<256x16xf32, #tpu.memory_space<vmem>>, %arg20: memref<!tpu.dma_semaphore, #tpu.memory_space<semaphore_mem>>, %arg21: memref<!tpu.dma_semaphore, #tpu.memory_space<semaphore_mem>>, %arg22: memref<!tpu.dma_semaphore, #tpu.memory_space<semaphore_mem>>) attributes {dimension_semantics = [#tpu.dimension_semantics<core_parallel>, #tpu.dimension_semantics<subcore_parallel>], iteration_bounds = array<i64: 1, 16>, scalar_prefetch = 0 : i64, scratch_operands = 9 : i64, tpu.core_type = #tpu.core_type<sc_vector_subcore>, window_params = [{transform_indices = #map}, {transform_indices = #map}, {transform_indices = #map1}, {transform_indices = #map}, {transform_indices = #map}, {transform_indices = #map1}, {transform_indices = #map1}, {transform_indices = #map1}, {transform_indices = #map}, {transform_indices = #map}, {transform_indices = #map}, {transform_indices = #map}]} {
    %mul3A = arith.constant 6250 : i32
    %mul3A_0 = arith.muli %arg1, %mul3A : i32
    %scan3A = arith.constant 0 : i32
    %scan3A_1 = arith.constant 0 : i32
    %scan3A_2 = arith.constant 25 : i32
    %scan3A_3 = arith.addi %scan3A_1, %scan3A_2 : i32
    %scan3A_4 = arith.constant 1 : i32
    %scan3A_5 = scf.for %scan3A_56 = %scan3A_1 to %scan3A_3 step %scan3A_4 iter_args(%scan3A_57 = %scan3A) -> (i32)  : i32 {
      %mul3A_58 = arith.constant 250 : i32
      %mul3A_59 = arith.muli %scan3A_56, %mul3A_58 : i32
      %add3A_60 = arith.addi %mul3A_0, %mul3A_59 : i32
      "tpu.region"() ({
        %run_scoped3A_69 = tpu.sem_alloc : memref<!tpu.dma_semaphore, #tpu.memory_space<semaphore_mem>>
        %dma_start3A_70 = arith.constant 0 : i32
        %dma_start3A_71 = tpu.memref_slice %arg2[%add3A_60, %dma_start3A_70] : memref<100000x128xf32, #tpu.memory_space<hbm>> -> memref<250x128xf32, #tpu.memory_space<hbm>>
        %dma_start3A_72 = arith.constant 0 : i32
        %dma_start3A_73 = tpu.memref_slice %arg2[%add3A_60, %dma_start3A_72] : memref<100000x128xf32, #tpu.memory_space<hbm>> -> memref<250x128xf32, #tpu.memory_space<hbm>>
        tpu.enqueue_dma source(%dma_start3A_73 : memref<250x128xf32, #tpu.memory_space<hbm>>) target(%arg14 : memref<250x128xf32, #tpu.memory_space<vmem>>) target_semaphore(%run_scoped3A_69 : memref<!tpu.dma_semaphore, #tpu.memory_space<semaphore_mem>>)
        %dma_wait3A = arith.constant 0 : i32
        %dma_wait3A_74 = tpu.memref_slice %arg2[%add3A_60, %dma_wait3A] : memref<100000x128xf32, #tpu.memory_space<hbm>> -> memref<250x128xf32, #tpu.memory_space<hbm>>
        %dma_wait3A_75 = arith.constant 0 : i32
        %dma_wait3A_76 = tpu.memref_slice %arg2[%add3A_60, %dma_wait3A_75] : memref<100000x128xf32, #tpu.memory_space<hbm>> -> memref<250x128xf32, #tpu.memory_space<hbm>>
        tpu.wait_dma2 semaphore(%run_scoped3A_69 : memref<!tpu.dma_semaphore, #tpu.memory_space<semaphore_mem>>) src(%dma_wait3A_76 : memref<250x128xf32, #tpu.memory_space<hbm>>) dst(%arg14 : memref<250x128xf32, #tpu.memory_space<vmem>>)
        tpu.yield
      }) : () -> ()
      "tpu.region"() ({
        %run_scoped3A_69 = tpu.sem_alloc : memref<!tpu.dma_semaphore, #tpu.memory_space<semaphore_mem>>
        %dma_start3A_70 = arith.constant 0 : i32
        %dma_start3A_71 = tpu.memref_slice %arg3[%add3A_60, %dma_start3A_70] : memref<100000x128xf32, #tpu.memory_space<hbm>> -> memref<250x128xf32, #tpu.memory_space<hbm>>
        %dma_start3A_72 = arith.constant 0 : i32
        %dma_start3A_73 = tpu.memref_slice %arg3[%add3A_60, %dma_start3A_72] : memref<100000x128xf32, #tpu.memory_space<hbm>> -> memref<250x128xf32, #tpu.memory_space<hbm>>
        tpu.enqueue_dma source(%dma_start3A_73 : memref<250x128xf32, #tpu.memory_space<hbm>>) target(%arg15 : memref<250x128xf32, #tpu.memory_space<vmem>>) target_semaphore(%run_scoped3A_69 : memref<!tpu.dma_semaphore, #tpu.memory_space<semaphore_mem>>)
        %dma_wait3A = arith.constant 0 : i32
        %dma_wait3A_74 = tpu.memref_slice %arg3[%add3A_60, %dma_wait3A] : memref<100000x128xf32, #tpu.memory_space<hbm>> -> memref<250x128xf32, #tpu.memory_space<hbm>>
        %dma_wait3A_75 = arith.constant 0 : i32
        %dma_wait3A_76 = tpu.memref_slice %arg3[%add3A_60, %dma_wait3A_75] : memref<100000x128xf32, #tpu.memory_space<hbm>> -> memref<250x128xf32, #tpu.memory_space<hbm>>
        tpu.wait_dma2 semaphore(%run_scoped3A_69 : memref<!tpu.dma_semaphore, #tpu.memory_space<semaphore_mem>>) src(%dma_wait3A_76 : memref<250x128xf32, #tpu.memory_space<hbm>>) dst(%arg15 : memref<250x128xf32, #tpu.memory_space<vmem>>)
        tpu.yield
      }) : () -> ()
      %scan3A_61 = arith.constant 0 : i32
      %scan3A_62 = arith.constant 0 : i32
      %scan3A_63 = arith.constant 250 : i32
      %scan3A_64 = arith.addi %scan3A_62, %scan3A_63 : i32
      %scan3A_65 = arith.constant 1 : i32
      %scan3A_66 = scf.for %scan3A_69 = %scan3A_62 to %scan3A_64 step %scan3A_65 iter_args(%scan3A_70 = %scan3A_61) -> (i32)  : i32 {
        %get3A = arith.index_cast %scan3A_69 : i32 to index
        %get3A_71 = arith.constant 0 : index
        %get3A_72 = tpu.vector_load %arg14[%get3A, %get3A_71] {strides = array<i32>} : memref<250x128xf32, #tpu.memory_space<vmem>>, vector<1x16xf32>,
        %get3A_73 = vector.shape_cast %get3A_72 : vector<1x16xf32> to vector<16xf32>
        %get3A_74 = arith.index_cast %scan3A_69 : i32 to index
        %get3A_75 = arith.constant 0 : index
        %get3A_76 = tpu.vector_load %arg15[%get3A_74, %get3A_75] {strides = array<i32>} : memref<250x128xf32, #tpu.memory_space<vmem>>, vector<1x16xf32>,
        %get3A_77 = vector.shape_cast %get3A_76 : vector<1x16xf32> to vector<16xf32>
        %add3A_78 = arith.addf %get3A_73, %get3A_77 : vector<16xf32>
        %swap3A = arith.index_cast %scan3A_69 : i32 to index
        %swap3A_79 = arith.constant 0 : index
        %swap3A_80 = tpu.vector_load %arg14[%swap3A, %swap3A_79] {strides = array<i32>} : memref<250x128xf32, #tpu.memory_space<vmem>>, vector<1x16xf32>,
        %swap3A_81 = vector.shape_cast %swap3A_80 : vector<1x16xf32> to vector<16xf32>
        %swap3A_82 = vector.shape_cast %add3A_78 : vector<16xf32> to vector<1x16xf32>
        tpu.vector_store %arg14[%swap3A, %swap3A_79], %swap3A_82 {strides = array<i32>} : memref<250x128xf32, #tpu.memory_space<vmem>>, vector<1x16xf32>,
        %get3A_83 = arith.index_cast %scan3A_69 : i32 to index
        %get3A_84 = arith.constant 16 : index
        %get3A_85 = tpu.vector_load %arg14[%get3A_83, %get3A_84] {strides = array<i32>} : memref<250x128xf32, #tpu.memory_space<vmem>>, vector<1x16xf32>,
        %get3A_86 = vector.shape_cast %get3A_85 : vector<1x16xf32> to vector<16xf32>
        %get3A_87 = arith.index_cast %scan3A_69 : i32 to index
        %get3A_88 = arith.constant 16 : index
        %get3A_89 = tpu.vector_load %arg15[%get3A_87, %get3A_88] {strides = array<i32>} : memref<250x128xf32, #tpu.memory_space<vmem>>, vector<1x16xf32>,
        %get3A_90 = vector.shape_cast %get3A_89 : vector<1x16xf32> to vector<16xf32>
        %add3A_91 = arith.addf %get3A_86, %get3A_90 : vector<16xf32>
        %swap3A_92 = arith.index_cast %scan3A_69 : i32 to index
        %swap3A_93 = arith.constant 16 : index
        %swap3A_94 = tpu.vector_load %arg14[%swap3A_92, %swap3A_93] {strides = array<i32>} : memref<250x128xf32, #tpu.memory_space<vmem>>, vector<1x16xf32>,
        %swap3A_95 = vector.shape_cast %swap3A_94 : vector<1x16xf32> to vector<16xf32>
        %swap3A_96 = vector.shape_cast %add3A_91 : vector<16xf32> to vector<1x16xf32>
        tpu.vector_store %arg14[%swap3A_92, %swap3A_93], %swap3A_96 {strides = array<i32>} : memref<250x128xf32, #tpu.memory_space<vmem>>, vector<1x16xf32>,
        %get3A_97 = arith.index_cast %scan3A_69 : i32 to index
        %get3A_98 = arith.constant 32 : index
        %get3A_99 = tpu.vector_load %arg14[%get3A_97, %get3A_98] {strides = array<i32>} : memref<250x128xf32, #tpu.memory_space<vmem>>, vector<1x16xf32>,
        %get3A_100 = vector.shape_cast %get3A_99 : vector<1x16xf32> to vector<16xf32>
        %get3A_101 = arith.index_cast %scan3A_69 : i32 to index
        %get3A_102 = arith.constant 32 : index
        %get3A_103 = tpu.vector_load %arg15[%get3A_101, %get3A_102] {strides = array<i32>} : memref<250x128xf32, #tpu.memory_space<vmem>>, vector<1x16xf32>,
        %get3A_104 = vector.shape_cast %get3A_103 : vector<1x16xf32> to vector<16xf32>
        %add3A_105 = arith.addf %get3A_100, %get3A_104 : vector<16xf32>
        %swap3A_106 = arith.index_cast %scan3A_69 : i32 to index
        %swap3A_107 = arith.constant 32 : index
        %swap3A_108 = tpu.vector_load %arg14[%swap3A_106, %swap3A_107] {strides = array<i32>} : memref<250x128xf32, #tpu.memory_space<vmem>>, vector<1x16xf32>,
        %swap3A_109 = vector.shape_cast %swap3A_108 : vector<1x16xf32> to vector<16xf32>
        %swap3A_110 = vector.shape_cast %add3A_105 : vector<16xf32> to vector<1x16xf32>
        tpu.vector_store %arg14[%swap3A_106, %swap3A_107], %swap3A_110 {strides = array<i32>} : memref<250x128xf32, #tpu.memory_space<vmem>>, vector<1x16xf32>,
        %get3A_111 = arith.index_cast %scan3A_69 : i32 to index
        %get3A_112 = arith.constant 48 : index
        %get3A_113 = tpu.vector_load %arg14[%get3A_111, %get3A_112] {strides = array<i32>} : memref<250x128xf32, #tpu.memory_space<vmem>>, vector<1x16xf32>,
        %get3A_114 = vector.shape_cast %get3A_113 : vector<1x16xf32> to vector<16xf32>
        %get3A_115 = arith.index_cast %scan3A_69 : i32 to index
        %get3A_116 = arith.constant 48 : index
        %get3A_117 = tpu.vector_load %arg15[%get3A_115, %get3A_116] {strides = array<i32>} : memref<250x128xf32, #tpu.memory_space<vmem>>, vector<1x16xf32>,
        %get3A_118 = vector.shape_cast %get3A_117 : vector<1x16xf32> to vector<16xf32>
        %add3A_119 = arith.addf %get3A_114, %get3A_118 : vector<16xf32>
        %swap3A_120 = arith.index_cast %scan3A_69 : i32 to index
        %swap3A_121 = arith.constant 48 : index
        %swap3A_122 = tpu.vector_load %arg14[%swap3A_120, %swap3A_121] {strides = array<i32>} : memref<250x128xf32, #tpu.memory_space<vmem>>, vector<1x16xf32>,
        %swap3A_123 = vector.shape_cast %swap3A_122 : vector<1x16xf32> to vector<16xf32>
        %swap3A_124 = vector.shape_cast %add3A_119 : vector<16xf32> to vector<1x16xf32>
        tpu.vector_store %arg14[%swap3A_120, %swap3A_121], %swap3A_124 {strides = array<i32>} : memref<250x128xf32, #tpu.memory_space<vmem>>, vector<1x16xf32>,
        %get3A_125 = arith.index_cast %scan3A_69 : i32 to index
        %get3A_126 = arith.constant 64 : index
        %get3A_127 = tpu.vector_load %arg14[%get3A_125, %get3A_126] {strides = array<i32>} : memref<250x128xf32, #tpu.memory_space<vmem>>, vector<1x16xf32>,
        %get3A_128 = vector.shape_cast %get3A_127 : vector<1x16xf32> to vector<16xf32>
        %get3A_129 = arith.index_cast %scan3A_69 : i32 to index
        %get3A_130 = arith.constant 64 : index
        %get3A_131 = tpu.vector_load %arg15[%get3A_129, %get3A_130] {strides = array<i32>} : memref<250x128xf32, #tpu.memory_space<vmem>>, vector<1x16xf32>,
        %get3A_132 = vector.shape_cast %get3A_131 : vector<1x16xf32> to vector<16xf32>
        %add3A_133 = arith.addf %get3A_128, %get3A_132 : vector<16xf32>
        %swap3A_134 = arith.index_cast %scan3A_69 : i32 to index
        %swap3A_135 = arith.constant 64 : index
        %swap3A_136 = tpu.vector_load %arg14[%swap3A_134, %swap3A_135] {strides = array<i32>} : memref<250x128xf32, #tpu.memory_space<vmem>>, vector<1x16xf32>,
        %swap3A_137 = vector.shape_cast %swap3A_136 : vector<1x16xf32> to vector<16xf32>
        %swap3A_138 = vector.shape_cast %add3A_133 : vector<16xf32> to vector<1x16xf32>
        tpu.vector_store %arg14[%swap3A_134, %swap3A_135], %swap3A_138 {strides = array<i32>} : memref<250x128xf32, #tpu.memory_space<vmem>>, vector<1x16xf32>,
        %get3A_139 = arith.index_cast %scan3A_69 : i32 to index
        %get3A_140 = arith.constant 80 : index
        %get3A_141 = tpu.vector_load %arg14[%get3A_139, %get3A_140] {strides = array<i32>} : memref<250x128xf32, #tpu.memory_space<vmem>>, vector<1x16xf32>,
        %get3A_142 = vector.shape_cast %get3A_141 : vector<1x16xf32> to vector<16xf32>
        %get3A_143 = arith.index_cast %scan3A_69 : i32 to index
        %get3A_144 = arith.constant 80 : index
        %get3A_145 = tpu.vector_load %arg15[%get3A_143, %get3A_144] {strides = array<i32>} : memref<250x128xf32, #tpu.memory_space<vmem>>, vector<1x16xf32>,
        %get3A_146 = vector.shape_cast %get3A_145 : vector<1x16xf32> to vector<16xf32>
        %add3A_147 = arith.addf %get3A_142, %get3A_146 : vector<16xf32>
        %swap3A_148 = arith.index_cast %scan3A_69 : i32 to index
        %swap3A_149 = arith.constant 80 : index
        %swap3A_150 = tpu.vector_load %arg14[%swap3A_148, %swap3A_149] {strides = array<i32>} : memref<250x128xf32, #tpu.memory_space<vmem>>, vector<1x16xf32>,
        %swap3A_151 = vector.shape_cast %swap3A_150 : vector<1x16xf32> to vector<16xf32>
        %swap3A_152 = vector.shape_cast %add3A_147 : vector<16xf32> to vector<1x16xf32>
        tpu.vector_store %arg14[%swap3A_148, %swap3A_149], %swap3A_152 {strides = array<i32>} : memref<250x128xf32, #tpu.memory_space<vmem>>, vector<1x16xf32>,
        %get3A_153 = arith.index_cast %scan3A_69 : i32 to index
        %get3A_154 = arith.constant 96 : index
        %get3A_155 = tpu.vector_load %arg14[%get3A_153, %get3A_154] {strides = array<i32>} : memref<250x128xf32, #tpu.memory_space<vmem>>, vector<1x16xf32>,
        %get3A_156 = vector.shape_cast %get3A_155 : vector<1x16xf32> to vector<16xf32>
        %get3A_157 = arith.index_cast %scan3A_69 : i32 to index
        %get3A_158 = arith.constant 96 : index
        %get3A_159 = tpu.vector_load %arg15[%get3A_157, %get3A_158] {strides = array<i32>} : memref<250x128xf32, #tpu.memory_space<vmem>>, vector<1x16xf32>,
        %get3A_160 = vector.shape_cast %get3A_159 : vector<1x16xf32> to vector<16xf32>
        %add3A_161 = arith.addf %get3A_156, %get3A_160 : vector<16xf32>
        %swap3A_162 = arith.index_cast %scan3A_69 : i32 to index
        %swap3A_163 = arith.constant 96 : index
        %swap3A_164 = tpu.vector_load %arg14[%swap3A_162, %swap3A_163] {strides = array<i32>} : memref<250x128xf32, #tpu.memory_space<vmem>>, vector<1x16xf32>,
        %swap3A_165 = vector.shape_cast %swap3A_164 : vector<1x16xf32> to vector<16xf32>
        %swap3A_166 = vector.shape_cast %add3A_161 : vector<16xf32> to vector<1x16xf32>
        tpu.vector_store %arg14[%swap3A_162, %swap3A_163], %swap3A_166 {strides = array<i32>} : memref<250x128xf32, #tpu.memory_space<vmem>>, vector<1x16xf32>,
        %get3A_167 = arith.index_cast %scan3A_69 : i32 to index
        %get3A_168 = arith.constant 112 : index
        %get3A_169 = tpu.vector_load %arg14[%get3A_167, %get3A_168] {strides = array<i32>} : memref<250x128xf32, #tpu.memory_space<vmem>>, vector<1x16xf32>,
        %get3A_170 = vector.shape_cast %get3A_169 : vector<1x16xf32> to vector<16xf32>
        %get3A_171 = arith.index_cast %scan3A_69 : i32 to index
        %get3A_172 = arith.constant 112 : index
        %get3A_173 = tpu.vector_load %arg15[%get3A_171, %get3A_172] {strides = array<i32>} : memref<250x128xf32, #tpu.memory_space<vmem>>, vector<1x16xf32>,
        %get3A_174 = vector.shape_cast %get3A_173 : vector<1x16xf32> to vector<16xf32>
        %add3A_175 = arith.addf %get3A_170, %get3A_174 : vector<16xf32>
        %swap3A_176 = arith.index_cast %scan3A_69 : i32 to index
        %swap3A_177 = arith.constant 112 : index
        %swap3A_178 = tpu.vector_load %arg14[%swap3A_176, %swap3A_177] {strides = array<i32>} : memref<250x128xf32, #tpu.memory_space<vmem>>, vector<1x16xf32>,
        %swap3A_179 = vector.shape_cast %swap3A_178 : vector<1x16xf32> to vector<16xf32>
        %swap3A_180 = vector.shape_cast %add3A_175 : vector<16xf32> to vector<1x16xf32>
        tpu.vector_store %arg14[%swap3A_176, %swap3A_177], %swap3A_180 {strides = array<i32>} : memref<250x128xf32, #tpu.memory_space<vmem>>, vector<1x16xf32>,
        %scan3A_181 = arith.constant 0 : i32
        scf.yield %scan3A_181 : i32
      }
      %scan3A_67 = arith.constant 250 : i32
      "tpu.region"() ({
        %run_scoped3A_69 = tpu.sem_alloc : memref<!tpu.dma_semaphore, #tpu.memory_space<semaphore_mem>>
        %dma_start3A_70 = arith.constant 0 : i32
        %dma_start3A_71 = tpu.memref_slice %arg10[%add3A_60, %dma_start3A_70] : memref<100000x128xf32, #tpu.memory_space<hbm>> -> memref<250x128xf32, #tpu.memory_space<hbm>>
        %dma_start3A_72 = arith.constant 0 : i32
        %dma_start3A_73 = tpu.memref_slice %arg10[%add3A_60, %dma_start3A_72] : memref<100000x128xf32, #tpu.memory_space<hbm>> -> memref<250x128xf32, #tpu.memory_space<hbm>>
        tpu.enqueue_dma source(%arg14 : memref<250x128xf32, #tpu.memory_space<vmem>>) target(%dma_start3A_73 : memref<250x128xf32, #tpu.memory_space<hbm>>) target_semaphore(%run_scoped3A_69 : memref<!tpu.dma_semaphore, #tpu.memory_space<semaphore_mem>>)
        %dma_wait3A = arith.constant 0 : i32
        %dma_wait3A_74 = tpu.memref_slice %arg10[%add3A_60, %dma_wait3A] : memref<100000x128xf32, #tpu.memory_space<hbm>> -> memref<250x128xf32, #tpu.memory_space<hbm>>
        %dma_wait3A_75 = arith.constant 0 : i32
        %dma_wait3A_76 = tpu.memref_slice %arg10[%add3A_60, %dma_wait3A_75] : memref<100000x128xf32, #tpu.memory_space<hbm>> -> memref<250x128xf32, #tpu.memory_space<hbm>>
        tpu.wait_dma2 semaphore(%run_scoped3A_69 : memref<!tpu.dma_semaphore, #tpu.memory_space<semaphore_mem>>) src(%arg14 : memref<250x128xf32, #tpu.memory_space<vmem>>) dst(%dma_wait3A_76 : memref<250x128xf32, #tpu.memory_space<hbm>>)
        tpu.yield
      }) : () -> ()
      %scan3A_68 = arith.constant 0 : i32
      scf.yield %scan3A_68 : i32
    }
    %scan3A_6 = arith.constant 25 : i32
    %barrier3A = arith.constant 0 : index
    tpu.barrier barrier_id(%barrier3A)
    %mul3A_7 = arith.constant 512 : i32
    %mul3A_8 = arith.muli %arg1, %mul3A_7 : i32
    %scan3A_9 = arith.constant 0 : i32
    %scan3A_10 = arith.constant 0 : i32
    %scan3A_11 = arith.constant 4 : i32
    %scan3A_12 = arith.addi %scan3A_10, %scan3A_11 : i32
    %scan3A_13 = arith.constant 1 : i32
    %scan3A_14 = scf.for %scan3A_56 = %scan3A_10 to %scan3A_12 step %scan3A_13 iter_args(%scan3A_57 = %scan3A_9) -> (i32)  : i32 {
      %mul3A_58 = arith.constant 128 : i32
      %mul3A_59 = arith.muli %scan3A_56, %mul3A_58 : i32
      %add3A_60 = arith.addi %mul3A_8, %mul3A_59 : i32
      %run_scoped3A_61 = arith.constant 0 : i32
      "tpu.region"() ({
        %run_scoped3A_82 = tpu.sem_alloc : memref<!tpu.dma_semaphore, #tpu.memory_space<semaphore_mem>>
        %dma_start3A_83 = arith.constant 0 : i32
        %dma_start3A_84 = tpu.memref_slice %arg16[%run_scoped3A_61, %dma_start3A_83] : memref<2x128xi32, #tpu.memory_space<vmem>> -> memref<1x128xi32, #tpu.memory_space<vmem>>
        %dma_start3A_85 = tpu.memref_squeeze %dma_start3A_84 : memref<1x128xi32, #tpu.memory_space<vmem>> -> memref<128xi32, #tpu.memory_space<vmem>>
        %dma_start3A_86 = tpu.memref_slice %arg4[%add3A_60] : memref<8192xi32, #tpu.memory_space<hbm>> -> memref<128xi32, #tpu.memory_space<hbm>>
        %dma_start3A_87 = arith.constant 0 : i32
        %dma_start3A_88 = tpu.memref_slice %arg16[%run_scoped3A_61, %dma_start3A_87] : memref<2x128xi32, #tpu.memory_space<vmem>> -> memref<1x128xi32, #tpu.memory_space<vmem>>
        %dma_start3A_89 = tpu.memref_squeeze %dma_start3A_88 : memref<1x128xi32, #tpu.memory_space<vmem>> -> memref<128xi32, #tpu.memory_space<vmem>>
        %dma_start3A_90 = tpu.memref_slice %arg4[%add3A_60] : memref<8192xi32, #tpu.memory_space<hbm>> -> memref<128xi32, #tpu.memory_space<hbm>>
        tpu.enqueue_dma source(%dma_start3A_90 : memref<128xi32, #tpu.memory_space<hbm>>) target(%dma_start3A_89 : memref<128xi32, #tpu.memory_space<vmem>>) target_semaphore(%run_scoped3A_82 : memref<!tpu.dma_semaphore, #tpu.memory_space<semaphore_mem>>)
        %dma_wait3A_91 = arith.constant 0 : i32
        %dma_wait3A_92 = tpu.memref_slice %arg16[%run_scoped3A_61, %dma_wait3A_91] : memref<2x128xi32, #tpu.memory_space<vmem>> -> memref<1x128xi32, #tpu.memory_space<vmem>>
        %dma_wait3A_93 = tpu.memref_squeeze %dma_wait3A_92 : memref<1x128xi32, #tpu.memory_space<vmem>> -> memref<128xi32, #tpu.memory_space<vmem>>
        %dma_wait3A_94 = tpu.memref_slice %arg4[%add3A_60] : memref<8192xi32, #tpu.memory_space<hbm>> -> memref<128xi32, #tpu.memory_space<hbm>>
        %dma_wait3A_95 = arith.constant 0 : i32
        %dma_wait3A_96 = tpu.memref_slice %arg16[%run_scoped3A_61, %dma_wait3A_95] : memref<2x128xi32, #tpu.memory_space<vmem>> -> memref<1x128xi32, #tpu.memory_space<vmem>>
        %dma_wait3A_97 = tpu.memref_squeeze %dma_wait3A_96 : memref<1x128xi32, #tpu.memory_space<vmem>> -> memref<128xi32, #tpu.memory_space<vmem>>
        %dma_wait3A_98 = tpu.memref_slice %arg4[%add3A_60] : memref<8192xi32, #tpu.memory_space<hbm>> -> memref<128xi32, #tpu.memory_space<hbm>>
        tpu.wait_dma2 semaphore(%run_scoped3A_82 : memref<!tpu.dma_semaphore, #tpu.memory_space<semaphore_mem>>) src(%dma_wait3A_98 : memref<128xi32, #tpu.memory_space<hbm>>) dst(%dma_wait3A_97 : memref<128xi32, #tpu.memory_space<vmem>>)
        tpu.yield
      }) : () -> ()
      "tpu.region"() ({
        %run_scoped3A_82 = tpu.sem_alloc : memref<!tpu.dma_semaphore, #tpu.memory_space<semaphore_mem>>
        %dma_start3A_83 = arith.constant 0 : i32
        %dma_start3A_84 = arith.constant 0 : i32
        %dma_start3A_85 = tpu.memref_slice %arg17[%dma_start3A_83, %dma_start3A_84] : memref<256x128xf32, #tpu.memory_space<vmem>> -> memref<128x128xf32, #tpu.memory_space<vmem>>
        %dma_start3A_86 = arith.constant 0 : i32
        %dma_start3A_87 = tpu.memref_slice %arg5[%add3A_60, %dma_start3A_86] : memref<8192x128xf32, #tpu.memory_space<hbm>> -> memref<128x128xf32, #tpu.memory_space<hbm>>
        %dma_start3A_88 = arith.constant 0 : i32
        %dma_start3A_89 = arith.constant 0 : i32
        %dma_start3A_90 = tpu.memref_slice %arg17[%dma_start3A_88, %dma_start3A_89] : memref<256x128xf32, #tpu.memory_space<vmem>> -> memref<128x128xf32, #tpu.memory_space<vmem>>
        %dma_start3A_91 = arith.constant 0 : i32
        %dma_start3A_92 = tpu.memref_slice %arg5[%add3A_60, %dma_start3A_91] : memref<8192x128xf32, #tpu.memory_space<hbm>> -> memref<128x128xf32, #tpu.memory_space<hbm>>
        tpu.enqueue_dma source(%dma_start3A_92 : memref<128x128xf32, #tpu.memory_space<hbm>>) target(%dma_start3A_90 : memref<128x128xf32, #tpu.memory_space<vmem>>) target_semaphore(%run_scoped3A_82 : memref<!tpu.dma_semaphore, #tpu.memory_space<semaphore_mem>>)
        %dma_wait3A_93 = arith.constant 0 : i32
        %dma_wait3A_94 = arith.constant 0 : i32
        %dma_wait3A_95 = tpu.memref_slice %arg17[%dma_wait3A_93, %dma_wait3A_94] : memref<256x128xf32, #tpu.memory_space<vmem>> -> memref<128x128xf32, #tpu.memory_space<vmem>>
        %dma_wait3A_96 = arith.constant 0 : i32
        %dma_wait3A_97 = tpu.memref_slice %arg5[%add3A_60, %dma_wait3A_96] : memref<8192x128xf32, #tpu.memory_space<hbm>> -> memref<128x128xf32, #tpu.memory_space<hbm>>
        %dma_wait3A_98 = arith.constant 0 : i32
        %dma_wait3A_99 = arith.constant 0 : i32
        %dma_wait3A_100 = tpu.memref_slice %arg17[%dma_wait3A_98, %dma_wait3A_99] : memref<256x128xf32, #tpu.memory_space<vmem>> -> memref<128x128xf32, #tpu.memory_space<vmem>>
        %dma_wait3A_101 = arith.constant 0 : i32
        %dma_wait3A_102 = tpu.memref_slice %arg5[%add3A_60, %dma_wait3A_101] : memref<8192x128xf32, #tpu.memory_space<hbm>> -> memref<128x128xf32, #tpu.memory_space<hbm>>
        tpu.wait_dma2 semaphore(%run_scoped3A_82 : memref<!tpu.dma_semaphore, #tpu.memory_space<semaphore_mem>>) src(%dma_wait3A_102 : memref<128x128xf32, #tpu.memory_space<hbm>>) dst(%dma_wait3A_100 : memref<128x128xf32, #tpu.memory_space<vmem>>)
        tpu.yield
      }) : () -> ()
      %dma_start3A_62 = arith.constant 0 : i32
      %dma_start3A_63 = arith.constant 0 : i32
      %dma_start3A_64 = arith.constant 0 : i32
      %dma_start3A_65 = tpu.memref_slice %arg17[%dma_start3A_63, %dma_start3A_64] : memref<256x128xf32, #tpu.memory_space<vmem>> -> memref<128x128xf32, #tpu.memory_space<vmem>>
      %dma_start3A_66 = arith.constant 0 : i32
      %dma_start3A_67 = tpu.memref_slice %arg16[%dma_start3A_62, %dma_start3A_66] : memref<2x128xi32, #tpu.memory_space<vmem>> -> memref<1x128xi32, #tpu.memory_space<vmem>>
      %dma_start3A_68 = tpu.memref_squeeze %dma_start3A_67 : memref<1x128xi32, #tpu.memory_space<vmem>> -> memref<128xi32, #tpu.memory_space<vmem>>
      %dma_start3A_69 = arith.constant 0 : i32
      %dma_start3A_70 = arith.constant 0 : i32
      %dma_start3A_71 = tpu.memref_slice %arg10[%dma_start3A_69, %dma_start3A_70] : memref<100000x128xf32, #tpu.memory_space<hbm>> -> memref<100000x128xf32, #tpu.memory_space<hbm>>
      tpu.enqueue_indirect_dma source(%dma_start3A_65 : memref<128x128xf32, #tpu.memory_space<vmem>>) target(%dma_start3A_71 : memref<100000x128xf32, #tpu.memory_space<hbm>>) offsets(%dma_start3A_68 : memref<128xi32, #tpu.memory_space<vmem>>) semaphore(%arg20 : memref<!tpu.dma_semaphore, #tpu.memory_space<semaphore_mem>>)
      %dma_wait3A = arith.constant 0 : i32
      %dma_wait3A_72 = arith.constant 0 : i32
      %dma_wait3A_73 = arith.constant 0 : i32
      %dma_wait3A_74 = tpu.memref_slice %arg17[%dma_wait3A_72, %dma_wait3A_73] : memref<256x128xf32, #tpu.memory_space<vmem>> -> memref<128x128xf32, #tpu.memory_space<vmem>>
      %dma_wait3A_75 = arith.constant 0 : i32
      %dma_wait3A_76 = tpu.memref_slice %arg16[%dma_wait3A, %dma_wait3A_75] : memref<2x128xi32, #tpu.memory_space<vmem>> -> memref<1x128xi32, #tpu.memory_space<vmem>>
      %dma_wait3A_77 = tpu.memref_squeeze %dma_wait3A_76 : memref<1x128xi32, #tpu.memory_space<vmem>> -> memref<128xi32, #tpu.memory_space<vmem>>
      %dma_wait3A_78 = arith.constant 0 : i32
      %dma_wait3A_79 = arith.constant 0 : i32
      %dma_wait3A_80 = tpu.memref_slice %arg10[%dma_wait3A_78, %dma_wait3A_79] : memref<100000x128xf32, #tpu.memory_space<hbm>> -> memref<100000x128xf32, #tpu.memory_space<hbm>>
      tpu.wait_indirect_dma semaphore(%arg20 : memref<!tpu.dma_semaphore, #tpu.memory_space<semaphore_mem>>) src(%dma_wait3A_74 : memref<128x128xf32, #tpu.memory_space<vmem>>) dst(%dma_wait3A_80 : memref<100000x128xf32, #tpu.memory_space<hbm>>)
      %scan3A_81 = arith.constant 0 : i32
      scf.yield %scan3A_81 : i32
    }
    %scan3A_15 = arith.constant 4 : i32
    %barrier3A_16 = arith.constant 0 : index
    tpu.barrier barrier_id(%barrier3A_16)
    %mul3A_17 = arith.constant 768 : i32
    %mul3A_18 = arith.muli %arg1, %mul3A_17 : i32
    %scan3A_19 = arith.constant 0 : i32
    %scan3A_20 = arith.constant 0 : i32
    %scan3A_21 = arith.constant 6 : i32
    %scan3A_22 = arith.addi %scan3A_20, %scan3A_21 : i32
    %scan3A_23 = arith.constant 1 : i32
    %scan3A_24 = scf.for %scan3A_56 = %scan3A_20 to %scan3A_22 step %scan3A_23 iter_args(%scan3A_57 = %scan3A_19) -> (i32)  : i32 {
      %mul3A_58 = arith.constant 128 : i32
      %mul3A_59 = arith.muli %scan3A_56, %mul3A_58 : i32
      %add3A_60 = arith.addi %mul3A_18, %mul3A_59 : i32
      %run_scoped3A_61 = arith.constant 0 : i32
      "tpu.region"() ({
        %run_scoped3A_82 = tpu.sem_alloc : memref<!tpu.dma_semaphore, #tpu.memory_space<semaphore_mem>>
        %dma_start3A_83 = arith.constant 0 : i32
        %dma_start3A_84 = tpu.memref_slice %arg16[%run_scoped3A_61, %dma_start3A_83] : memref<2x128xi32, #tpu.memory_space<vmem>> -> memref<1x128xi32, #tpu.memory_space<vmem>>
        %dma_start3A_85 = tpu.memref_squeeze %dma_start3A_84 : memref<1x128xi32, #tpu.memory_space<vmem>> -> memref<128xi32, #tpu.memory_space<vmem>>
        %dma_start3A_86 = tpu.memref_slice %arg7[%add3A_60] : memref<12288xi32, #tpu.memory_space<hbm>> -> memref<128xi32, #tpu.memory_space<hbm>>
        %dma_start3A_87 = arith.constant 0 : i32
        %dma_start3A_88 = tpu.memref_slice %arg16[%run_scoped3A_61, %dma_start3A_87] : memref<2x128xi32, #tpu.memory_space<vmem>> -> memref<1x128xi32, #tpu.memory_space<vmem>>
        %dma_start3A_89 = tpu.memref_squeeze %dma_start3A_88 : memref<1x128xi32, #tpu.memory_space<vmem>> -> memref<128xi32, #tpu.memory_space<vmem>>
        %dma_start3A_90 = tpu.memref_slice %arg7[%add3A_60] : memref<12288xi32, #tpu.memory_space<hbm>> -> memref<128xi32, #tpu.memory_space<hbm>>
        tpu.enqueue_dma source(%dma_start3A_90 : memref<128xi32, #tpu.memory_space<hbm>>) target(%dma_start3A_89 : memref<128xi32, #tpu.memory_space<vmem>>) target_semaphore(%run_scoped3A_82 : memref<!tpu.dma_semaphore, #tpu.memory_space<semaphore_mem>>)
        %dma_wait3A_91 = arith.constant 0 : i32
        %dma_wait3A_92 = tpu.memref_slice %arg16[%run_scoped3A_61, %dma_wait3A_91] : memref<2x128xi32, #tpu.memory_space<vmem>> -> memref<1x128xi32, #tpu.memory_space<vmem>>
        %dma_wait3A_93 = tpu.memref_squeeze %dma_wait3A_92 : memref<1x128xi32, #tpu.memory_space<vmem>> -> memref<128xi32, #tpu.memory_space<vmem>>
        %dma_wait3A_94 = tpu.memref_slice %arg7[%add3A_60] : memref<12288xi32, #tpu.memory_space<hbm>> -> memref<128xi32, #tpu.memory_space<hbm>>
        %dma_wait3A_95 = arith.constant 0 : i32
        %dma_wait3A_96 = tpu.memref_slice %arg16[%run_scoped3A_61, %dma_wait3A_95] : memref<2x128xi32, #tpu.memory_space<vmem>> -> memref<1x128xi32, #tpu.memory_space<vmem>>
        %dma_wait3A_97 = tpu.memref_squeeze %dma_wait3A_96 : memref<1x128xi32, #tpu.memory_space<vmem>> -> memref<128xi32, #tpu.memory_space<vmem>>
        %dma_wait3A_98 = tpu.memref_slice %arg7[%add3A_60] : memref<12288xi32, #tpu.memory_space<hbm>> -> memref<128xi32, #tpu.memory_space<hbm>>
        tpu.wait_dma2 semaphore(%run_scoped3A_82 : memref<!tpu.dma_semaphore, #tpu.memory_space<semaphore_mem>>) src(%dma_wait3A_98 : memref<128xi32, #tpu.memory_space<hbm>>) dst(%dma_wait3A_97 : memref<128xi32, #tpu.memory_space<vmem>>)
        tpu.yield
      }) : () -> ()
      %dma_start3A_62 = arith.constant 0 : i32
      %dma_start3A_63 = arith.constant 0 : i32
      %dma_start3A_64 = arith.constant 0 : i32
      %dma_start3A_65 = tpu.memref_slice %arg17[%dma_start3A_63, %dma_start3A_64] : memref<256x128xf32, #tpu.memory_space<vmem>> -> memref<128x128xf32, #tpu.memory_space<vmem>>
      %dma_start3A_66 = arith.constant 0 : i32
      %dma_start3A_67 = tpu.memref_slice %arg16[%dma_start3A_62, %dma_start3A_66] : memref<2x128xi32, #tpu.memory_space<vmem>> -> memref<1x128xi32, #tpu.memory_space<vmem>>
      %dma_start3A_68 = tpu.memref_squeeze %dma_start3A_67 : memref<1x128xi32, #tpu.memory_space<vmem>> -> memref<128xi32, #tpu.memory_space<vmem>>
      %dma_start3A_69 = arith.constant 0 : i32
      %dma_start3A_70 = arith.constant 0 : i32
      %dma_start3A_71 = tpu.memref_slice %arg10[%dma_start3A_69, %dma_start3A_70] : memref<100000x128xf32, #tpu.memory_space<hbm>> -> memref<100000x128xf32, #tpu.memory_space<hbm>>
      tpu.enqueue_indirect_dma source(%dma_start3A_71 : memref<100000x128xf32, #tpu.memory_space<hbm>>) target(%dma_start3A_65 : memref<128x128xf32, #tpu.memory_space<vmem>>) offsets(%dma_start3A_68 : memref<128xi32, #tpu.memory_space<vmem>>) semaphore(%arg20 : memref<!tpu.dma_semaphore, #tpu.memory_space<semaphore_mem>>)
      %dma_wait3A = arith.constant 0 : i32
      %dma_wait3A_72 = arith.constant 0 : i32
      %dma_wait3A_73 = arith.constant 0 : i32
      %dma_wait3A_74 = tpu.memref_slice %arg17[%dma_wait3A_72, %dma_wait3A_73] : memref<256x128xf32, #tpu.memory_space<vmem>> -> memref<128x128xf32, #tpu.memory_space<vmem>>
      %dma_wait3A_75 = arith.constant 0 : i32
      %dma_wait3A_76 = tpu.memref_slice %arg16[%dma_wait3A, %dma_wait3A_75] : memref<2x128xi32, #tpu.memory_space<vmem>> -> memref<1x128xi32, #tpu.memory_space<vmem>>
      %dma_wait3A_77 = tpu.memref_squeeze %dma_wait3A_76 : memref<1x128xi32, #tpu.memory_space<vmem>> -> memref<128xi32, #tpu.memory_space<vmem>>
      %dma_wait3A_78 = arith.constant 0 : i32
      %dma_wait3A_79 = arith.constant 0 : i32
      %dma_wait3A_80 = tpu.memref_slice %arg10[%dma_wait3A_78, %dma_wait3A_79] : memref<100000x128xf32, #tpu.memory_space<hbm>> -> memref<100000x128xf32, #tpu.memory_space<hbm>>
      tpu.wait_indirect_dma semaphore(%arg20 : memref<!tpu.dma_semaphore, #tpu.memory_space<semaphore_mem>>) src(%dma_wait3A_80 : memref<100000x128xf32, #tpu.memory_space<hbm>>) dst(%dma_wait3A_74 : memref<128x128xf32, #tpu.memory_space<vmem>>)
      "tpu.region"() ({
        %run_scoped3A_82 = tpu.sem_alloc : memref<!tpu.dma_semaphore, #tpu.memory_space<semaphore_mem>>
        %dma_start3A_83 = arith.constant 0 : i32
        %dma_start3A_84 = arith.constant 0 : i32
        %dma_start3A_85 = tpu.memref_slice %arg17[%dma_start3A_83, %dma_start3A_84] : memref<256x128xf32, #tpu.memory_space<vmem>> -> memref<128x128xf32, #tpu.memory_space<vmem>>
        %dma_start3A_86 = arith.constant 0 : i32
        %dma_start3A_87 = tpu.memref_slice %arg11[%add3A_60, %dma_start3A_86] : memref<12288x128xf32, #tpu.memory_space<hbm>> -> memref<128x128xf32, #tpu.memory_space<hbm>>
        %dma_start3A_88 = arith.constant 0 : i32
        %dma_start3A_89 = tpu.memref_slice %arg11[%add3A_60, %dma_start3A_88] : memref<12288x128xf32, #tpu.memory_space<hbm>> -> memref<128x128xf32, #tpu.memory_space<hbm>>
        %dma_start3A_90 = arith.constant 0 : i32
        %dma_start3A_91 = arith.constant 0 : i32
        %dma_start3A_92 = tpu.memref_slice %arg17[%dma_start3A_90, %dma_start3A_91] : memref<256x128xf32, #tpu.memory_space<vmem>> -> memref<128x128xf32, #tpu.memory_space<vmem>>
        tpu.enqueue_dma source(%dma_start3A_92 : memref<128x128xf32, #tpu.memory_space<vmem>>) target(%dma_start3A_89 : memref<128x128xf32, #tpu.memory_space<hbm>>) target_semaphore(%run_scoped3A_82 : memref<!tpu.dma_semaphore, #tpu.memory_space<semaphore_mem>>)
        %dma_wait3A_93 = arith.constant 0 : i32
        %dma_wait3A_94 = arith.constant 0 : i32
        %dma_wait3A_95 = tpu.memref_slice %arg17[%dma_wait3A_93, %dma_wait3A_94] : memref<256x128xf32, #tpu.memory_space<vmem>> -> memref<128x128xf32, #tpu.memory_space<vmem>>
        %dma_wait3A_96 = arith.constant 0 : i32
        %dma_wait3A_97 = tpu.memref_slice %arg11[%add3A_60, %dma_wait3A_96] : memref<12288x128xf32, #tpu.memory_space<hbm>> -> memref<128x128xf32, #tpu.memory_space<hbm>>
        %dma_wait3A_98 = arith.constant 0 : i32
        %dma_wait3A_99 = tpu.memref_slice %arg11[%add3A_60, %dma_wait3A_98] : memref<12288x128xf32, #tpu.memory_space<hbm>> -> memref<128x128xf32, #tpu.memory_space<hbm>>
        %dma_wait3A_100 = arith.constant 0 : i32
        %dma_wait3A_101 = arith.constant 0 : i32
        %dma_wait3A_102 = tpu.memref_slice %arg17[%dma_wait3A_100, %dma_wait3A_101] : memref<256x128xf32, #tpu.memory_space<vmem>> -> memref<128x128xf32, #tpu.memory_space<vmem>>
        tpu.wait_dma2 semaphore(%run_scoped3A_82 : memref<!tpu.dma_semaphore, #tpu.memory_space<semaphore_mem>>) src(%dma_wait3A_102 : memref<128x128xf32, #tpu.memory_space<vmem>>) dst(%dma_wait3A_99 : memref<128x128xf32, #tpu.memory_space<hbm>>)
        tpu.yield
      }) : () -> ()
      %scan3A_81 = arith.constant 0 : i32
      scf.yield %scan3A_81 : i32
    }
    %scan3A_25 = arith.constant 6 : i32
    %mul3A_26 = arith.constant 15360 : i32
    %mul3A_27 = arith.muli %arg1, %mul3A_26 : i32
    %add3A = arith.constant 0 : i32
    %add3A_28 = arith.addi %mul3A_27, %add3A : i32
    %run_scoped3A = arith.constant 0 : i32
    "tpu.region"() ({
      %run_scoped3A_56 = tpu.sem_alloc : memref<!tpu.dma_semaphore, #tpu.memory_space<semaphore_mem>>
      %dma_start3A_57 = arith.constant 0 : i32
      %dma_start3A_58 = tpu.memref_slice %arg16[%run_scoped3A, %dma_start3A_57] : memref<2x128xi32, #tpu.memory_space<vmem>> -> memref<1x128xi32, #tpu.memory_space<vmem>>
      %dma_start3A_59 = tpu.memref_squeeze %dma_start3A_58 : memref<1x128xi32, #tpu.memory_space<vmem>> -> memref<128xi32, #tpu.memory_space<vmem>>
      %dma_start3A_60 = tpu.memref_slice %arg8[%add3A_28] : memref<245760xi32, #tpu.memory_space<hbm>> -> memref<128xi32, #tpu.memory_space<hbm>>
      %dma_start3A_61 = arith.constant 0 : i32
      %dma_start3A_62 = tpu.memref_slice %arg16[%run_scoped3A, %dma_start3A_61] : memref<2x128xi32, #tpu.memory_space<vmem>> -> memref<1x128xi32, #tpu.memory_space<vmem>>
      %dma_start3A_63 = tpu.memref_squeeze %dma_start3A_62 : memref<1x128xi32, #tpu.memory_space<vmem>> -> memref<128xi32, #tpu.memory_space<vmem>>
      %dma_start3A_64 = tpu.memref_slice %arg8[%add3A_28] : memref<245760xi32, #tpu.memory_space<hbm>> -> memref<128xi32, #tpu.memory_space<hbm>>
      tpu.enqueue_dma source(%dma_start3A_64 : memref<128xi32, #tpu.memory_space<hbm>>) target(%dma_start3A_63 : memref<128xi32, #tpu.memory_space<vmem>>) target_semaphore(%run_scoped3A_56 : memref<!tpu.dma_semaphore, #tpu.memory_space<semaphore_mem>>)
      %dma_wait3A = arith.constant 0 : i32
      %dma_wait3A_65 = tpu.memref_slice %arg16[%run_scoped3A, %dma_wait3A] : memref<2x128xi32, #tpu.memory_space<vmem>> -> memref<1x128xi32, #tpu.memory_space<vmem>>
      %dma_wait3A_66 = tpu.memref_squeeze %dma_wait3A_65 : memref<1x128xi32, #tpu.memory_space<vmem>> -> memref<128xi32, #tpu.memory_space<vmem>>
      %dma_wait3A_67 = tpu.memref_slice %arg8[%add3A_28] : memref<245760xi32, #tpu.memory_space<hbm>> -> memref<128xi32, #tpu.memory_space<hbm>>
      %dma_wait3A_68 = arith.constant 0 : i32
      %dma_wait3A_69 = tpu.memref_slice %arg16[%run_scoped3A, %dma_wait3A_68] : memref<2x128xi32, #tpu.memory_space<vmem>> -> memref<1x128xi32, #tpu.memory_space<vmem>>
      %dma_wait3A_70 = tpu.memref_squeeze %dma_wait3A_69 : memref<1x128xi32, #tpu.memory_space<vmem>> -> memref<128xi32, #tpu.memory_space<vmem>>
      %dma_wait3A_71 = tpu.memref_slice %arg8[%add3A_28] : memref<245760xi32, #tpu.memory_space<hbm>> -> memref<128xi32, #tpu.memory_space<hbm>>
      tpu.wait_dma2 semaphore(%run_scoped3A_56 : memref<!tpu.dma_semaphore, #tpu.memory_space<semaphore_mem>>) src(%dma_wait3A_71 : memref<128xi32, #tpu.memory_space<hbm>>) dst(%dma_wait3A_70 : memref<128xi32, #tpu.memory_space<vmem>>)
      tpu.yield
    }) : () -> ()
    %run_scoped3A_29 = arith.constant 0 : i32
    "tpu.region"() ({
      %run_scoped3A_56 = tpu.sem_alloc : memref<!tpu.dma_semaphore, #tpu.memory_space<semaphore_mem>>
      %dma_start3A_57 = arith.constant 0 : i32
      %dma_start3A_58 = tpu.memref_slice %arg18[%run_scoped3A_29, %dma_start3A_57] : memref<2x128xi32, #tpu.memory_space<vmem>> -> memref<1x128xi32, #tpu.memory_space<vmem>>
      %dma_start3A_59 = tpu.memref_squeeze %dma_start3A_58 : memref<1x128xi32, #tpu.memory_space<vmem>> -> memref<128xi32, #tpu.memory_space<vmem>>
      %dma_start3A_60 = tpu.memref_slice %arg9[%add3A_28] : memref<245760xi32, #tpu.memory_space<hbm>> -> memref<128xi32, #tpu.memory_space<hbm>>
      %dma_start3A_61 = arith.constant 0 : i32
      %dma_start3A_62 = tpu.memref_slice %arg18[%run_scoped3A_29, %dma_start3A_61] : memref<2x128xi32, #tpu.memory_space<vmem>> -> memref<1x128xi32, #tpu.memory_space<vmem>>
      %dma_start3A_63 = tpu.memref_squeeze %dma_start3A_62 : memref<1x128xi32, #tpu.memory_space<vmem>> -> memref<128xi32, #tpu.memory_space<vmem>>
      %dma_start3A_64 = tpu.memref_slice %arg9[%add3A_28] : memref<245760xi32, #tpu.memory_space<hbm>> -> memref<128xi32, #tpu.memory_space<hbm>>
      tpu.enqueue_dma source(%dma_start3A_64 : memref<128xi32, #tpu.memory_space<hbm>>) target(%dma_start3A_63 : memref<128xi32, #tpu.memory_space<vmem>>) target_semaphore(%run_scoped3A_56 : memref<!tpu.dma_semaphore, #tpu.memory_space<semaphore_mem>>)
      %dma_wait3A = arith.constant 0 : i32
      %dma_wait3A_65 = tpu.memref_slice %arg18[%run_scoped3A_29, %dma_wait3A] : memref<2x128xi32, #tpu.memory_space<vmem>> -> memref<1x128xi32, #tpu.memory_space<vmem>>
      %dma_wait3A_66 = tpu.memref_squeeze %dma_wait3A_65 : memref<1x128xi32, #tpu.memory_space<vmem>> -> memref<128xi32, #tpu.memory_space<vmem>>
      %dma_wait3A_67 = tpu.memref_slice %arg9[%add3A_28] : memref<245760xi32, #tpu.memory_space<hbm>> -> memref<128xi32, #tpu.memory_space<hbm>>
      %dma_wait3A_68 = arith.constant 0 : i32
      %dma_wait3A_69 = tpu.memref_slice %arg18[%run_scoped3A_29, %dma_wait3A_68] : memref<2x128xi32, #tpu.memory_space<vmem>> -> memref<1x128xi32, #tpu.memory_space<vmem>>
      %dma_wait3A_70 = tpu.memref_squeeze %dma_wait3A_69 : memref<1x128xi32, #tpu.memory_space<vmem>> -> memref<128xi32, #tpu.memory_space<vmem>>
      %dma_wait3A_71 = tpu.memref_slice %arg9[%add3A_28] : memref<245760xi32, #tpu.memory_space<hbm>> -> memref<128xi32, #tpu.memory_space<hbm>>
      tpu.wait_dma2 semaphore(%run_scoped3A_56 : memref<!tpu.dma_semaphore, #tpu.memory_space<semaphore_mem>>) src(%dma_wait3A_71 : memref<128xi32, #tpu.memory_space<hbm>>) dst(%dma_wait3A_70 : memref<128xi32, #tpu.memory_space<vmem>>)
      tpu.yield
    }) : () -> ()
    %dma_start3A = arith.constant 0 : i32
    %dma_start3A_30 = arith.constant 0 : i32
    %dma_start3A_31 = arith.constant 0 : i32
    %dma_start3A_32 = tpu.memref_slice %arg17[%dma_start3A_30, %dma_start3A_31] : memref<256x128xf32, #tpu.memory_space<vmem>> -> memref<128x128xf32, #tpu.memory_space<vmem>>
    %dma_start3A_33 = arith.constant 0 : i32
    %dma_start3A_34 = tpu.memref_slice %arg16[%dma_start3A, %dma_start3A_33] : memref<2x128xi32, #tpu.memory_space<vmem>> -> memref<1x128xi32, #tpu.memory_space<vmem>>
    %dma_start3A_35 = tpu.memref_squeeze %dma_start3A_34 : memref<1x128xi32, #tpu.memory_space<vmem>> -> memref<128xi32, #tpu.memory_space<vmem>>
    %dma_start3A_36 = arith.constant 0 : i32
    %dma_start3A_37 = arith.constant 0 : i32
    %dma_start3A_38 = tpu.memref_slice %arg10[%dma_start3A_36, %dma_start3A_37] : memref<100000x128xf32, #tpu.memory_space<hbm>> -> memref<100000x128xf32, #tpu.memory_space<hbm>>
    tpu.enqueue_indirect_dma source(%dma_start3A_38 : memref<100000x128xf32, #tpu.memory_space<hbm>>) target(%dma_start3A_32 : memref<128x128xf32, #tpu.memory_space<vmem>>) offsets(%dma_start3A_35 : memref<128xi32, #tpu.memory_space<vmem>>) semaphore(%arg21 : memref<!tpu.dma_semaphore, #tpu.memory_space<semaphore_mem>>)
    %dma_start3A_39 = arith.constant 0 : i32
    %dma_start3A_40 = arith.constant 0 : i32
    %dma_start3A_41 = arith.constant 0 : i32
    %dma_start3A_42 = tpu.memref_slice %arg19[%dma_start3A_40, %dma_start3A_41] : memref<256x16xf32, #tpu.memory_space<vmem>> -> memref<128x16xf32, #tpu.memory_space<vmem>>
    %dma_start3A_43 = arith.constant 0 : i32
    %dma_start3A_44 = tpu.memref_slice %arg18[%dma_start3A_39, %dma_start3A_43] : memref<2x128xi32, #tpu.memory_space<vmem>> -> memref<1x128xi32, #tpu.memory_space<vmem>>
    %dma_start3A_45 = tpu.memref_squeeze %dma_start3A_44 : memref<1x128xi32, #tpu.memory_space<vmem>> -> memref<128xi32, #tpu.memory_space<vmem>>
    %dma_start3A_46 = arith.constant 0 : i32
    %dma_start3A_47 = arith.constant 0 : i32
    %dma_start3A_48 = tpu.memref_slice %arg6[%dma_start3A_46, %dma_start3A_47] : memref<1600000x16xf32, #tpu.memory_space<hbm>> -> memref<1600000x16xf32, #tpu.memory_space<hbm>>
    tpu.enqueue_indirect_dma source(%dma_start3A_48 : memref<1600000x16xf32, #tpu.memory_space<hbm>>) target(%dma_start3A_42 : memref<128x16xf32, #tpu.memory_space<vmem>>) offsets(%dma_start3A_45 : memref<128xi32, #tpu.memory_space<vmem>>) semaphore(%arg21 : memref<!tpu.dma_semaphore, #tpu.memory_space<semaphore_mem>>)
    %scan3A_49 = arith.constant 0 : i32
    %scan3A_50 = arith.constant 0 : i32
    %scan3A_51 = arith.constant 60 : i32
    %scan3A_52 = arith.addi %scan3A_50, %scan3A_51 : i32
    %scan3A_53 = arith.constant 1 : i32
    %scan3A_54 = scf.for %scan3A_56 = %scan3A_50 to %scan3A_52 step %scan3A_53 iter_args(%scan3A_57 = %scan3A_49) -> (i32)  : i32 {
      %mul3A_58 = arith.constant 2 : i32
      %mul3A_59 = arith.muli %mul3A_58, %scan3A_56 : i32
      %add3A_60 = arith.constant 1 : i32
      %add3A_61 = arith.addi %mul3A_59, %add3A_60 : i32
      %mul3A_62 = arith.constant 128 : i32
      %mul3A_63 = arith.muli %add3A_61, %mul3A_62 : i32
      %add3A_64 = arith.addi %mul3A_27, %mul3A_63 : i32
      %run_scoped3A_65 = arith.constant 1 : i32
      "tpu.region"() ({
        %run_scoped3A_141 = tpu.sem_alloc : memref<!tpu.dma_semaphore, #tpu.memory_space<semaphore_mem>>
        %dma_start3A_142 = arith.constant 0 : i32
        %dma_start3A_143 = tpu.memref_slice %arg16[%run_scoped3A_65, %dma_start3A_142] : memref<2x128xi32, #tpu.memory_space<vmem>> -> memref<1x128xi32, #tpu.memory_space<vmem>>
        %dma_start3A_144 = tpu.memref_squeeze %dma_start3A_143 : memref<1x128xi32, #tpu.memory_space<vmem>> -> memref<128xi32, #tpu.memory_space<vmem>>
        %dma_start3A_145 = tpu.memref_slice %arg8[%add3A_64] : memref<245760xi32, #tpu.memory_space<hbm>> -> memref<128xi32, #tpu.memory_space<hbm>>
        %dma_start3A_146 = arith.constant 0 : i32
        %dma_start3A_147 = tpu.memref_slice %arg16[%run_scoped3A_65, %dma_start3A_146] : memref<2x128xi32, #tpu.memory_space<vmem>> -> memref<1x128xi32, #tpu.memory_space<vmem>>
        %dma_start3A_148 = tpu.memref_squeeze %dma_start3A_147 : memref<1x128xi32, #tpu.memory_space<vmem>> -> memref<128xi32, #tpu.memory_space<vmem>>
        %dma_start3A_149 = tpu.memref_slice %arg8[%add3A_64] : memref<245760xi32, #tpu.memory_space<hbm>> -> memref<128xi32, #tpu.memory_space<hbm>>
        tpu.enqueue_dma source(%dma_start3A_149 : memref<128xi32, #tpu.memory_space<hbm>>) target(%dma_start3A_148 : memref<128xi32, #tpu.memory_space<vmem>>) target_semaphore(%run_scoped3A_141 : memref<!tpu.dma_semaphore, #tpu.memory_space<semaphore_mem>>)
        %dma_wait3A_150 = arith.constant 0 : i32
        %dma_wait3A_151 = tpu.memref_slice %arg16[%run_scoped3A_65, %dma_wait3A_150] : memref<2x128xi32, #tpu.memory_space<vmem>> -> memref<1x128xi32, #tpu.memory_space<vmem>>
        %dma_wait3A_152 = tpu.memref_squeeze %dma_wait3A_151 : memref<1x128xi32, #tpu.memory_space<vmem>> -> memref<128xi32, #tpu.memory_space<vmem>>
        %dma_wait3A_153 = tpu.memref_slice %arg8[%add3A_64] : memref<245760xi32, #tpu.memory_space<hbm>> -> memref<128xi32, #tpu.memory_space<hbm>>
        %dma_wait3A_154 = arith.constant 0 : i32
        %dma_wait3A_155 = tpu.memref_slice %arg16[%run_scoped3A_65, %dma_wait3A_154] : memref<2x128xi32, #tpu.memory_space<vmem>> -> memref<1x128xi32, #tpu.memory_space<vmem>>
        %dma_wait3A_156 = tpu.memref_squeeze %dma_wait3A_155 : memref<1x128xi32, #tpu.memory_space<vmem>> -> memref<128xi32, #tpu.memory_space<vmem>>
        %dma_wait3A_157 = tpu.memref_slice %arg8[%add3A_64] : memref<245760xi32, #tpu.memory_space<hbm>> -> memref<128xi32, #tpu.memory_space<hbm>>
        tpu.wait_dma2 semaphore(%run_scoped3A_141 : memref<!tpu.dma_semaphore, #tpu.memory_space<semaphore_mem>>) src(%dma_wait3A_157 : memref<128xi32, #tpu.memory_space<hbm>>) dst(%dma_wait3A_156 : memref<128xi32, #tpu.memory_space<vmem>>)
        tpu.yield
      }) : () -> ()
      %run_scoped3A_66 = arith.constant 1 : i32
      "tpu.region"() ({
        %run_scoped3A_141 = tpu.sem_alloc : memref<!tpu.dma_semaphore, #tpu.memory_space<semaphore_mem>>
        %dma_start3A_142 = arith.constant 0 : i32
        %dma_start3A_143 = tpu.memref_slice %arg18[%run_scoped3A_66, %dma_start3A_142] : memref<2x128xi32, #tpu.memory_space<vmem>> -> memref<1x128xi32, #tpu.memory_space<vmem>>
        %dma_start3A_144 = tpu.memref_squeeze %dma_start3A_143 : memref<1x128xi32, #tpu.memory_space<vmem>> -> memref<128xi32, #tpu.memory_space<vmem>>
        %dma_start3A_145 = tpu.memref_slice %arg9[%add3A_64] : memref<245760xi32, #tpu.memory_space<hbm>> -> memref<128xi32, #tpu.memory_space<hbm>>
        %dma_start3A_146 = arith.constant 0 : i32
        %dma_start3A_147 = tpu.memref_slice %arg18[%run_scoped3A_66, %dma_start3A_146] : memref<2x128xi32, #tpu.memory_space<vmem>> -> memref<1x128xi32, #tpu.memory_space<vmem>>
        %dma_start3A_148 = tpu.memref_squeeze %dma_start3A_147 : memref<1x128xi32, #tpu.memory_space<vmem>> -> memref<128xi32, #tpu.memory_space<vmem>>
        %dma_start3A_149 = tpu.memref_slice %arg9[%add3A_64] : memref<245760xi32, #tpu.memory_space<hbm>> -> memref<128xi32, #tpu.memory_space<hbm>>
        tpu.enqueue_dma source(%dma_start3A_149 : memref<128xi32, #tpu.memory_space<hbm>>) target(%dma_start3A_148 : memref<128xi32, #tpu.memory_space<vmem>>) target_semaphore(%run_scoped3A_141 : memref<!tpu.dma_semaphore, #tpu.memory_space<semaphore_mem>>)
        %dma_wait3A_150 = arith.constant 0 : i32
        %dma_wait3A_151 = tpu.memref_slice %arg18[%run_scoped3A_66, %dma_wait3A_150] : memref<2x128xi32, #tpu.memory_space<vmem>> -> memref<1x128xi32, #tpu.memory_space<vmem>>
        %dma_wait3A_152 = tpu.memref_squeeze %dma_wait3A_151 : memref<1x128xi32, #tpu.memory_space<vmem>> -> memref<128xi32, #tpu.memory_space<vmem>>
        %dma_wait3A_153 = tpu.memref_slice %arg9[%add3A_64] : memref<245760xi32, #tpu.memory_space<hbm>> -> memref<128xi32, #tpu.memory_space<hbm>>
        %dma_wait3A_154 = arith.constant 0 : i32
        %dma_wait3A_155 = tpu.memref_slice %arg18[%run_scoped3A_66, %dma_wait3A_154] : memref<2x128xi32, #tpu.memory_space<vmem>> -> memref<1x128xi32, #tpu.memory_space<vmem>>
        %dma_wait3A_156 = tpu.memref_squeeze %dma_wait3A_155 : memref<1x128xi32, #tpu.memory_space<vmem>> -> memref<128xi32, #tpu.memory_space<vmem>>
        %dma_wait3A_157 = tpu.memref_slice %arg9[%add3A_64] : memref<245760xi32, #tpu.memory_space<hbm>> -> memref<128xi32, #tpu.memory_space<hbm>>
        tpu.wait_dma2 semaphore(%run_scoped3A_141 : memref<!tpu.dma_semaphore, #tpu.memory_space<semaphore_mem>>) src(%dma_wait3A_157 : memref<128xi32, #tpu.memory_space<hbm>>) dst(%dma_wait3A_156 : memref<128xi32, #tpu.memory_space<vmem>>)
        tpu.yield
      }) : () -> ()
      %dma_start3A_67 = arith.constant 1 : i32
      %dma_start3A_68 = arith.constant 128 : i32
      %dma_start3A_69 = arith.constant 0 : i32
      %dma_start3A_70 = tpu.memref_slice %arg17[%dma_start3A_68, %dma_start3A_69] : memref<256x128xf32, #tpu.memory_space<vmem>> -> memref<128x128xf32, #tpu.memory_space<vmem>>
      %dma_start3A_71 = arith.constant 0 : i32
      %dma_start3A_72 = tpu.memref_slice %arg16[%dma_start3A_67, %dma_start3A_71] : memref<2x128xi32, #tpu.memory_space<vmem>> -> memref<1x128xi32, #tpu.memory_space<vmem>>
      %dma_start3A_73 = tpu.memref_squeeze %dma_start3A_72 : memref<1x128xi32, #tpu.memory_space<vmem>> -> memref<128xi32, #tpu.memory_space<vmem>>
      %dma_start3A_74 = arith.constant 0 : i32
      %dma_start3A_75 = arith.constant 0 : i32
      %dma_start3A_76 = tpu.memref_slice %arg10[%dma_start3A_74, %dma_start3A_75] : memref<100000x128xf32, #tpu.memory_space<hbm>> -> memref<100000x128xf32, #tpu.memory_space<hbm>>
      tpu.enqueue_indirect_dma source(%dma_start3A_76 : memref<100000x128xf32, #tpu.memory_space<hbm>>) target(%dma_start3A_70 : memref<128x128xf32, #tpu.memory_space<vmem>>) offsets(%dma_start3A_73 : memref<128xi32, #tpu.memory_space<vmem>>) semaphore(%arg22 : memref<!tpu.dma_semaphore, #tpu.memory_space<semaphore_mem>>)
      %dma_start3A_77 = arith.constant 1 : i32
      %dma_start3A_78 = arith.constant 128 : i32
      %dma_start3A_79 = arith.constant 0 : i32
      %dma_start3A_80 = tpu.memref_slice %arg19[%dma_start3A_78, %dma_start3A_79] : memref<256x16xf32, #tpu.memory_space<vmem>> -> memref<128x16xf32, #tpu.memory_space<vmem>>
      %dma_start3A_81 = arith.constant 0 : i32
      %dma_start3A_82 = tpu.memref_slice %arg18[%dma_start3A_77, %dma_start3A_81] : memref<2x128xi32, #tpu.memory_space<vmem>> -> memref<1x128xi32, #tpu.memory_space<vmem>>
      %dma_start3A_83 = tpu.memref_squeeze %dma_start3A_82 : memref<1x128xi32, #tpu.memory_space<vmem>> -> memref<128xi32, #tpu.memory_space<vmem>>
      %dma_start3A_84 = arith.constant 0 : i32
      %dma_start3A_85 = arith.constant 0 : i32
      %dma_start3A_86 = tpu.memref_slice %arg6[%dma_start3A_84, %dma_start3A_85] : memref<1600000x16xf32, #tpu.memory_space<hbm>> -> memref<1600000x16xf32, #tpu.memory_space<hbm>>
      tpu.enqueue_indirect_dma source(%dma_start3A_86 : memref<1600000x16xf32, #tpu.memory_space<hbm>>) target(%dma_start3A_80 : memref<128x16xf32, #tpu.memory_space<vmem>>) offsets(%dma_start3A_83 : memref<128xi32, #tpu.memory_space<vmem>>) semaphore(%arg22 : memref<!tpu.dma_semaphore, #tpu.memory_space<semaphore_mem>>)
      %mul3A_87 = arith.constant 2 : i32
      %mul3A_88 = arith.muli %mul3A_87, %scan3A_56 : i32
      %mul3A_89 = arith.constant 128 : i32
      %mul3A_90 = arith.muli %mul3A_88, %mul3A_89 : i32
      %add3A_91 = arith.addi %mul3A_27, %mul3A_90 : i32
      %dma_wait3A = arith.constant 0 : i32
      %dma_wait3A_92 = arith.constant 0 : i32
      %dma_wait3A_93 = arith.constant 0 : i32
      %dma_wait3A_94 = tpu.memref_slice %arg17[%dma_wait3A_92, %dma_wait3A_93] : memref<256x128xf32, #tpu.memory_space<vmem>> -> memref<128x128xf32, #tpu.memory_space<vmem>>
      %dma_wait3A_95 = arith.constant 0 : i32
      %dma_wait3A_96 = tpu.memref_slice %arg16[%dma_wait3A, %dma_wait3A_95] : memref<2x128xi32, #tpu.memory_space<vmem>> -> memref<1x128xi32, #tpu.memory_space<vmem>>
      %dma_wait3A_97 = tpu.memref_squeeze %dma_wait3A_96 : memref<1x128xi32, #tpu.memory_space<vmem>> -> memref<128xi32, #tpu.memory_space<vmem>>
      %dma_wait3A_98 = arith.constant 0 : i32
      %dma_wait3A_99 = arith.constant 0 : i32
      %dma_wait3A_100 = tpu.memref_slice %arg10[%dma_wait3A_98, %dma_wait3A_99] : memref<100000x128xf32, #tpu.memory_space<hbm>> -> memref<100000x128xf32, #tpu.memory_space<hbm>>
      tpu.wait_indirect_dma semaphore(%arg21 : memref<!tpu.dma_semaphore, #tpu.memory_space<semaphore_mem>>) src(%dma_wait3A_100 : memref<100000x128xf32, #tpu.memory_space<hbm>>) dst(%dma_wait3A_94 : memref<128x128xf32, #tpu.memory_space<vmem>>)
      %dma_wait3A_101 = arith.constant 0 : i32
      %dma_wait3A_102 = arith.constant 0 : i32
      %dma_wait3A_103 = arith.constant 0 : i32
      %dma_wait3A_104 = tpu.memref_slice %arg19[%dma_wait3A_102, %dma_wait3A_103] : memref<256x16xf32, #tpu.memory_space<vmem>> -> memref<128x16xf32, #tpu.memory_space<vmem>>
      %dma_wait3A_105 = arith.constant 0 : i32
      %dma_wait3A_106 = tpu.memref_slice %arg18[%dma_wait3A_101, %dma_wait3A_105] : memref<2x128xi32, #tpu.memory_space<vmem>> -> memref<1x128xi32, #tpu.memory_space<vmem>>
      %dma_wait3A_107 = tpu.memref_squeeze %dma_wait3A_106 : memref<1x128xi32, #tpu.memory_space<vmem>> -> memref<128xi32, #tpu.memory_space<vmem>>
      %dma_wait3A_108 = arith.constant 0 : i32
      %dma_wait3A_109 = arith.constant 0 : i32
      %dma_wait3A_110 = tpu.memref_slice %arg6[%dma_wait3A_108, %dma_wait3A_109] : memref<1600000x16xf32, #tpu.memory_space<hbm>> -> memref<1600000x16xf32, #tpu.memory_space<hbm>>
      tpu.wait_indirect_dma semaphore(%arg21 : memref<!tpu.dma_semaphore, #tpu.memory_space<semaphore_mem>>) src(%dma_wait3A_110 : memref<1600000x16xf32, #tpu.memory_space<hbm>>) dst(%dma_wait3A_104 : memref<128x16xf32, #tpu.memory_space<vmem>>)
      "tpu.region"() ({
        %run_scoped3A_141 = tpu.sem_alloc : memref<!tpu.dma_semaphore, #tpu.memory_space<semaphore_mem>>
        %dma_start3A_142 = arith.constant 0 : i32
        %dma_start3A_143 = arith.constant 0 : i32
        %dma_start3A_144 = tpu.memref_slice %arg17[%dma_start3A_142, %dma_start3A_143] : memref<256x128xf32, #tpu.memory_space<vmem>> -> memref<128x128xf32, #tpu.memory_space<vmem>>
        %dma_start3A_145 = arith.constant 0 : i32
        %dma_start3A_146 = tpu.memref_slice %arg12[%add3A_91, %dma_start3A_145] : memref<245760x128xf32, #tpu.memory_space<hbm>> -> memref<128x128xf32, #tpu.memory_space<hbm>>
        %dma_start3A_147 = arith.constant 0 : i32
        %dma_start3A_148 = tpu.memref_slice %arg12[%add3A_91, %dma_start3A_147] : memref<245760x128xf32, #tpu.memory_space<hbm>> -> memref<128x128xf32, #tpu.memory_space<hbm>>
        %dma_start3A_149 = arith.constant 0 : i32
        %dma_start3A_150 = arith.constant 0 : i32
        %dma_start3A_151 = tpu.memref_slice %arg17[%dma_start3A_149, %dma_start3A_150] : memref<256x128xf32, #tpu.memory_space<vmem>> -> memref<128x128xf32, #tpu.memory_space<vmem>>
        tpu.enqueue_dma source(%dma_start3A_151 : memref<128x128xf32, #tpu.memory_space<vmem>>) target(%dma_start3A_148 : memref<128x128xf32, #tpu.memory_space<hbm>>) target_semaphore(%run_scoped3A_141 : memref<!tpu.dma_semaphore, #tpu.memory_space<semaphore_mem>>)
        %dma_wait3A_152 = arith.constant 0 : i32
        %dma_wait3A_153 = arith.constant 0 : i32
        %dma_wait3A_154 = tpu.memref_slice %arg17[%dma_wait3A_152, %dma_wait3A_153] : memref<256x128xf32, #tpu.memory_space<vmem>> -> memref<128x128xf32, #tpu.memory_space<vmem>>
        %dma_wait3A_155 = arith.constant 0 : i32
        %dma_wait3A_156 = tpu.memref_slice %arg12[%add3A_91, %dma_wait3A_155] : memref<245760x128xf32, #tpu.memory_space<hbm>> -> memref<128x128xf32, #tpu.memory_space<hbm>>
        %dma_wait3A_157 = arith.constant 0 : i32
        %dma_wait3A_158 = tpu.memref_slice %arg12[%add3A_91, %dma_wait3A_157] : memref<245760x128xf32, #tpu.memory_space<hbm>> -> memref<128x128xf32, #tpu.memory_space<hbm>>
        %dma_wait3A_159 = arith.constant 0 : i32
        %dma_wait3A_160 = arith.constant 0 : i32
        %dma_wait3A_161 = tpu.memref_slice %arg17[%dma_wait3A_159, %dma_wait3A_160] : memref<256x128xf32, #tpu.memory_space<vmem>> -> memref<128x128xf32, #tpu.memory_space<vmem>>
        tpu.wait_dma2 semaphore(%run_scoped3A_141 : memref<!tpu.dma_semaphore, #tpu.memory_space<semaphore_mem>>) src(%dma_wait3A_161 : memref<128x128xf32, #tpu.memory_space<vmem>>) dst(%dma_wait3A_158 : memref<128x128xf32, #tpu.memory_space<hbm>>)
        tpu.yield
      }) : () -> ()
      "tpu.region"() ({
        %run_scoped3A_141 = tpu.sem_alloc : memref<!tpu.dma_semaphore, #tpu.memory_space<semaphore_mem>>
        %dma_start3A_142 = arith.constant 0 : i32
        %dma_start3A_143 = arith.constant 0 : i32
        %dma_start3A_144 = tpu.memref_slice %arg19[%dma_start3A_142, %dma_start3A_143] : memref<256x16xf32, #tpu.memory_space<vmem>> -> memref<128x16xf32, #tpu.memory_space<vmem>>
        %dma_start3A_145 = arith.constant 0 : i32
        %dma_start3A_146 = tpu.memref_slice %arg13[%add3A_91, %dma_start3A_145] : memref<245760x16xf32, #tpu.memory_space<hbm>> -> memref<128x16xf32, #tpu.memory_space<hbm>>
        %dma_start3A_147 = arith.constant 0 : i32
        %dma_start3A_148 = tpu.memref_slice %arg13[%add3A_91, %dma_start3A_147] : memref<245760x16xf32, #tpu.memory_space<hbm>> -> memref<128x16xf32, #tpu.memory_space<hbm>>
        %dma_start3A_149 = arith.constant 0 : i32
        %dma_start3A_150 = arith.constant 0 : i32
        %dma_start3A_151 = tpu.memref_slice %arg19[%dma_start3A_149, %dma_start3A_150] : memref<256x16xf32, #tpu.memory_space<vmem>> -> memref<128x16xf32, #tpu.memory_space<vmem>>
        tpu.enqueue_dma source(%dma_start3A_151 : memref<128x16xf32, #tpu.memory_space<vmem>>) target(%dma_start3A_148 : memref<128x16xf32, #tpu.memory_space<hbm>>) target_semaphore(%run_scoped3A_141 : memref<!tpu.dma_semaphore, #tpu.memory_space<semaphore_mem>>)
        %dma_wait3A_152 = arith.constant 0 : i32
        %dma_wait3A_153 = arith.constant 0 : i32
        %dma_wait3A_154 = tpu.memref_slice %arg19[%dma_wait3A_152, %dma_wait3A_153] : memref<256x16xf32, #tpu.memory_space<vmem>> -> memref<128x16xf32, #tpu.memory_space<vmem>>
        %dma_wait3A_155 = arith.constant 0 : i32
        %dma_wait3A_156 = tpu.memref_slice %arg13[%add3A_91, %dma_wait3A_155] : memref<245760x16xf32, #tpu.memory_space<hbm>> -> memref<128x16xf32, #tpu.memory_space<hbm>>
        %dma_wait3A_157 = arith.constant 0 : i32
        %dma_wait3A_158 = tpu.memref_slice %arg13[%add3A_91, %dma_wait3A_157] : memref<245760x16xf32, #tpu.memory_space<hbm>> -> memref<128x16xf32, #tpu.memory_space<hbm>>
        %dma_wait3A_159 = arith.constant 0 : i32
        %dma_wait3A_160 = arith.constant 0 : i32
        %dma_wait3A_161 = tpu.memref_slice %arg19[%dma_wait3A_159, %dma_wait3A_160] : memref<256x16xf32, #tpu.memory_space<vmem>> -> memref<128x16xf32, #tpu.memory_space<vmem>>
        tpu.wait_dma2 semaphore(%run_scoped3A_141 : memref<!tpu.dma_semaphore, #tpu.memory_space<semaphore_mem>>) src(%dma_wait3A_161 : memref<128x16xf32, #tpu.memory_space<vmem>>) dst(%dma_wait3A_158 : memref<128x16xf32, #tpu.memory_space<hbm>>)
        tpu.yield
      }) : () -> ()
      %lt3A = arith.constant 59 : i32
      %lt3A_111 = arith.cmpi slt, %scan3A_56, %lt3A : i32
      %convert_element_type3A = arith.extui %lt3A_111 : i1 to i32
      %cond3A = arith.constant 0 : i32
      %cond3A_112 = arith.cmpi ne, %convert_element_type3A, %cond3A : i32
      scf.if %cond3A_112 {
        %mul3A_141 = arith.constant 2 : i32
        %mul3A_142 = arith.muli %mul3A_141, %scan3A_56 : i32
        %add3A_143 = arith.constant 2 : i32
        %add3A_144 = arith.addi %mul3A_142, %add3A_143 : i32
        %mul3A_145 = arith.constant 128 : i32
        %mul3A_146 = arith.muli %add3A_144, %mul3A_145 : i32
        %add3A_147 = arith.addi %mul3A_27, %mul3A_146 : i32
        %run_scoped3A_148 = arith.constant 0 : i32
        "tpu.region"() ({
          %run_scoped3A_170 = tpu.sem_alloc : memref<!tpu.dma_semaphore, #tpu.memory_space<semaphore_mem>>
          %dma_start3A_171 = arith.constant 0 : i32
          %dma_start3A_172 = tpu.memref_slice %arg16[%run_scoped3A_148, %dma_start3A_171] : memref<2x128xi32, #tpu.memory_space<vmem>> -> memref<1x128xi32, #tpu.memory_space<vmem>>
          %dma_start3A_173 = tpu.memref_squeeze %dma_start3A_172 : memref<1x128xi32, #tpu.memory_space<vmem>> -> memref<128xi32, #tpu.memory_space<vmem>>
          %dma_start3A_174 = tpu.memref_slice %arg8[%add3A_147] : memref<245760xi32, #tpu.memory_space<hbm>> -> memref<128xi32, #tpu.memory_space<hbm>>
          %dma_start3A_175 = arith.constant 0 : i32
          %dma_start3A_176 = tpu.memref_slice %arg16[%run_scoped3A_148, %dma_start3A_175] : memref<2x128xi32, #tpu.memory_space<vmem>> -> memref<1x128xi32, #tpu.memory_space<vmem>>
          %dma_start3A_177 = tpu.memref_squeeze %dma_start3A_176 : memref<1x128xi32, #tpu.memory_space<vmem>> -> memref<128xi32, #tpu.memory_space<vmem>>
          %dma_start3A_178 = tpu.memref_slice %arg8[%add3A_147] : memref<245760xi32, #tpu.memory_space<hbm>> -> memref<128xi32, #tpu.memory_space<hbm>>
          tpu.enqueue_dma source(%dma_start3A_178 : memref<128xi32, #tpu.memory_space<hbm>>) target(%dma_start3A_177 : memref<128xi32, #tpu.memory_space<vmem>>) target_semaphore(%run_scoped3A_170 : memref<!tpu.dma_semaphore, #tpu.memory_space<semaphore_mem>>)
          %dma_wait3A_179 = arith.constant 0 : i32
          %dma_wait3A_180 = tpu.memref_slice %arg16[%run_scoped3A_148, %dma_wait3A_179] : memref<2x128xi32, #tpu.memory_space<vmem>> -> memref<1x128xi32, #tpu.memory_space<vmem>>
          %dma_wait3A_181 = tpu.memref_squeeze %dma_wait3A_180 : memref<1x128xi32, #tpu.memory_space<vmem>> -> memref<128xi32, #tpu.memory_space<vmem>>
          %dma_wait3A_182 = tpu.memref_slice %arg8[%add3A_147] : memref<245760xi32, #tpu.memory_space<hbm>> -> memref<128xi32, #tpu.memory_space<hbm>>
          %dma_wait3A_183 = arith.constant 0 : i32
          %dma_wait3A_184 = tpu.memref_slice %arg16[%run_scoped3A_148, %dma_wait3A_183] : memref<2x128xi32, #tpu.memory_space<vmem>> -> memref<1x128xi32, #tpu.memory_space<vmem>>
          %dma_wait3A_185 = tpu.memref_squeeze %dma_wait3A_184 : memref<1x128xi32, #tpu.memory_space<vmem>> -> memref<128xi32, #tpu.memory_space<vmem>>
          %dma_wait3A_186 = tpu.memref_slice %arg8[%add3A_147] : memref<245760xi32, #tpu.memory_space<hbm>> -> memref<128xi32, #tpu.memory_space<hbm>>
          tpu.wait_dma2 semaphore(%run_scoped3A_170 : memref<!tpu.dma_semaphore, #tpu.memory_space<semaphore_mem>>) src(%dma_wait3A_186 : memref<128xi32, #tpu.memory_space<hbm>>) dst(%dma_wait3A_185 : memref<128xi32, #tpu.memory_space<vmem>>)
          tpu.yield
        }) : () -> ()
        %run_scoped3A_149 = arith.constant 0 : i32
        "tpu.region"() ({
          %run_scoped3A_170 = tpu.sem_alloc : memref<!tpu.dma_semaphore, #tpu.memory_space<semaphore_mem>>
          %dma_start3A_171 = arith.constant 0 : i32
          %dma_start3A_172 = tpu.memref_slice %arg18[%run_scoped3A_149, %dma_start3A_171] : memref<2x128xi32, #tpu.memory_space<vmem>> -> memref<1x128xi32, #tpu.memory_space<vmem>>
          %dma_start3A_173 = tpu.memref_squeeze %dma_start3A_172 : memref<1x128xi32, #tpu.memory_space<vmem>> -> memref<128xi32, #tpu.memory_space<vmem>>
          %dma_start3A_174 = tpu.memref_slice %arg9[%add3A_147] : memref<245760xi32, #tpu.memory_space<hbm>> -> memref<128xi32, #tpu.memory_space<hbm>>
          %dma_start3A_175 = arith.constant 0 : i32
          %dma_start3A_176 = tpu.memref_slice %arg18[%run_scoped3A_149, %dma_start3A_175] : memref<2x128xi32, #tpu.memory_space<vmem>> -> memref<1x128xi32, #tpu.memory_space<vmem>>
          %dma_start3A_177 = tpu.memref_squeeze %dma_start3A_176 : memref<1x128xi32, #tpu.memory_space<vmem>> -> memref<128xi32, #tpu.memory_space<vmem>>
          %dma_start3A_178 = tpu.memref_slice %arg9[%add3A_147] : memref<245760xi32, #tpu.memory_space<hbm>> -> memref<128xi32, #tpu.memory_space<hbm>>
          tpu.enqueue_dma source(%dma_start3A_178 : memref<128xi32, #tpu.memory_space<hbm>>) target(%dma_start3A_177 : memref<128xi32, #tpu.memory_space<vmem>>) target_semaphore(%run_scoped3A_170 : memref<!tpu.dma_semaphore, #tpu.memory_space<semaphore_mem>>)
          %dma_wait3A_179 = arith.constant 0 : i32
          %dma_wait3A_180 = tpu.memref_slice %arg18[%run_scoped3A_149, %dma_wait3A_179] : memref<2x128xi32, #tpu.memory_space<vmem>> -> memref<1x128xi32, #tpu.memory_space<vmem>>
          %dma_wait3A_181 = tpu.memref_squeeze %dma_wait3A_180 : memref<1x128xi32, #tpu.memory_space<vmem>> -> memref<128xi32, #tpu.memory_space<vmem>>
          %dma_wait3A_182 = tpu.memref_slice %arg9[%add3A_147] : memref<245760xi32, #tpu.memory_space<hbm>> -> memref<128xi32, #tpu.memory_space<hbm>>
          %dma_wait3A_183 = arith.constant 0 : i32
          %dma_wait3A_184 = tpu.memref_slice %arg18[%run_scoped3A_149, %dma_wait3A_183] : memref<2x128xi32, #tpu.memory_space<vmem>> -> memref<1x128xi32, #tpu.memory_space<vmem>>
          %dma_wait3A_185 = tpu.memref_squeeze %dma_wait3A_184 : memref<1x128xi32, #tpu.memory_space<vmem>> -> memref<128xi32, #tpu.memory_space<vmem>>
          %dma_wait3A_186 = tpu.memref_slice %arg9[%add3A_147] : memref<245760xi32, #tpu.memory_space<hbm>> -> memref<128xi32, #tpu.memory_space<hbm>>
          tpu.wait_dma2 semaphore(%run_scoped3A_170 : memref<!tpu.dma_semaphore, #tpu.memory_space<semaphore_mem>>) src(%dma_wait3A_186 : memref<128xi32, #tpu.memory_space<hbm>>) dst(%dma_wait3A_185 : memref<128xi32, #tpu.memory_space<vmem>>)
          tpu.yield
        }) : () -> ()
        %dma_start3A_150 = arith.constant 0 : i32
        %dma_start3A_151 = arith.constant 0 : i32
        %dma_start3A_152 = arith.constant 0 : i32
        %dma_start3A_153 = tpu.memref_slice %arg17[%dma_start3A_151, %dma_start3A_152] : memref<256x128xf32, #tpu.memory_space<vmem>> -> memref<128x128xf32, #tpu.memory_space<vmem>>
        %dma_start3A_154 = arith.constant 0 : i32
        %dma_start3A_155 = tpu.memref_slice %arg16[%dma_start3A_150, %dma_start3A_154] : memref<2x128xi32, #tpu.memory_space<vmem>> -> memref<1x128xi32, #tpu.memory_space<vmem>>
        %dma_start3A_156 = tpu.memref_squeeze %dma_start3A_155 : memref<1x128xi32, #tpu.memory_space<vmem>> -> memref<128xi32, #tpu.memory_space<vmem>>
        %dma_start3A_157 = arith.constant 0 : i32
        %dma_start3A_158 = arith.constant 0 : i32
        %dma_start3A_159 = tpu.memref_slice %arg10[%dma_start3A_157, %dma_start3A_158] : memref<100000x128xf32, #tpu.memory_space<hbm>> -> memref<100000x128xf32, #tpu.memory_space<hbm>>
        tpu.enqueue_indirect_dma source(%dma_start3A_159 : memref<100000x128xf32, #tpu.memory_space<hbm>>) target(%dma_start3A_153 : memref<128x128xf32, #tpu.memory_space<vmem>>) offsets(%dma_start3A_156 : memref<128xi32, #tpu.memory_space<vmem>>) semaphore(%arg21 : memref<!tpu.dma_semaphore, #tpu.memory_space<semaphore_mem>>)
        %dma_start3A_160 = arith.constant 0 : i32
        %dma_start3A_161 = arith.constant 0 : i32
        %dma_start3A_162 = arith.constant 0 : i32
        %dma_start3A_163 = tpu.memref_slice %arg19[%dma_start3A_161, %dma_start3A_162] : memref<256x16xf32, #tpu.memory_space<vmem>> -> memref<128x16xf32, #tpu.memory_space<vmem>>
        %dma_start3A_164 = arith.constant 0 : i32
        %dma_start3A_165 = tpu.memref_slice %arg18[%dma_start3A_160, %dma_start3A_164] : memref<2x128xi32, #tpu.memory_space<vmem>> -> memref<1x128xi32, #tpu.memory_space<vmem>>
        %dma_start3A_166 = tpu.memref_squeeze %dma_start3A_165 : memref<1x128xi32, #tpu.memory_space<vmem>> -> memref<128xi32, #tpu.memory_space<vmem>>
        %dma_start3A_167 = arith.constant 0 : i32
        %dma_start3A_168 = arith.constant 0 : i32
        %dma_start3A_169 = tpu.memref_slice %arg6[%dma_start3A_167, %dma_start3A_168] : memref<1600000x16xf32, #tpu.memory_space<hbm>> -> memref<1600000x16xf32, #tpu.memory_space<hbm>>
        tpu.enqueue_indirect_dma source(%dma_start3A_169 : memref<1600000x16xf32, #tpu.memory_space<hbm>>) target(%dma_start3A_163 : memref<128x16xf32, #tpu.memory_space<vmem>>) offsets(%dma_start3A_166 : memref<128xi32, #tpu.memory_space<vmem>>) semaphore(%arg21 : memref<!tpu.dma_semaphore, #tpu.memory_space<semaphore_mem>>)
      } else {
      }
      %mul3A_113 = arith.constant 2 : i32
      %mul3A_114 = arith.muli %mul3A_113, %scan3A_56 : i32
      %add3A_115 = arith.constant 1 : i32
      %add3A_116 = arith.addi %mul3A_114, %add3A_115 : i32
      %mul3A_117 = arith.constant 128 : i32
      %mul3A_118 = arith.muli %add3A_116, %mul3A_117 : i32
      %add3A_119 = arith.addi %mul3A_27, %mul3A_118 : i32
      %dma_wait3A_120 = arith.constant 1 : i32
      %dma_wait3A_121 = arith.constant 128 : i32
      %dma_wait3A_122 = arith.constant 0 : i32
      %dma_wait3A_123 = tpu.memref_slice %arg17[%dma_wait3A_121, %dma_wait3A_122] : memref<256x128xf32, #tpu.memory_space<vmem>> -> memref<128x128xf32, #tpu.memory_space<vmem>>
      %dma_wait3A_124 = arith.constant 0 : i32
      %dma_wait3A_125 = tpu.memref_slice %arg16[%dma_wait3A_120, %dma_wait3A_124] : memref<2x128xi32, #tpu.memory_space<vmem>> -> memref<1x128xi32, #tpu.memory_space<vmem>>
      %dma_wait3A_126 = tpu.memref_squeeze %dma_wait3A_125 : memref<1x128xi32, #tpu.memory_space<vmem>> -> memref<128xi32, #tpu.memory_space<vmem>>
      %dma_wait3A_127 = arith.constant 0 : i32
      %dma_wait3A_128 = arith.constant 0 : i32
      %dma_wait3A_129 = tpu.memref_slice %arg10[%dma_wait3A_127, %dma_wait3A_128] : memref<100000x128xf32, #tpu.memory_space<hbm>> -> memref<100000x128xf32, #tpu.memory_space<hbm>>
      tpu.wait_indirect_dma semaphore(%arg22 : memref<!tpu.dma_semaphore, #tpu.memory_space<semaphore_mem>>) src(%dma_wait3A_129 : memref<100000x128xf32, #tpu.memory_space<hbm>>) dst(%dma_wait3A_123 : memref<128x128xf32, #tpu.memory_space<vmem>>)
      %dma_wait3A_130 = arith.constant 1 : i32
      %dma_wait3A_131 = arith.constant 128 : i32
      %dma_wait3A_132 = arith.constant 0 : i32
      %dma_wait3A_133 = tpu.memref_slice %arg19[%dma_wait3A_131, %dma_wait3A_132] : memref<256x16xf32, #tpu.memory_space<vmem>> -> memref<128x16xf32, #tpu.memory_space<vmem>>
      %dma_wait3A_134 = arith.constant 0 : i32
      %dma_wait3A_135 = tpu.memref_slice %arg18[%dma_wait3A_130, %dma_wait3A_134] : memref<2x128xi32, #tpu.memory_space<vmem>> -> memref<1x128xi32, #tpu.memory_space<vmem>>
      %dma_wait3A_136 = tpu.memref_squeeze %dma_wait3A_135 : memref<1x128xi32, #tpu.memory_space<vmem>> -> memref<128xi32, #tpu.memory_space<vmem>>
      %dma_wait3A_137 = arith.constant 0 : i32
      %dma_wait3A_138 = arith.constant 0 : i32
      %dma_wait3A_139 = tpu.memref_slice %arg6[%dma_wait3A_137, %dma_wait3A_138] : memref<1600000x16xf32, #tpu.memory_space<hbm>> -> memref<1600000x16xf32, #tpu.memory_space<hbm>>
      tpu.wait_indirect_dma semaphore(%arg22 : memref<!tpu.dma_semaphore, #tpu.memory_space<semaphore_mem>>) src(%dma_wait3A_139 : memref<1600000x16xf32, #tpu.memory_space<hbm>>) dst(%dma_wait3A_133 : memref<128x16xf32, #tpu.memory_space<vmem>>)
      "tpu.region"() ({
        %run_scoped3A_141 = tpu.sem_alloc : memref<!tpu.dma_semaphore, #tpu.memory_space<semaphore_mem>>
        %dma_start3A_142 = arith.constant 128 : i32
        %dma_start3A_143 = arith.constant 0 : i32
        %dma_start3A_144 = tpu.memref_slice %arg17[%dma_start3A_142, %dma_start3A_143] : memref<256x128xf32, #tpu.memory_space<vmem>> -> memref<128x128xf32, #tpu.memory_space<vmem>>
        %dma_start3A_145 = arith.constant 0 : i32
        %dma_start3A_146 = tpu.memref_slice %arg12[%add3A_119, %dma_start3A_145] : memref<245760x128xf32, #tpu.memory_space<hbm>> -> memref<128x128xf32, #tpu.memory_space<hbm>>
        %dma_start3A_147 = arith.constant 0 : i32
        %dma_start3A_148 = tpu.memref_slice %arg12[%add3A_119, %dma_start3A_147] : memref<245760x128xf32, #tpu.memory_space<hbm>> -> memref<128x128xf32, #tpu.memory_space<hbm>>
        %dma_start3A_149 = arith.constant 128 : i32
        %dma_start3A_150 = arith.constant 0 : i32
        %dma_start3A_151 = tpu.memref_slice %arg17[%dma_start3A_149, %dma_start3A_150] : memref<256x128xf32, #tpu.memory_space<vmem>> -> memref<128x128xf32, #tpu.memory_space<vmem>>
        tpu.enqueue_dma source(%dma_start3A_151 : memref<128x128xf32, #tpu.memory_space<vmem>>) target(%dma_start3A_148 : memref<128x128xf32, #tpu.memory_space<hbm>>) target_semaphore(%run_scoped3A_141 : memref<!tpu.dma_semaphore, #tpu.memory_space<semaphore_mem>>)
        %dma_wait3A_152 = arith.constant 128 : i32
        %dma_wait3A_153 = arith.constant 0 : i32
        %dma_wait3A_154 = tpu.memref_slice %arg17[%dma_wait3A_152, %dma_wait3A_153] : memref<256x128xf32, #tpu.memory_space<vmem>> -> memref<128x128xf32, #tpu.memory_space<vmem>>
        %dma_wait3A_155 = arith.constant 0 : i32
        %dma_wait3A_156 = tpu.memref_slice %arg12[%add3A_119, %dma_wait3A_155] : memref<245760x128xf32, #tpu.memory_space<hbm>> -> memref<128x128xf32, #tpu.memory_space<hbm>>
        %dma_wait3A_157 = arith.constant 0 : i32
        %dma_wait3A_158 = tpu.memref_slice %arg12[%add3A_119, %dma_wait3A_157] : memref<245760x128xf32, #tpu.memory_space<hbm>> -> memref<128x128xf32, #tpu.memory_space<hbm>>
        %dma_wait3A_159 = arith.constant 128 : i32
        %dma_wait3A_160 = arith.constant 0 : i32
        %dma_wait3A_161 = tpu.memref_slice %arg17[%dma_wait3A_159, %dma_wait3A_160] : memref<256x128xf32, #tpu.memory_space<vmem>> -> memref<128x128xf32, #tpu.memory_space<vmem>>
        tpu.wait_dma2 semaphore(%run_scoped3A_141 : memref<!tpu.dma_semaphore, #tpu.memory_space<semaphore_mem>>) src(%dma_wait3A_161 : memref<128x128xf32, #tpu.memory_space<vmem>>) dst(%dma_wait3A_158 : memref<128x128xf32, #tpu.memory_space<hbm>>)
        tpu.yield
      }) : () -> ()
      "tpu.region"() ({
        %run_scoped3A_141 = tpu.sem_alloc : memref<!tpu.dma_semaphore, #tpu.memory_space<semaphore_mem>>
        %dma_start3A_142 = arith.constant 128 : i32
        %dma_start3A_143 = arith.constant 0 : i32
        %dma_start3A_144 = tpu.memref_slice %arg19[%dma_start3A_142, %dma_start3A_143] : memref<256x16xf32, #tpu.memory_space<vmem>> -> memref<128x16xf32, #tpu.memory_space<vmem>>
        %dma_start3A_145 = arith.constant 0 : i32
        %dma_start3A_146 = tpu.memref_slice %arg13[%add3A_119, %dma_start3A_145] : memref<245760x16xf32, #tpu.memory_space<hbm>> -> memref<128x16xf32, #tpu.memory_space<hbm>>
        %dma_start3A_147 = arith.constant 0 : i32
        %dma_start3A_148 = tpu.memref_slice %arg13[%add3A_119, %dma_start3A_147] : memref<245760x16xf32, #tpu.memory_space<hbm>> -> memref<128x16xf32, #tpu.memory_space<hbm>>
        %dma_start3A_149 = arith.constant 128 : i32
        %dma_start3A_150 = arith.constant 0 : i32
        %dma_start3A_151 = tpu.memref_slice %arg19[%dma_start3A_149, %dma_start3A_150] : memref<256x16xf32, #tpu.memory_space<vmem>> -> memref<128x16xf32, #tpu.memory_space<vmem>>
        tpu.enqueue_dma source(%dma_start3A_151 : memref<128x16xf32, #tpu.memory_space<vmem>>) target(%dma_start3A_148 : memref<128x16xf32, #tpu.memory_space<hbm>>) target_semaphore(%run_scoped3A_141 : memref<!tpu.dma_semaphore, #tpu.memory_space<semaphore_mem>>)
        %dma_wait3A_152 = arith.constant 128 : i32
        %dma_wait3A_153 = arith.constant 0 : i32
        %dma_wait3A_154 = tpu.memref_slice %arg19[%dma_wait3A_152, %dma_wait3A_153] : memref<256x16xf32, #tpu.memory_space<vmem>> -> memref<128x16xf32, #tpu.memory_space<vmem>>
        %dma_wait3A_155 = arith.constant 0 : i32
        %dma_wait3A_156 = tpu.memref_slice %arg13[%add3A_119, %dma_wait3A_155] : memref<245760x16xf32, #tpu.memory_space<hbm>> -> memref<128x16xf32, #tpu.memory_space<hbm>>
        %dma_wait3A_157 = arith.constant 0 : i32
        %dma_wait3A_158 = tpu.memref_slice %arg13[%add3A_119, %dma_wait3A_157] : memref<245760x16xf32, #tpu.memory_space<hbm>> -> memref<128x16xf32, #tpu.memory_space<hbm>>
        %dma_wait3A_159 = arith.constant 128 : i32
        %dma_wait3A_160 = arith.constant 0 : i32
        %dma_wait3A_161 = tpu.memref_slice %arg19[%dma_wait3A_159, %dma_wait3A_160] : memref<256x16xf32, #tpu.memory_space<vmem>> -> memref<128x16xf32, #tpu.memory_space<vmem>>
        tpu.wait_dma2 semaphore(%run_scoped3A_141 : memref<!tpu.dma_semaphore, #tpu.memory_space<semaphore_mem>>) src(%dma_wait3A_161 : memref<128x16xf32, #tpu.memory_space<vmem>>) dst(%dma_wait3A_158 : memref<128x16xf32, #tpu.memory_space<hbm>>)
        tpu.yield
      }) : () -> ()
      %scan3A_140 = arith.constant 0 : i32
      scf.yield %scan3A_140 : i32
    }
    %scan3A_55 = arith.constant 60 : i32
    return
  }
}

#map = affine_map<(d0, d1) -> (0, 0)>
#map1 = affine_map<(d0, d1) -> (0)>
module attributes {stable_mosaic.version = 14 : i64} {
  func.func @_sc_batch_gather(%arg0: i32, %arg1: i32, %arg2: memref<100000x128xf32, #tpu.memory_space<hbm>>, %arg3: memref<100000x128xf32, #tpu.memory_space<hbm>>, %arg4: memref<1600000x16xf32, #tpu.memory_space<hbm>>, %arg5: memref<100000xf32, #tpu.memory_space<hbm>>, %arg6: memref<4096xi32, #tpu.memory_space<hbm>>, %arg7: memref<4096xi32, #tpu.memory_space<hbm>>, %arg8: memref<4096xi32, #tpu.memory_space<hbm>>, %arg9: memref<8192x128xf32, #tpu.memory_space<hbm>>, %arg10: memref<8192x128xf32, #tpu.memory_space<hbm>>, %arg11: memref<4096xf32, #tpu.memory_space<hbm>>, %arg12: memref<4096xf32, #tpu.memory_space<hbm>>, %arg13: memref<4096x16xf32, #tpu.memory_space<hbm>>, %arg14: memref<128xi32, #tpu.memory_space<vmem>>, %arg15: memref<128x128xf32, #tpu.memory_space<vmem>>, %arg16: memref<128x16xf32, #tpu.memory_space<vmem>>, %arg17: memref<100000xf32, #tpu.memory_space<vmem>>, %arg18: memref<128xf32, #tpu.memory_space<vmem>>, %arg19: memref<!tpu.dma_semaphore, #tpu.memory_space<semaphore_mem>>) attributes {dimension_semantics = [#tpu.dimension_semantics<core_parallel>, #tpu.dimension_semantics<subcore_parallel>], iteration_bounds = array<i64: 2, 16>, scalar_prefetch = 0 : i64, scratch_operands = 6 : i64, tpu.core_type = #tpu.core_type<sc_vector_subcore>, window_params = [{transform_indices = #map}, {transform_indices = #map}, {transform_indices = #map}, {transform_indices = #map1}, {transform_indices = #map1}, {transform_indices = #map1}, {transform_indices = #map1}, {transform_indices = #map}, {transform_indices = #map}, {transform_indices = #map1}, {transform_indices = #map1}, {transform_indices = #map}]} {
    %mul3A = arith.constant 2 : i32
    %mul3A_0 = arith.muli %arg1, %mul3A : i32
    %add3A = arith.addi %mul3A_0, %arg0 : i32
    %mul3A_1 = arith.constant 128 : i32
    %mul3A_2 = arith.muli %add3A, %mul3A_1 : i32
    "tpu.region"() ({
      %run_scoped3A = tpu.sem_alloc : memref<!tpu.dma_semaphore, #tpu.memory_space<semaphore_mem>>
      tpu.enqueue_dma source(%arg5 : memref<100000xf32, #tpu.memory_space<hbm>>) target(%arg17 : memref<100000xf32, #tpu.memory_space<vmem>>) target_semaphore(%run_scoped3A : memref<!tpu.dma_semaphore, #tpu.memory_space<semaphore_mem>>)
      tpu.wait_dma2 semaphore(%run_scoped3A : memref<!tpu.dma_semaphore, #tpu.memory_space<semaphore_mem>>) src(%arg5 : memref<100000xf32, #tpu.memory_space<hbm>>) dst(%arg17 : memref<100000xf32, #tpu.memory_space<vmem>>)
      tpu.yield
    }) : () -> ()
    %mul3A_3 = arith.constant 128 : i32
    %mul3A_4 = arith.muli %add3A, %mul3A_3 : i32
    %add3A_5 = arith.constant 0 : i32
    %add3A_6 = arith.addi %add3A_5, %mul3A_4 : i32
    "tpu.region"() ({
      %run_scoped3A = tpu.sem_alloc : memref<!tpu.dma_semaphore, #tpu.memory_space<semaphore_mem>>
      %dma_start3A_52 = tpu.memref_slice %arg6[%mul3A_2] : memref<4096xi32, #tpu.memory_space<hbm>> -> memref<128xi32, #tpu.memory_space<hbm>>
      %dma_start3A_53 = tpu.memref_slice %arg6[%mul3A_2] : memref<4096xi32, #tpu.memory_space<hbm>> -> memref<128xi32, #tpu.memory_space<hbm>>
      tpu.enqueue_dma source(%dma_start3A_53 : memref<128xi32, #tpu.memory_space<hbm>>) target(%arg14 : memref<128xi32, #tpu.memory_space<vmem>>) target_semaphore(%run_scoped3A : memref<!tpu.dma_semaphore, #tpu.memory_space<semaphore_mem>>)
      %dma_wait3A_54 = tpu.memref_slice %arg6[%mul3A_2] : memref<4096xi32, #tpu.memory_space<hbm>> -> memref<128xi32, #tpu.memory_space<hbm>>
      %dma_wait3A_55 = tpu.memref_slice %arg6[%mul3A_2] : memref<4096xi32, #tpu.memory_space<hbm>> -> memref<128xi32, #tpu.memory_space<hbm>>
      tpu.wait_dma2 semaphore(%run_scoped3A : memref<!tpu.dma_semaphore, #tpu.memory_space<semaphore_mem>>) src(%dma_wait3A_55 : memref<128xi32, #tpu.memory_space<hbm>>) dst(%arg14 : memref<128xi32, #tpu.memory_space<vmem>>)
      tpu.yield
    }) : () -> ()
    %dma_start3A = arith.constant 0 : i32
    %dma_start3A_7 = arith.constant 0 : i32
    %dma_start3A_8 = tpu.memref_slice %arg2[%dma_start3A, %dma_start3A_7] : memref<100000x128xf32, #tpu.memory_space<hbm>> -> memref<100000x128xf32, #tpu.memory_space<hbm>>
    tpu.enqueue_indirect_dma source(%dma_start3A_8 : memref<100000x128xf32, #tpu.memory_space<hbm>>) target(%arg15 : memref<128x128xf32, #tpu.memory_space<vmem>>) offsets(%arg14 : memref<128xi32, #tpu.memory_space<vmem>>) semaphore(%arg19 : memref<!tpu.dma_semaphore, #tpu.memory_space<semaphore_mem>>)
    %dma_wait3A = arith.constant 0 : i32
    %dma_wait3A_9 = arith.constant 0 : i32
    %dma_wait3A_10 = tpu.memref_slice %arg2[%dma_wait3A, %dma_wait3A_9] : memref<100000x128xf32, #tpu.memory_space<hbm>> -> memref<100000x128xf32, #tpu.memory_space<hbm>>
    tpu.wait_indirect_dma semaphore(%arg19 : memref<!tpu.dma_semaphore, #tpu.memory_space<semaphore_mem>>) src(%dma_wait3A_10 : memref<100000x128xf32, #tpu.memory_space<hbm>>) dst(%arg15 : memref<128x128xf32, #tpu.memory_space<vmem>>)
    "tpu.region"() ({
      %run_scoped3A = tpu.sem_alloc : memref<!tpu.dma_semaphore, #tpu.memory_space<semaphore_mem>>
      %dma_start3A_52 = arith.constant 0 : i32
      %dma_start3A_53 = tpu.memref_slice %arg9[%add3A_6, %dma_start3A_52] : memref<8192x128xf32, #tpu.memory_space<hbm>> -> memref<128x128xf32, #tpu.memory_space<hbm>>
      %dma_start3A_54 = arith.constant 0 : i32
      %dma_start3A_55 = tpu.memref_slice %arg9[%add3A_6, %dma_start3A_54] : memref<8192x128xf32, #tpu.memory_space<hbm>> -> memref<128x128xf32, #tpu.memory_space<hbm>>
      tpu.enqueue_dma source(%arg15 : memref<128x128xf32, #tpu.memory_space<vmem>>) target(%dma_start3A_55 : memref<128x128xf32, #tpu.memory_space<hbm>>) target_semaphore(%run_scoped3A : memref<!tpu.dma_semaphore, #tpu.memory_space<semaphore_mem>>)
      %dma_wait3A_56 = arith.constant 0 : i32
      %dma_wait3A_57 = tpu.memref_slice %arg9[%add3A_6, %dma_wait3A_56] : memref<8192x128xf32, #tpu.memory_space<hbm>> -> memref<128x128xf32, #tpu.memory_space<hbm>>
      %dma_wait3A_58 = arith.constant 0 : i32
      %dma_wait3A_59 = tpu.memref_slice %arg9[%add3A_6, %dma_wait3A_58] : memref<8192x128xf32, #tpu.memory_space<hbm>> -> memref<128x128xf32, #tpu.memory_space<hbm>>
      tpu.wait_dma2 semaphore(%run_scoped3A : memref<!tpu.dma_semaphore, #tpu.memory_space<semaphore_mem>>) src(%arg15 : memref<128x128xf32, #tpu.memory_space<vmem>>) dst(%dma_wait3A_59 : memref<128x128xf32, #tpu.memory_space<hbm>>)
      tpu.yield
    }) : () -> ()
    %dma_start3A_11 = arith.constant 0 : i32
    %dma_start3A_12 = arith.constant 0 : i32
    %dma_start3A_13 = tpu.memref_slice %arg3[%dma_start3A_11, %dma_start3A_12] : memref<100000x128xf32, #tpu.memory_space<hbm>> -> memref<100000x128xf32, #tpu.memory_space<hbm>>
    tpu.enqueue_indirect_dma source(%dma_start3A_13 : memref<100000x128xf32, #tpu.memory_space<hbm>>) target(%arg15 : memref<128x128xf32, #tpu.memory_space<vmem>>) offsets(%arg14 : memref<128xi32, #tpu.memory_space<vmem>>) semaphore(%arg19 : memref<!tpu.dma_semaphore, #tpu.memory_space<semaphore_mem>>)
    %dma_wait3A_14 = arith.constant 0 : i32
    %dma_wait3A_15 = arith.constant 0 : i32
    %dma_wait3A_16 = tpu.memref_slice %arg3[%dma_wait3A_14, %dma_wait3A_15] : memref<100000x128xf32, #tpu.memory_space<hbm>> -> memref<100000x128xf32, #tpu.memory_space<hbm>>
    tpu.wait_indirect_dma semaphore(%arg19 : memref<!tpu.dma_semaphore, #tpu.memory_space<semaphore_mem>>) src(%dma_wait3A_16 : memref<100000x128xf32, #tpu.memory_space<hbm>>) dst(%arg15 : memref<128x128xf32, #tpu.memory_space<vmem>>)
    "tpu.region"() ({
      %run_scoped3A = tpu.sem_alloc : memref<!tpu.dma_semaphore, #tpu.memory_space<semaphore_mem>>
      %dma_start3A_52 = arith.constant 0 : i32
      %dma_start3A_53 = tpu.memref_slice %arg10[%add3A_6, %dma_start3A_52] : memref<8192x128xf32, #tpu.memory_space<hbm>> -> memref<128x128xf32, #tpu.memory_space<hbm>>
      %dma_start3A_54 = arith.constant 0 : i32
      %dma_start3A_55 = tpu.memref_slice %arg10[%add3A_6, %dma_start3A_54] : memref<8192x128xf32, #tpu.memory_space<hbm>> -> memref<128x128xf32, #tpu.memory_space<hbm>>
      tpu.enqueue_dma source(%arg15 : memref<128x128xf32, #tpu.memory_space<vmem>>) target(%dma_start3A_55 : memref<128x128xf32, #tpu.memory_space<hbm>>) target_semaphore(%run_scoped3A : memref<!tpu.dma_semaphore, #tpu.memory_space<semaphore_mem>>)
      %dma_wait3A_56 = arith.constant 0 : i32
      %dma_wait3A_57 = tpu.memref_slice %arg10[%add3A_6, %dma_wait3A_56] : memref<8192x128xf32, #tpu.memory_space<hbm>> -> memref<128x128xf32, #tpu.memory_space<hbm>>
      %dma_wait3A_58 = arith.constant 0 : i32
      %dma_wait3A_59 = tpu.memref_slice %arg10[%add3A_6, %dma_wait3A_58] : memref<8192x128xf32, #tpu.memory_space<hbm>> -> memref<128x128xf32, #tpu.memory_space<hbm>>
      tpu.wait_dma2 semaphore(%run_scoped3A : memref<!tpu.dma_semaphore, #tpu.memory_space<semaphore_mem>>) src(%arg15 : memref<128x128xf32, #tpu.memory_space<vmem>>) dst(%dma_wait3A_59 : memref<128x128xf32, #tpu.memory_space<hbm>>)
      tpu.yield
    }) : () -> ()
    %scan3A = arith.constant 0 : i32
    %scan3A_17 = arith.constant 0 : i32
    %scan3A_18 = arith.constant 8 : i32
    %scan3A_19 = arith.addi %scan3A_17, %scan3A_18 : i32
    %scan3A_20 = arith.constant 1 : i32
    %scan3A_21 = scf.for %scan3A_52 = %scan3A_17 to %scan3A_19 step %scan3A_20 iter_args(%scan3A_53 = %scan3A) -> (i32)  : i32 {
      %mul3A_54 = arith.constant 16 : i32
      %mul3A_55 = arith.muli %scan3A_52, %mul3A_54 : i32
      %get3A = arith.index_cast %mul3A_55 : i32 to index
      %get3A_56 = tpu.vector_load %arg14[%get3A] {strides = array<i32>} : memref<128xi32, #tpu.memory_space<vmem>>, vector<16xi32>,
      %gather3A = tpu.vector_load_idx %arg17[%get3A_56] : memref<100000xf32, #tpu.memory_space<vmem>>[vector<16xi32>], vector<16xf32>,
      %swap3A = arith.index_cast %mul3A_55 : i32 to index
      %swap3A_57 = tpu.vector_load %arg18[%swap3A] {strides = array<i32>} : memref<128xf32, #tpu.memory_space<vmem>>, vector<16xf32>,
      tpu.vector_store %arg18[%swap3A], %gather3A {strides = array<i32>} : memref<128xf32, #tpu.memory_space<vmem>>, vector<16xf32>,
      %scan3A_58 = arith.constant 0 : i32
      scf.yield %scan3A_58 : i32
    }
    %scan3A_22 = arith.constant 8 : i32
    "tpu.region"() ({
      %run_scoped3A = tpu.sem_alloc : memref<!tpu.dma_semaphore, #tpu.memory_space<semaphore_mem>>
      %dma_start3A_52 = tpu.memref_slice %arg11[%mul3A_2] : memref<4096xf32, #tpu.memory_space<hbm>> -> memref<128xf32, #tpu.memory_space<hbm>>
      %dma_start3A_53 = tpu.memref_slice %arg11[%mul3A_2] : memref<4096xf32, #tpu.memory_space<hbm>> -> memref<128xf32, #tpu.memory_space<hbm>>
      tpu.enqueue_dma source(%arg18 : memref<128xf32, #tpu.memory_space<vmem>>) target(%dma_start3A_53 : memref<128xf32, #tpu.memory_space<hbm>>) target_semaphore(%run_scoped3A : memref<!tpu.dma_semaphore, #tpu.memory_space<semaphore_mem>>)
      %dma_wait3A_54 = tpu.memref_slice %arg11[%mul3A_2] : memref<4096xf32, #tpu.memory_space<hbm>> -> memref<128xf32, #tpu.memory_space<hbm>>
      %dma_wait3A_55 = tpu.memref_slice %arg11[%mul3A_2] : memref<4096xf32, #tpu.memory_space<hbm>> -> memref<128xf32, #tpu.memory_space<hbm>>
      tpu.wait_dma2 semaphore(%run_scoped3A : memref<!tpu.dma_semaphore, #tpu.memory_space<semaphore_mem>>) src(%arg18 : memref<128xf32, #tpu.memory_space<vmem>>) dst(%dma_wait3A_55 : memref<128xf32, #tpu.memory_space<hbm>>)
      tpu.yield
    }) : () -> ()
    %mul3A_23 = arith.constant 128 : i32
    %mul3A_24 = arith.muli %add3A, %mul3A_23 : i32
    %add3A_25 = arith.constant 4096 : i32
    %add3A_26 = arith.addi %add3A_25, %mul3A_24 : i32
    "tpu.region"() ({
      %run_scoped3A = tpu.sem_alloc : memref<!tpu.dma_semaphore, #tpu.memory_space<semaphore_mem>>
      %dma_start3A_52 = tpu.memref_slice %arg7[%mul3A_2] : memref<4096xi32, #tpu.memory_space<hbm>> -> memref<128xi32, #tpu.memory_space<hbm>>
      %dma_start3A_53 = tpu.memref_slice %arg7[%mul3A_2] : memref<4096xi32, #tpu.memory_space<hbm>> -> memref<128xi32, #tpu.memory_space<hbm>>
      tpu.enqueue_dma source(%dma_start3A_53 : memref<128xi32, #tpu.memory_space<hbm>>) target(%arg14 : memref<128xi32, #tpu.memory_space<vmem>>) target_semaphore(%run_scoped3A : memref<!tpu.dma_semaphore, #tpu.memory_space<semaphore_mem>>)
      %dma_wait3A_54 = tpu.memref_slice %arg7[%mul3A_2] : memref<4096xi32, #tpu.memory_space<hbm>> -> memref<128xi32, #tpu.memory_space<hbm>>
      %dma_wait3A_55 = tpu.memref_slice %arg7[%mul3A_2] : memref<4096xi32, #tpu.memory_space<hbm>> -> memref<128xi32, #tpu.memory_space<hbm>>
      tpu.wait_dma2 semaphore(%run_scoped3A : memref<!tpu.dma_semaphore, #tpu.memory_space<semaphore_mem>>) src(%dma_wait3A_55 : memref<128xi32, #tpu.memory_space<hbm>>) dst(%arg14 : memref<128xi32, #tpu.memory_space<vmem>>)
      tpu.yield
    }) : () -> ()
    %dma_start3A_27 = arith.constant 0 : i32
    %dma_start3A_28 = arith.constant 0 : i32
    %dma_start3A_29 = tpu.memref_slice %arg2[%dma_start3A_27, %dma_start3A_28] : memref<100000x128xf32, #tpu.memory_space<hbm>> -> memref<100000x128xf32, #tpu.memory_space<hbm>>
    tpu.enqueue_indirect_dma source(%dma_start3A_29 : memref<100000x128xf32, #tpu.memory_space<hbm>>) target(%arg15 : memref<128x128xf32, #tpu.memory_space<vmem>>) offsets(%arg14 : memref<128xi32, #tpu.memory_space<vmem>>) semaphore(%arg19 : memref<!tpu.dma_semaphore, #tpu.memory_space<semaphore_mem>>)
    %dma_wait3A_30 = arith.constant 0 : i32
    %dma_wait3A_31 = arith.constant 0 : i32
    %dma_wait3A_32 = tpu.memref_slice %arg2[%dma_wait3A_30, %dma_wait3A_31] : memref<100000x128xf32, #tpu.memory_space<hbm>> -> memref<100000x128xf32, #tpu.memory_space<hbm>>
    tpu.wait_indirect_dma semaphore(%arg19 : memref<!tpu.dma_semaphore, #tpu.memory_space<semaphore_mem>>) src(%dma_wait3A_32 : memref<100000x128xf32, #tpu.memory_space<hbm>>) dst(%arg15 : memref<128x128xf32, #tpu.memory_space<vmem>>)
    "tpu.region"() ({
      %run_scoped3A = tpu.sem_alloc : memref<!tpu.dma_semaphore, #tpu.memory_space<semaphore_mem>>
      %dma_start3A_52 = arith.constant 0 : i32
      %dma_start3A_53 = tpu.memref_slice %arg9[%add3A_26, %dma_start3A_52] : memref<8192x128xf32, #tpu.memory_space<hbm>> -> memref<128x128xf32, #tpu.memory_space<hbm>>
      %dma_start3A_54 = arith.constant 0 : i32
      %dma_start3A_55 = tpu.memref_slice %arg9[%add3A_26, %dma_start3A_54] : memref<8192x128xf32, #tpu.memory_space<hbm>> -> memref<128x128xf32, #tpu.memory_space<hbm>>
      tpu.enqueue_dma source(%arg15 : memref<128x128xf32, #tpu.memory_space<vmem>>) target(%dma_start3A_55 : memref<128x128xf32, #tpu.memory_space<hbm>>) target_semaphore(%run_scoped3A : memref<!tpu.dma_semaphore, #tpu.memory_space<semaphore_mem>>)
      %dma_wait3A_56 = arith.constant 0 : i32
      %dma_wait3A_57 = tpu.memref_slice %arg9[%add3A_26, %dma_wait3A_56] : memref<8192x128xf32, #tpu.memory_space<hbm>> -> memref<128x128xf32, #tpu.memory_space<hbm>>
      %dma_wait3A_58 = arith.constant 0 : i32
      %dma_wait3A_59 = tpu.memref_slice %arg9[%add3A_26, %dma_wait3A_58] : memref<8192x128xf32, #tpu.memory_space<hbm>> -> memref<128x128xf32, #tpu.memory_space<hbm>>
      tpu.wait_dma2 semaphore(%run_scoped3A : memref<!tpu.dma_semaphore, #tpu.memory_space<semaphore_mem>>) src(%arg15 : memref<128x128xf32, #tpu.memory_space<vmem>>) dst(%dma_wait3A_59 : memref<128x128xf32, #tpu.memory_space<hbm>>)
      tpu.yield
    }) : () -> ()
    %dma_start3A_33 = arith.constant 0 : i32
    %dma_start3A_34 = arith.constant 0 : i32
    %dma_start3A_35 = tpu.memref_slice %arg3[%dma_start3A_33, %dma_start3A_34] : memref<100000x128xf32, #tpu.memory_space<hbm>> -> memref<100000x128xf32, #tpu.memory_space<hbm>>
    tpu.enqueue_indirect_dma source(%dma_start3A_35 : memref<100000x128xf32, #tpu.memory_space<hbm>>) target(%arg15 : memref<128x128xf32, #tpu.memory_space<vmem>>) offsets(%arg14 : memref<128xi32, #tpu.memory_space<vmem>>) semaphore(%arg19 : memref<!tpu.dma_semaphore, #tpu.memory_space<semaphore_mem>>)
    %dma_wait3A_36 = arith.constant 0 : i32
    %dma_wait3A_37 = arith.constant 0 : i32
    %dma_wait3A_38 = tpu.memref_slice %arg3[%dma_wait3A_36, %dma_wait3A_37] : memref<100000x128xf32, #tpu.memory_space<hbm>> -> memref<100000x128xf32, #tpu.memory_space<hbm>>
    tpu.wait_indirect_dma semaphore(%arg19 : memref<!tpu.dma_semaphore, #tpu.memory_space<semaphore_mem>>) src(%dma_wait3A_38 : memref<100000x128xf32, #tpu.memory_space<hbm>>) dst(%arg15 : memref<128x128xf32, #tpu.memory_space<vmem>>)
    "tpu.region"() ({
      %run_scoped3A = tpu.sem_alloc : memref<!tpu.dma_semaphore, #tpu.memory_space<semaphore_mem>>
      %dma_start3A_52 = arith.constant 0 : i32
      %dma_start3A_53 = tpu.memref_slice %arg10[%add3A_26, %dma_start3A_52] : memref<8192x128xf32, #tpu.memory_space<hbm>> -> memref<128x128xf32, #tpu.memory_space<hbm>>
      %dma_start3A_54 = arith.constant 0 : i32
      %dma_start3A_55 = tpu.memref_slice %arg10[%add3A_26, %dma_start3A_54] : memref<8192x128xf32, #tpu.memory_space<hbm>> -> memref<128x128xf32, #tpu.memory_space<hbm>>
      tpu.enqueue_dma source(%arg15 : memref<128x128xf32, #tpu.memory_space<vmem>>) target(%dma_start3A_55 : memref<128x128xf32, #tpu.memory_space<hbm>>) target_semaphore(%run_scoped3A : memref<!tpu.dma_semaphore, #tpu.memory_space<semaphore_mem>>)
      %dma_wait3A_56 = arith.constant 0 : i32
      %dma_wait3A_57 = tpu.memref_slice %arg10[%add3A_26, %dma_wait3A_56] : memref<8192x128xf32, #tpu.memory_space<hbm>> -> memref<128x128xf32, #tpu.memory_space<hbm>>
      %dma_wait3A_58 = arith.constant 0 : i32
      %dma_wait3A_59 = tpu.memref_slice %arg10[%add3A_26, %dma_wait3A_58] : memref<8192x128xf32, #tpu.memory_space<hbm>> -> memref<128x128xf32, #tpu.memory_space<hbm>>
      tpu.wait_dma2 semaphore(%run_scoped3A : memref<!tpu.dma_semaphore, #tpu.memory_space<semaphore_mem>>) src(%arg15 : memref<128x128xf32, #tpu.memory_space<vmem>>) dst(%dma_wait3A_59 : memref<128x128xf32, #tpu.memory_space<hbm>>)
      tpu.yield
    }) : () -> ()
    %scan3A_39 = arith.constant 0 : i32
    %scan3A_40 = arith.constant 0 : i32
    %scan3A_41 = arith.constant 8 : i32
    %scan3A_42 = arith.addi %scan3A_40, %scan3A_41 : i32
    %scan3A_43 = arith.constant 1 : i32
    %scan3A_44 = scf.for %scan3A_52 = %scan3A_40 to %scan3A_42 step %scan3A_43 iter_args(%scan3A_53 = %scan3A_39) -> (i32)  : i32 {
      %mul3A_54 = arith.constant 16 : i32
      %mul3A_55 = arith.muli %scan3A_52, %mul3A_54 : i32
      %get3A = arith.index_cast %mul3A_55 : i32 to index
      %get3A_56 = tpu.vector_load %arg14[%get3A] {strides = array<i32>} : memref<128xi32, #tpu.memory_space<vmem>>, vector<16xi32>,
      %gather3A = tpu.vector_load_idx %arg17[%get3A_56] : memref<100000xf32, #tpu.memory_space<vmem>>[vector<16xi32>], vector<16xf32>,
      %swap3A = arith.index_cast %mul3A_55 : i32 to index
      %swap3A_57 = tpu.vector_load %arg18[%swap3A] {strides = array<i32>} : memref<128xf32, #tpu.memory_space<vmem>>, vector<16xf32>,
      tpu.vector_store %arg18[%swap3A], %gather3A {strides = array<i32>} : memref<128xf32, #tpu.memory_space<vmem>>, vector<16xf32>,
      %scan3A_58 = arith.constant 0 : i32
      scf.yield %scan3A_58 : i32
    }
    %scan3A_45 = arith.constant 8 : i32
    "tpu.region"() ({
      %run_scoped3A = tpu.sem_alloc : memref<!tpu.dma_semaphore, #tpu.memory_space<semaphore_mem>>
      %dma_start3A_52 = tpu.memref_slice %arg12[%mul3A_2] : memref<4096xf32, #tpu.memory_space<hbm>> -> memref<128xf32, #tpu.memory_space<hbm>>
      %dma_start3A_53 = tpu.memref_slice %arg12[%mul3A_2] : memref<4096xf32, #tpu.memory_space<hbm>> -> memref<128xf32, #tpu.memory_space<hbm>>
      tpu.enqueue_dma source(%arg18 : memref<128xf32, #tpu.memory_space<vmem>>) target(%dma_start3A_53 : memref<128xf32, #tpu.memory_space<hbm>>) target_semaphore(%run_scoped3A : memref<!tpu.dma_semaphore, #tpu.memory_space<semaphore_mem>>)
      %dma_wait3A_54 = tpu.memref_slice %arg12[%mul3A_2] : memref<4096xf32, #tpu.memory_space<hbm>> -> memref<128xf32, #tpu.memory_space<hbm>>
      %dma_wait3A_55 = tpu.memref_slice %arg12[%mul3A_2] : memref<4096xf32, #tpu.memory_space<hbm>> -> memref<128xf32, #tpu.memory_space<hbm>>
      tpu.wait_dma2 semaphore(%run_scoped3A : memref<!tpu.dma_semaphore, #tpu.memory_space<semaphore_mem>>) src(%arg18 : memref<128xf32, #tpu.memory_space<vmem>>) dst(%dma_wait3A_55 : memref<128xf32, #tpu.memory_space<hbm>>)
      tpu.yield
    }) : () -> ()
    "tpu.region"() ({
      %run_scoped3A = tpu.sem_alloc : memref<!tpu.dma_semaphore, #tpu.memory_space<semaphore_mem>>
      %dma_start3A_52 = tpu.memref_slice %arg8[%mul3A_2] : memref<4096xi32, #tpu.memory_space<hbm>> -> memref<128xi32, #tpu.memory_space<hbm>>
      %dma_start3A_53 = tpu.memref_slice %arg8[%mul3A_2] : memref<4096xi32, #tpu.memory_space<hbm>> -> memref<128xi32, #tpu.memory_space<hbm>>
      tpu.enqueue_dma source(%dma_start3A_53 : memref<128xi32, #tpu.memory_space<hbm>>) target(%arg14 : memref<128xi32, #tpu.memory_space<vmem>>) target_semaphore(%run_scoped3A : memref<!tpu.dma_semaphore, #tpu.memory_space<semaphore_mem>>)
      %dma_wait3A_54 = tpu.memref_slice %arg8[%mul3A_2] : memref<4096xi32, #tpu.memory_space<hbm>> -> memref<128xi32, #tpu.memory_space<hbm>>
      %dma_wait3A_55 = tpu.memref_slice %arg8[%mul3A_2] : memref<4096xi32, #tpu.memory_space<hbm>> -> memref<128xi32, #tpu.memory_space<hbm>>
      tpu.wait_dma2 semaphore(%run_scoped3A : memref<!tpu.dma_semaphore, #tpu.memory_space<semaphore_mem>>) src(%dma_wait3A_55 : memref<128xi32, #tpu.memory_space<hbm>>) dst(%arg14 : memref<128xi32, #tpu.memory_space<vmem>>)
      tpu.yield
    }) : () -> ()
    %dma_start3A_46 = arith.constant 0 : i32
    %dma_start3A_47 = arith.constant 0 : i32
    %dma_start3A_48 = tpu.memref_slice %arg4[%dma_start3A_46, %dma_start3A_47] : memref<1600000x16xf32, #tpu.memory_space<hbm>> -> memref<1600000x16xf32, #tpu.memory_space<hbm>>
    tpu.enqueue_indirect_dma source(%dma_start3A_48 : memref<1600000x16xf32, #tpu.memory_space<hbm>>) target(%arg16 : memref<128x16xf32, #tpu.memory_space<vmem>>) offsets(%arg14 : memref<128xi32, #tpu.memory_space<vmem>>) semaphore(%arg19 : memref<!tpu.dma_semaphore, #tpu.memory_space<semaphore_mem>>)
    %dma_wait3A_49 = arith.constant 0 : i32
    %dma_wait3A_50 = arith.constant 0 : i32
    %dma_wait3A_51 = tpu.memref_slice %arg4[%dma_wait3A_49, %dma_wait3A_50] : memref<1600000x16xf32, #tpu.memory_space<hbm>> -> memref<1600000x16xf32, #tpu.memory_space<hbm>>
    tpu.wait_indirect_dma semaphore(%arg19 : memref<!tpu.dma_semaphore, #tpu.memory_space<semaphore_mem>>) src(%dma_wait3A_51 : memref<1600000x16xf32, #tpu.memory_space<hbm>>) dst(%arg16 : memref<128x16xf32, #tpu.memory_space<vmem>>)
    "tpu.region"() ({
      %run_scoped3A = tpu.sem_alloc : memref<!tpu.dma_semaphore, #tpu.memory_space<semaphore_mem>>
      %dma_start3A_52 = arith.constant 0 : i32
      %dma_start3A_53 = tpu.memref_slice %arg13[%mul3A_2, %dma_start3A_52] : memref<4096x16xf32, #tpu.memory_space<hbm>> -> memref<128x16xf32, #tpu.memory_space<hbm>>
      %dma_start3A_54 = arith.constant 0 : i32
      %dma_start3A_55 = tpu.memref_slice %arg13[%mul3A_2, %dma_start3A_54] : memref<4096x16xf32, #tpu.memory_space<hbm>> -> memref<128x16xf32, #tpu.memory_space<hbm>>
      tpu.enqueue_dma source(%arg16 : memref<128x16xf32, #tpu.memory_space<vmem>>) target(%dma_start3A_55 : memref<128x16xf32, #tpu.memory_space<hbm>>) target_semaphore(%run_scoped3A : memref<!tpu.dma_semaphore, #tpu.memory_space<semaphore_mem>>)
      %dma_wait3A_56 = arith.constant 0 : i32
      %dma_wait3A_57 = tpu.memref_slice %arg13[%mul3A_2, %dma_wait3A_56] : memref<4096x16xf32, #tpu.memory_space<hbm>> -> memref<128x16xf32, #tpu.memory_space<hbm>>
      %dma_wait3A_58 = arith.constant 0 : i32
      %dma_wait3A_59 = tpu.memref_slice %arg13[%mul3A_2, %dma_wait3A_58] : memref<4096x16xf32, #tpu.memory_space<hbm>> -> memref<128x16xf32, #tpu.memory_space<hbm>>
      tpu.wait_dma2 semaphore(%run_scoped3A : memref<!tpu.dma_semaphore, #tpu.memory_space<semaphore_mem>>) src(%arg16 : memref<128x16xf32, #tpu.memory_space<vmem>>) dst(%dma_wait3A_59 : memref<128x16xf32, #tpu.memory_space<hbm>>)
      tpu.yield
    }) : () -> ()
    return
  }
}

module attributes {stable_mosaic.version = 14 : i64} {
  func.func @_msg_body(%arg0: memref<8192x128xf32, #tpu.memory_space<vmem>>, %arg1: memref<4096x16xf32, #tpu.memory_space<vmem>>, %arg2: memref<4096x1xf32, #tpu.memory_space<vmem>>, %arg3: memref<4096x1xf32, #tpu.memory_space<vmem>>, %arg4: memref<4096x1xf32, #tpu.memory_space<vmem>>, %arg5: memref<1x128xf32, #tpu.memory_space<vmem>>, %arg6: memref<1x128xf32, #tpu.memory_space<vmem>>, %arg7: memref<128x200xf32, #tpu.memory_space<vmem>>, %arg8: memref<128x200xf32, #tpu.memory_space<vmem>>, %arg9: memref<16x200xf32, #tpu.memory_space<vmem>>, %arg10: memref<128x200xf32, #tpu.memory_space<vmem>>, %arg11: memref<1x200xf32, #tpu.memory_space<vmem>>, %arg12: memref<200x100xf32, #tpu.memory_space<vmem>>, %arg13: memref<1x100xf32, #tpu.memory_space<vmem>>, %arg14: memref<8192x100xf32, #tpu.memory_space<vmem>>) attributes {dimension_semantics = [], scalar_prefetch = 0 : i64, scratch_operands = 0 : i64, tpu.core_type = #tpu.core_type<tc>} {
    %get3A = arith.constant 0 : index
    %get3A_0 = arith.constant 0 : index
    %get3A_1 = vector.load %arg0[%get3A, %get3A_0] : memref<8192x128xf32, #tpu.memory_space<vmem>>, vector<4096x128xf32>
    %get3A_2 = arith.constant 4096 : index
    %get3A_3 = arith.constant 0 : index
    %get3A_4 = vector.load %arg0[%get3A_2, %get3A_3] : memref<8192x128xf32, #tpu.memory_space<vmem>>, vector<4096x128xf32>
    %get3A_5 = arith.constant 0 : index
    %get3A_6 = arith.constant 0 : index
    %get3A_7 = vector.load %arg2[%get3A_5, %get3A_6] : memref<4096x1xf32, #tpu.memory_space<vmem>>, vector<4096x1xf32>
    %get3A_8 = arith.constant 0 : index
    %get3A_9 = arith.constant 0 : index
    %get3A_10 = vector.load %arg3[%get3A_8, %get3A_9] : memref<4096x1xf32, #tpu.memory_space<vmem>>, vector<4096x1xf32>
    %sub3A = arith.subf %get3A_7, %get3A_10 : vector<4096x1xf32>
    %get3A_11 = arith.constant 0 : index
    %get3A_12 = arith.constant 0 : index
    %get3A_13 = vector.load %arg5[%get3A_11, %get3A_12] : memref<1x128xf32, #tpu.memory_space<vmem>>, vector<1x128xf32>
    %mul3A = vector.broadcast %sub3A : vector<4096x1xf32> to vector<4096x128xf32>
    %mul3A_14 = vector.broadcast %get3A_13 : vector<1x128xf32> to vector<4096x128xf32>
    %mul3A_15 = arith.mulf %mul3A, %mul3A_14 : vector<4096x128xf32>
    %get3A_16 = arith.constant 0 : index
    %get3A_17 = arith.constant 0 : index
    %get3A_18 = vector.load %arg6[%get3A_16, %get3A_17] : memref<1x128xf32, #tpu.memory_space<vmem>>, vector<1x128xf32>
    %add3A = vector.broadcast %get3A_18 : vector<1x128xf32> to vector<4096x128xf32>
    %add3A_19 = arith.addf %mul3A_15, %add3A : vector<4096x128xf32>
    %cos3A = math.cos %add3A_19 : vector<4096x128xf32>
    %get3A_20 = arith.constant 0 : index
    %get3A_21 = arith.constant 0 : index
    %get3A_22 = vector.load %arg2[%get3A_20, %get3A_21] : memref<4096x1xf32, #tpu.memory_space<vmem>>, vector<4096x1xf32>
    %get3A_23 = arith.constant 0 : index
    %get3A_24 = arith.constant 0 : index
    %get3A_25 = vector.load %arg4[%get3A_23, %get3A_24] : memref<4096x1xf32, #tpu.memory_space<vmem>>, vector<4096x1xf32>
    %sub3A_26 = arith.subf %get3A_22, %get3A_25 : vector<4096x1xf32>
    %get3A_27 = arith.constant 0 : index
    %get3A_28 = arith.constant 0 : index
    %get3A_29 = vector.load %arg5[%get3A_27, %get3A_28] : memref<1x128xf32, #tpu.memory_space<vmem>>, vector<1x128xf32>
    %mul3A_30 = vector.broadcast %sub3A_26 : vector<4096x1xf32> to vector<4096x128xf32>
    %mul3A_31 = vector.broadcast %get3A_29 : vector<1x128xf32> to vector<4096x128xf32>
    %mul3A_32 = arith.mulf %mul3A_30, %mul3A_31 : vector<4096x128xf32>
    %get3A_33 = arith.constant 0 : index
    %get3A_34 = arith.constant 0 : index
    %get3A_35 = vector.load %arg6[%get3A_33, %get3A_34] : memref<1x128xf32, #tpu.memory_space<vmem>>, vector<1x128xf32>
    %add3A_36 = vector.broadcast %get3A_35 : vector<1x128xf32> to vector<4096x128xf32>
    %add3A_37 = arith.addf %mul3A_32, %add3A_36 : vector<4096x128xf32>
    %cos3A_38 = math.cos %add3A_37 : vector<4096x128xf32>
    %get3A_39 = arith.constant 0 : index
    %get3A_40 = arith.constant 0 : index
    %get3A_41 = vector.load %arg1[%get3A_39, %get3A_40] : memref<4096x16xf32, #tpu.memory_space<vmem>>, vector<4096x16xf32>
    %get3A_42 = arith.constant 0 : index
    %get3A_43 = arith.constant 0 : index
    %get3A_44 = vector.load %arg9[%get3A_42, %get3A_43] : memref<16x200xf32, #tpu.memory_space<vmem>>, vector<16x200xf32>
    %dot_general3A = arith.constant dense<0.000000e+00> : vector<4096x200xf32>
    %dot_general3A_45 = tpu.matmul %get3A_41, %get3A_44, %dot_general3A {dimension_numbers = #tpu.dot_dimension_numbers<[1], [0], [0], [1], [0, 0, 1, 1], [], []>, transpose_lhs_hint = false} : vector<4096x16xf32>, vector<16x200xf32>, vector<4096x200xf32> -> vector<4096x200xf32>
    %get3A_46 = arith.constant 0 : index
    %get3A_47 = arith.constant 0 : index
    %get3A_48 = vector.load %arg11[%get3A_46, %get3A_47] : memref<1x200xf32, #tpu.memory_space<vmem>>, vector<1x200xf32>
    %add3A_49 = vector.broadcast %get3A_48 : vector<1x200xf32> to vector<4096x200xf32>
    %add3A_50 = arith.addf %dot_general3A_45, %add3A_49 : vector<4096x200xf32>
    %get3A_51 = arith.constant 0 : index
    %get3A_52 = arith.constant 0 : index
    %get3A_53 = vector.load %arg7[%get3A_51, %get3A_52] : memref<128x200xf32, #tpu.memory_space<vmem>>, vector<128x200xf32>
    %dot_general3A_54 = arith.constant dense<0.000000e+00> : vector<4096x200xf32>
    %dot_general3A_55 = tpu.matmul %get3A_1, %get3A_53, %dot_general3A_54 {dimension_numbers = #tpu.dot_dimension_numbers<[1], [0], [0], [1], [0, 0, 1, 1], [], []>, transpose_lhs_hint = false} : vector<4096x128xf32>, vector<128x200xf32>, vector<4096x200xf32> -> vector<4096x200xf32>
    %get3A_56 = arith.constant 0 : index
    %get3A_57 = arith.constant 0 : index
    %get3A_58 = vector.load %arg8[%get3A_56, %get3A_57] : memref<128x200xf32, #tpu.memory_space<vmem>>, vector<128x200xf32>
    %dot_general3A_59 = arith.constant dense<0.000000e+00> : vector<4096x200xf32>
    %dot_general3A_60 = tpu.matmul %get3A_4, %get3A_58, %dot_general3A_59 {dimension_numbers = #tpu.dot_dimension_numbers<[1], [0], [0], [1], [0, 0, 1, 1], [], []>, transpose_lhs_hint = false} : vector<4096x128xf32>, vector<128x200xf32>, vector<4096x200xf32> -> vector<4096x200xf32>
    %add3A_61 = arith.addf %dot_general3A_55, %dot_general3A_60 : vector<4096x200xf32>
    %get3A_62 = arith.constant 0 : index
    %get3A_63 = arith.constant 0 : index
    %get3A_64 = vector.load %arg10[%get3A_62, %get3A_63] : memref<128x200xf32, #tpu.memory_space<vmem>>, vector<128x200xf32>
    %dot_general3A_65 = arith.constant dense<0.000000e+00> : vector<4096x200xf32>
    %dot_general3A_66 = tpu.matmul %cos3A, %get3A_64, %dot_general3A_65 {dimension_numbers = #tpu.dot_dimension_numbers<[1], [0], [0], [1], [0, 0, 1, 1], [], []>, transpose_lhs_hint = false} : vector<4096x128xf32>, vector<128x200xf32>, vector<4096x200xf32> -> vector<4096x200xf32>
    %add3A_67 = arith.addf %add3A_61, %dot_general3A_66 : vector<4096x200xf32>
    %add3A_68 = arith.addf %add3A_67, %add3A_50 : vector<4096x200xf32>
    %get3A_69 = arith.constant 0 : index
    %get3A_70 = arith.constant 0 : index
    %get3A_71 = vector.load %arg7[%get3A_69, %get3A_70] : memref<128x200xf32, #tpu.memory_space<vmem>>, vector<128x200xf32>
    %dot_general3A_72 = arith.constant dense<0.000000e+00> : vector<4096x200xf32>
    %dot_general3A_73 = tpu.matmul %get3A_4, %get3A_71, %dot_general3A_72 {dimension_numbers = #tpu.dot_dimension_numbers<[1], [0], [0], [1], [0, 0, 1, 1], [], []>, transpose_lhs_hint = false} : vector<4096x128xf32>, vector<128x200xf32>, vector<4096x200xf32> -> vector<4096x200xf32>
    %get3A_74 = arith.constant 0 : index
    %get3A_75 = arith.constant 0 : index
    %get3A_76 = vector.load %arg8[%get3A_74, %get3A_75] : memref<128x200xf32, #tpu.memory_space<vmem>>, vector<128x200xf32>
    %dot_general3A_77 = arith.constant dense<0.000000e+00> : vector<4096x200xf32>
    %dot_general3A_78 = tpu.matmul %get3A_1, %get3A_76, %dot_general3A_77 {dimension_numbers = #tpu.dot_dimension_numbers<[1], [0], [0], [1], [0, 0, 1, 1], [], []>, transpose_lhs_hint = false} : vector<4096x128xf32>, vector<128x200xf32>, vector<4096x200xf32> -> vector<4096x200xf32>
    %add3A_79 = arith.addf %dot_general3A_73, %dot_general3A_78 : vector<4096x200xf32>
    %get3A_80 = arith.constant 0 : index
    %get3A_81 = arith.constant 0 : index
    %get3A_82 = vector.load %arg10[%get3A_80, %get3A_81] : memref<128x200xf32, #tpu.memory_space<vmem>>, vector<128x200xf32>
    %dot_general3A_83 = arith.constant dense<0.000000e+00> : vector<4096x200xf32>
    %dot_general3A_84 = tpu.matmul %cos3A_38, %get3A_82, %dot_general3A_83 {dimension_numbers = #tpu.dot_dimension_numbers<[1], [0], [0], [1], [0, 0, 1, 1], [], []>, transpose_lhs_hint = false} : vector<4096x128xf32>, vector<128x200xf32>, vector<4096x200xf32> -> vector<4096x200xf32>
    %add3A_85 = arith.addf %add3A_79, %dot_general3A_84 : vector<4096x200xf32>
    %add3A_86 = arith.addf %add3A_85, %add3A_50 : vector<4096x200xf32>
    %max3A = arith.constant 0.000000e+00 : f32
    %max3A_87 = vector.broadcast %max3A : f32 to vector<4096x200xf32>
    %max3A_88 = arith.maximumf %add3A_68, %max3A_87 : vector<4096x200xf32>
    %get3A_89 = arith.constant 0 : index
    %get3A_90 = arith.constant 0 : index
    %get3A_91 = vector.load %arg12[%get3A_89, %get3A_90] : memref<200x100xf32, #tpu.memory_space<vmem>>, vector<200x100xf32>
    %dot_general3A_92 = arith.constant dense<0.000000e+00> : vector<4096x100xf32>
    %dot_general3A_93 = tpu.matmul %max3A_88, %get3A_91, %dot_general3A_92 {dimension_numbers = #tpu.dot_dimension_numbers<[1], [0], [0], [1], [0, 0, 1, 1], [], []>, transpose_lhs_hint = false} : vector<4096x200xf32>, vector<200x100xf32>, vector<4096x100xf32> -> vector<4096x100xf32>
    %get3A_94 = arith.constant 0 : index
    %get3A_95 = arith.constant 0 : index
    %get3A_96 = vector.load %arg13[%get3A_94, %get3A_95] : memref<1x100xf32, #tpu.memory_space<vmem>>, vector<1x100xf32>
    %add3A_97 = vector.broadcast %get3A_96 : vector<1x100xf32> to vector<4096x100xf32>
    %add3A_98 = arith.addf %dot_general3A_93, %add3A_97 : vector<4096x100xf32>
    %swap3A = arith.constant 0 : index
    %swap3A_99 = arith.constant 0 : index
    %swap3A_100 = vector.load %arg14[%swap3A, %swap3A_99] : memref<8192x100xf32, #tpu.memory_space<vmem>>, vector<4096x100xf32>
    tpu.vector_store %arg14[%swap3A, %swap3A_99], %add3A_98 {strides = array<i32>} : memref<8192x100xf32, #tpu.memory_space<vmem>>, vector<4096x100xf32>,
    %max3A_101 = arith.constant 0.000000e+00 : f32
    %max3A_102 = vector.broadcast %max3A_101 : f32 to vector<4096x200xf32>
    %max3A_103 = arith.maximumf %add3A_86, %max3A_102 : vector<4096x200xf32>
    %get3A_104 = arith.constant 0 : index
    %get3A_105 = arith.constant 0 : index
    %get3A_106 = vector.load %arg12[%get3A_104, %get3A_105] : memref<200x100xf32, #tpu.memory_space<vmem>>, vector<200x100xf32>
    %dot_general3A_107 = arith.constant dense<0.000000e+00> : vector<4096x100xf32>
    %dot_general3A_108 = tpu.matmul %max3A_103, %get3A_106, %dot_general3A_107 {dimension_numbers = #tpu.dot_dimension_numbers<[1], [0], [0], [1], [0, 0, 1, 1], [], []>, transpose_lhs_hint = false} : vector<4096x200xf32>, vector<200x100xf32>, vector<4096x100xf32> -> vector<4096x100xf32>
    %get3A_109 = arith.constant 0 : index
    %get3A_110 = arith.constant 0 : index
    %get3A_111 = vector.load %arg13[%get3A_109, %get3A_110] : memref<1x100xf32, #tpu.memory_space<vmem>>, vector<1x100xf32>
    %add3A_112 = vector.broadcast %get3A_111 : vector<1x100xf32> to vector<4096x100xf32>
    %add3A_113 = arith.addf %dot_general3A_108, %add3A_112 : vector<4096x100xf32>
    %swap3A_114 = arith.constant 4096 : index
    %swap3A_115 = arith.constant 0 : index
    %swap3A_116 = vector.load %arg14[%swap3A_114, %swap3A_115] : memref<8192x100xf32, #tpu.memory_space<vmem>>, vector<4096x100xf32>
    tpu.vector_store %arg14[%swap3A_114, %swap3A_115], %add3A_113 {strides = array<i32>} : memref<8192x100xf32, #tpu.memory_space<vmem>>, vector<4096x100xf32>,
    return
  }
}

module attributes {stable_mosaic.version = 14 : i64} {
  func.func @_agg_body(%arg0: i32, %arg1: memref<256x1xi32, #tpu.memory_space<vmem>>, %arg2: memref<1x8192xi32, #tpu.memory_space<vmem>>, %arg3: memref<8192x100xf32, #tpu.memory_space<vmem>>, %arg4: memref<256x128xf32, #tpu.memory_space<vmem>>, %arg5: memref<256x128xf32, #tpu.memory_space<vmem>>, %arg6: memref<100x384xf32, #tpu.memory_space<vmem>>, %arg7: memref<128x384xf32, #tpu.memory_space<vmem>>, %arg8: memref<1x384xf32, #tpu.memory_space<vmem>>, %arg9: memref<1x384xf32, #tpu.memory_space<vmem>>, %arg10: memref<256x128xf32, #tpu.memory_space<vmem>>, %arg11: memref<256x100xf32, #tpu.memory_space<vmem>>, %arg12: memref<256x1xf32, #tpu.memory_space<vmem>>) attributes {dimension_semantics = [#tpu.dimension_semantics<arbitrary>], iteration_bounds = array<i64: 32>, scalar_prefetch = 0 : i64, scratch_operands = 2 : i64, tpu.core_type = #tpu.core_type<tc>, window_params = [{transform_indices = @transform_0, window_bounds = array<i64: 256, 1>}, {pipeline_mode = #tpu.pipeline_mode<synchronous>, transform_indices = @transform_1, window_bounds = array<i64: 1, 8192>}, {pipeline_mode = #tpu.pipeline_mode<synchronous>, transform_indices = @transform_2, window_bounds = array<i64: 8192, 100>}, {transform_indices = @transform_3, window_bounds = array<i64: 256, 128>}, {transform_indices = @transform_4, window_bounds = array<i64: 256, 128>}, {pipeline_mode = #tpu.pipeline_mode<synchronous>, transform_indices = @transform_5, window_bounds = array<i64: 100, 384>}, {pipeline_mode = #tpu.pipeline_mode<synchronous>, transform_indices = @transform_6, window_bounds = array<i64: 128, 384>}, {pipeline_mode = #tpu.pipeline_mode<synchronous>, transform_indices = @transform_7, window_bounds = array<i64: 1, 384>}, {pipeline_mode = #tpu.pipeline_mode<synchronous>, transform_indices = @transform_8, window_bounds = array<i64: 1, 384>}, {transform_indices = @transform_9, window_bounds = array<i64: 256, 128>}]} {
    %broadcast_in_dim3A = arith.constant 0.000000e+00 : f32
    %broadcast_in_dim3A_0 = vector.broadcast %broadcast_in_dim3A : f32 to vector<256x100xf32>
    %swap3A = arith.constant 0 : index
    %swap3A_1 = arith.constant 0 : index
    %swap3A_2 = vector.load %arg11[%swap3A, %swap3A_1] : memref<256x100xf32, #tpu.memory_space<vmem>>, vector<256x100xf32>
    tpu.vector_store %arg11[%swap3A, %swap3A_1], %broadcast_in_dim3A_0 {strides = array<i32>} : memref<256x100xf32, #tpu.memory_space<vmem>>, vector<256x100xf32>,
    %broadcast_in_dim3A_3 = arith.constant 0.000000e+00 : f32
    %broadcast_in_dim3A_4 = vector.broadcast %broadcast_in_dim3A_3 : f32 to vector<256x1xf32>
    %swap3A_5 = arith.constant 0 : index
    %swap3A_6 = arith.constant 0 : index
    %swap3A_7 = vector.load %arg12[%swap3A_5, %swap3A_6] : memref<256x1xf32, #tpu.memory_space<vmem>>, vector<256x1xf32>
    tpu.vector_store %arg12[%swap3A_5, %swap3A_6], %broadcast_in_dim3A_4 {strides = array<i32>} : memref<256x1xf32, #tpu.memory_space<vmem>>, vector<256x1xf32>,
    %scan3A = arith.constant 0 : i32
    %scan3A_8 = arith.constant 16 : i32
    %scan3A_9 = arith.addi %scan3A, %scan3A_8 : i32
    %scan3A_10 = arith.constant 1 : i32
    scf.for %scan3A_73 = %scan3A to %scan3A_9 step %scan3A_10  : i32 {
      %mul3A_74 = arith.constant 512 : i32
      %mul3A_75 = arith.muli %scan3A_73, %mul3A_74 : i32
      %get3A_76 = arith.constant 0 : index
      %get3A_77 = arith.index_cast %mul3A_75 : i32 to index
      %get3A_78 = vector.load %arg2[%get3A_76, %get3A_77] : memref<1x8192xi32, #tpu.memory_space<vmem>>, vector<1x512xi32>
      %get3A_79 = arith.constant 0 : index
      %get3A_80 = arith.constant 0 : index
      %get3A_81 = vector.load %arg1[%get3A_79, %get3A_80] : memref<256x1xi32, #tpu.memory_space<vmem>>, vector<256x1xi32>
      %eq3A = vector.broadcast %get3A_81 : vector<256x1xi32> to vector<256x512xi32>
      %eq3A_82 = vector.broadcast %get3A_78 : vector<1x512xi32> to vector<256x512xi32>
      %eq3A_83 = arith.cmpi eq, %eq3A, %eq3A_82 : vector<256x512xi32>
      %convert_element_type3A = arith.extui %eq3A_83 : vector<256x512xi1> to vector<256x512xi32>
      %convert_element_type3A_84 = arith.sitofp %convert_element_type3A : vector<256x512xi32> to vector<256x512xf32>
      %get3A_85 = arith.constant 0 : index
      %get3A_86 = arith.constant 0 : index
      %get3A_87 = vector.load %arg11[%get3A_85, %get3A_86] : memref<256x100xf32, #tpu.memory_space<vmem>>, vector<256x100xf32>
      %mul3A_88 = arith.constant 512 : i32
      %mul3A_89 = arith.muli %scan3A_73, %mul3A_88 : i32
      %get3A_90 = arith.index_cast %mul3A_89 : i32 to index
      %get3A_91 = arith.constant 0 : index
      %get3A_92 = vector.load %arg3[%get3A_90, %get3A_91] : memref<8192x100xf32, #tpu.memory_space<vmem>>, vector<512x100xf32>
      %convert_element_type3A_93 = arith.truncf %convert_element_type3A_84 : vector<256x512xf32> to vector<256x512xbf16>
      %convert_element_type3A_94 = arith.truncf %get3A_92 : vector<512x100xf32> to vector<512x100xbf16>
      %dot_general3A_95 = arith.constant dense<0.000000e+00> : vector<256x100xf32>
      %dot_general3A_96 = tpu.matmul %convert_element_type3A_93, %convert_element_type3A_94, %dot_general3A_95 {dimension_numbers = #tpu.dot_dimension_numbers<[1], [0], [0], [1], [0, 0, 1, 1], [], []>, transpose_lhs_hint = false} : vector<256x512xbf16>, vector<512x100xbf16>, vector<256x100xf32> -> vector<256x100xf32>
      %add3A_97 = arith.addf %get3A_87, %dot_general3A_96 : vector<256x100xf32>
      %swap3A_98 = arith.constant 0 : index
      %swap3A_99 = arith.constant 0 : index
      %swap3A_100 = vector.load %arg11[%swap3A_98, %swap3A_99] : memref<256x100xf32, #tpu.memory_space<vmem>>, vector<256x100xf32>
      tpu.vector_store %arg11[%swap3A_98, %swap3A_99], %add3A_97 {strides = array<i32>} : memref<256x100xf32, #tpu.memory_space<vmem>>, vector<256x100xf32>,
      %get3A_101 = arith.constant 0 : index
      %get3A_102 = arith.constant 0 : index
      %get3A_103 = vector.load %arg12[%get3A_101, %get3A_102] : memref<256x1xf32, #tpu.memory_space<vmem>>, vector<256x1xf32>
      %reduce_sum3A = arith.constant dense<0.000000e+00> : vector<256xf32>
      %reduce_sum3A_104 = vector.multi_reduction <add>, %convert_element_type3A_84, %reduce_sum3A [1] : vector<256x512xf32> to vector<256xf32>
      %broadcast_in_dim3A_105 = vector.shape_cast %reduce_sum3A_104 : vector<256xf32> to vector<256x1xf32>
      %add3A_106 = arith.addf %get3A_103, %broadcast_in_dim3A_105 : vector<256x1xf32>
      %swap3A_107 = arith.constant 0 : index
      %swap3A_108 = arith.constant 0 : index
      %swap3A_109 = vector.load %arg12[%swap3A_107, %swap3A_108] : memref<256x1xf32, #tpu.memory_space<vmem>>, vector<256x1xf32>
      tpu.vector_store %arg12[%swap3A_107, %swap3A_108], %add3A_106 {strides = array<i32>} : memref<256x1xf32, #tpu.memory_space<vmem>>, vector<256x1xf32>,
    }
    %scan3A_11 = arith.constant 16 : i32
    %get3A = arith.constant 0 : index
    %get3A_12 = arith.constant 0 : index
    %get3A_13 = vector.load %arg11[%get3A, %get3A_12] : memref<256x100xf32, #tpu.memory_space<vmem>>, vector<256x100xf32>
    %get3A_14 = arith.constant 0 : index
    %get3A_15 = arith.constant 0 : index
    %get3A_16 = vector.load %arg12[%get3A_14, %get3A_15] : memref<256x1xf32, #tpu.memory_space<vmem>>, vector<256x1xf32>
    %div3A = vector.broadcast %get3A_16 : vector<256x1xf32> to vector<256x100xf32>
    %div3A_17 = arith.divf %get3A_13, %div3A : vector<256x100xf32>
    %get3A_18 = arith.constant 0 : index
    %get3A_19 = arith.constant 0 : index
    %get3A_20 = vector.load %arg6[%get3A_18, %get3A_19] : memref<100x384xf32, #tpu.memory_space<vmem>>, vector<100x384xf32>
    %dot_general3A = arith.constant dense<0.000000e+00> : vector<256x384xf32>
    %dot_general3A_21 = tpu.matmul %div3A_17, %get3A_20, %dot_general3A {dimension_numbers = #tpu.dot_dimension_numbers<[1], [0], [0], [1], [0, 0, 1, 1], [], []>, transpose_lhs_hint = false} : vector<256x100xf32>, vector<100x384xf32>, vector<256x384xf32> -> vector<256x384xf32>
    %get3A_22 = arith.constant 0 : index
    %get3A_23 = arith.constant 0 : index
    %get3A_24 = vector.load %arg8[%get3A_22, %get3A_23] : memref<1x384xf32, #tpu.memory_space<vmem>>, vector<1x384xf32>
    %add3A = vector.broadcast %get3A_24 : vector<1x384xf32> to vector<256x384xf32>
    %add3A_25 = arith.addf %dot_general3A_21, %add3A : vector<256x384xf32>
    %get3A_26 = arith.constant 0 : index
    %get3A_27 = arith.constant 0 : index
    %get3A_28 = vector.load %arg4[%get3A_26, %get3A_27] : memref<256x128xf32, #tpu.memory_space<vmem>>, vector<256x128xf32>
    %get3A_29 = arith.constant 0 : index
    %get3A_30 = arith.constant 0 : index
    %get3A_31 = vector.load %arg7[%get3A_29, %get3A_30] : memref<128x384xf32, #tpu.memory_space<vmem>>, vector<128x384xf32>
    %dot_general3A_32 = arith.constant dense<0.000000e+00> : vector<256x384xf32>
    %dot_general3A_33 = tpu.matmul %get3A_28, %get3A_31, %dot_general3A_32 {dimension_numbers = #tpu.dot_dimension_numbers<[1], [0], [0], [1], [0, 0, 1, 1], [], []>, transpose_lhs_hint = false} : vector<256x128xf32>, vector<128x384xf32>, vector<256x384xf32> -> vector<256x384xf32>
    %get3A_34 = arith.constant 0 : index
    %get3A_35 = arith.constant 0 : index
    %get3A_36 = vector.load %arg9[%get3A_34, %get3A_35] : memref<1x384xf32, #tpu.memory_space<vmem>>, vector<1x384xf32>
    %add3A_37 = vector.broadcast %get3A_36 : vector<1x384xf32> to vector<256x384xf32>
    %add3A_38 = arith.addf %dot_general3A_33, %add3A_37 : vector<256x384xf32>
    %slice3A = vector.extract_strided_slice %add3A_25 {offsets = [0, 0], sizes = [256, 128], strides = [1, 1]} : vector<256x384xf32> to vector<256x128xf32>
    %slice3A_39 = vector.extract_strided_slice %add3A_38 {offsets = [0, 0], sizes = [256, 128], strides = [1, 1]} : vector<256x384xf32> to vector<256x128xf32>
    %add3A_40 = arith.addf %slice3A, %slice3A_39 : vector<256x128xf32>
    %logistic3A = arith.negf %add3A_40 : vector<256x128xf32>
    %logistic3A_41 = math.exp %logistic3A : vector<256x128xf32>
    %logistic3A_42 = arith.constant 1.000000e+00 : f32
    %logistic3A_43 = vector.broadcast %logistic3A_42 : f32 to vector<256x128xf32>
    %logistic3A_44 = arith.addf %logistic3A_43, %logistic3A_41 : vector<256x128xf32>
    %logistic3A_45 = arith.divf %logistic3A_43, %logistic3A_44 : vector<256x128xf32>
    %slice3A_46 = vector.extract_strided_slice %add3A_25 {offsets = [0, 128], sizes = [256, 128], strides = [1, 1]} : vector<256x384xf32> to vector<256x128xf32>
    %slice3A_47 = vector.extract_strided_slice %add3A_38 {offsets = [0, 128], sizes = [256, 128], strides = [1, 1]} : vector<256x384xf32> to vector<256x128xf32>
    %add3A_48 = arith.addf %slice3A_46, %slice3A_47 : vector<256x128xf32>
    %logistic3A_49 = arith.negf %add3A_48 : vector<256x128xf32>
    %logistic3A_50 = math.exp %logistic3A_49 : vector<256x128xf32>
    %logistic3A_51 = arith.constant 1.000000e+00 : f32
    %logistic3A_52 = vector.broadcast %logistic3A_51 : f32 to vector<256x128xf32>
    %logistic3A_53 = arith.addf %logistic3A_52, %logistic3A_50 : vector<256x128xf32>
    %logistic3A_54 = arith.divf %logistic3A_52, %logistic3A_53 : vector<256x128xf32>
    %slice3A_55 = vector.extract_strided_slice %add3A_25 {offsets = [0, 256], sizes = [256, 128], strides = [1, 1]} : vector<256x384xf32> to vector<256x128xf32>
    %slice3A_56 = vector.extract_strided_slice %add3A_38 {offsets = [0, 256], sizes = [256, 128], strides = [1, 1]} : vector<256x384xf32> to vector<256x128xf32>
    %mul3A = arith.mulf %logistic3A_45, %slice3A_56 : vector<256x128xf32>
    %add3A_57 = arith.addf %slice3A_55, %mul3A : vector<256x128xf32>
    %tanh3A = math.tanh %add3A_57 : vector<256x128xf32>
    %sub3A = arith.constant 1.000000e+00 : f32
    %sub3A_58 = vector.broadcast %sub3A : f32 to vector<256x128xf32>
    %sub3A_59 = arith.subf %sub3A_58, %logistic3A_54 : vector<256x128xf32>
    %mul3A_60 = arith.mulf %sub3A_59, %tanh3A : vector<256x128xf32>
    %get3A_61 = arith.constant 0 : index
    %get3A_62 = arith.constant 0 : index
    %get3A_63 = vector.load %arg4[%get3A_61, %get3A_62] : memref<256x128xf32, #tpu.memory_space<vmem>>, vector<256x128xf32>
    %mul3A_64 = arith.mulf %logistic3A_54, %get3A_63 : vector<256x128xf32>
    %add3A_65 = arith.addf %mul3A_60, %mul3A_64 : vector<256x128xf32>
    %get3A_66 = arith.constant 0 : index
    %get3A_67 = arith.constant 0 : index
    %get3A_68 = vector.load %arg5[%get3A_66, %get3A_67] : memref<256x128xf32, #tpu.memory_space<vmem>>, vector<256x128xf32>
    %add3A_69 = arith.addf %get3A_68, %add3A_65 : vector<256x128xf32>
    %swap3A_70 = arith.constant 0 : index
    %swap3A_71 = arith.constant 0 : index
    %swap3A_72 = vector.load %arg10[%swap3A_70, %swap3A_71] : memref<256x128xf32, #tpu.memory_space<vmem>>, vector<256x128xf32>
    tpu.vector_store %arg10[%swap3A_70, %swap3A_71], %add3A_69 {strides = array<i32>} : memref<256x128xf32, #tpu.memory_space<vmem>>, vector<256x128xf32>,
    return
  }
  func.func @transform_0(%arg0: i32) -> (i32, i32) {
    %c0_i32 = arith.constant 0 : i32
    %c0_i32_0 = arith.constant 0 : i32
    return %arg0, %c0_i32 : i32, i32
  }
  func.func @transform_1(%arg0: i32) -> (i32, i32) {
    %c0_i32 = arith.constant 0 : i32
    %c0_i32_0 = arith.constant 0 : i32
    %c0_i32_1 = arith.constant 0 : i32
    return %c0_i32, %c0_i32_0 : i32, i32
  }
  func.func @transform_2(%arg0: i32) -> (i32, i32) {
    %c0_i32 = arith.constant 0 : i32
    %c0_i32_0 = arith.constant 0 : i32
    %c0_i32_1 = arith.constant 0 : i32
    return %c0_i32, %c0_i32_0 : i32, i32
  }
  func.func @transform_3(%arg0: i32) -> (i32, i32) {
    %c0_i32 = arith.constant 0 : i32
    %c0_i32_0 = arith.constant 0 : i32
    return %arg0, %c0_i32 : i32, i32
  }
  func.func @transform_4(%arg0: i32) -> (i32, i32) {
    %c0_i32 = arith.constant 0 : i32
    %c0_i32_0 = arith.constant 0 : i32
    return %arg0, %c0_i32 : i32, i32
  }
  func.func @transform_5(%arg0: i32) -> (i32, i32) {
    %c0_i32 = arith.constant 0 : i32
    %c0_i32_0 = arith.constant 0 : i32
    %c0_i32_1 = arith.constant 0 : i32
    return %c0_i32, %c0_i32_0 : i32, i32
  }
  func.func @transform_6(%arg0: i32) -> (i32, i32) {
    %c0_i32 = arith.constant 0 : i32
    %c0_i32_0 = arith.constant 0 : i32
    %c0_i32_1 = arith.constant 0 : i32
    return %c0_i32, %c0_i32_0 : i32, i32
  }
  func.func @transform_7(%arg0: i32) -> (i32, i32) {
    %c0_i32 = arith.constant 0 : i32
    %c0_i32_0 = arith.constant 0 : i32
    %c0_i32_1 = arith.constant 0 : i32
    return %c0_i32, %c0_i32_0 : i32, i32
  }
  func.func @transform_8(%arg0: i32) -> (i32, i32) {
    %c0_i32 = arith.constant 0 : i32
    %c0_i32_0 = arith.constant 0 : i32
    %c0_i32_1 = arith.constant 0 : i32
    return %c0_i32, %c0_i32_0 : i32, i32
  }
  func.func @transform_9(%arg0: i32) -> (i32, i32) {
    %c0_i32 = arith.constant 0 : i32
    %c0_i32_0 = arith.constant 0 : i32
    return %arg0, %c0_i32 : i32, i32
  }
}

module attributes {stable_mosaic.version = 14 : i64} {
  func.func @_attn_body(%arg0: i32, %arg1: memref<256x128xf32, #tpu.memory_space<vmem>>, %arg2: memref<5120x128xf32, #tpu.memory_space<vmem>>, %arg3: memref<256x20xf32, #tpu.memory_space<vmem>>, %arg4: memref<5120x16xf32, #tpu.memory_space<vmem>>, %arg5: memref<256x1xf32, #tpu.memory_space<vmem>>, %arg6: memref<1x128xf32, #tpu.memory_space<vmem>>, %arg7: memref<1x128xf32, #tpu.memory_space<vmem>>, %arg8: memref<128x256xf32, #tpu.memory_space<vmem>>, %arg9: memref<128x256xf32, #tpu.memory_space<vmem>>, %arg10: memref<128x256xf32, #tpu.memory_space<vmem>>, %arg11: memref<128x256xf32, #tpu.memory_space<vmem>>, %arg12: memref<16x256xf32, #tpu.memory_space<vmem>>, %arg13: memref<128x256xf32, #tpu.memory_space<vmem>>, %arg14: memref<128x256xf32, #tpu.memory_space<vmem>>, %arg15: memref<16x256xf32, #tpu.memory_space<vmem>>, %arg16: memref<128x256xf32, #tpu.memory_space<vmem>>, %arg17: memref<128x256xf32, #tpu.memory_space<vmem>>, %arg18: memref<256x128xf32, #tpu.memory_space<vmem>>, %arg19: memref<128x128xf32, #tpu.memory_space<vmem>>, %arg20: memref<1x128xf32, #tpu.memory_space<vmem>>, %arg21: memref<128x128xf32, #tpu.memory_space<vmem>>, %arg22: memref<1x128xf32, #tpu.memory_space<vmem>>, %arg23: memref<256x128xf32, #tpu.memory_space<vmem>>) attributes {dimension_semantics = [#tpu.dimension_semantics<arbitrary>], iteration_bounds = array<i64: 48>, scalar_prefetch = 0 : i64, scratch_operands = 0 : i64, tpu.core_type = #tpu.core_type<tc>, window_params = [{transform_indices = @transform_0, window_bounds = array<i64: 256, 128>}, {transform_indices = @transform_1, window_bounds = array<i64: 5120, 128>}, {transform_indices = @transform_2, window_bounds = array<i64: 256, 20>}, {transform_indices = @transform_3, window_bounds = array<i64: 5120, 16>}, {transform_indices = @transform_4, window_bounds = array<i64: 256, 1>}, {pipeline_mode = #tpu.pipeline_mode<synchronous>, transform_indices = @transform_5, window_bounds = array<i64: 1, 128>}, {pipeline_mode = #tpu.pipeline_mode<synchronous>, transform_indices = @transform_6, window_bounds = array<i64: 1, 128>}, {pipeline_mode = #tpu.pipeline_mode<synchronous>, transform_indices = @transform_7, window_bounds = array<i64: 128, 256>}, {pipeline_mode = #tpu.pipeline_mode<synchronous>, transform_indices = @transform_8, window_bounds = array<i64: 128, 256>}, {pipeline_mode = #tpu.pipeline_mode<synchronous>, transform_indices = @transform_9, window_bounds = array<i64: 128, 256>}, {pipeline_mode = #tpu.pipeline_mode<synchronous>, transform_indices = @transform_10, window_bounds = array<i64: 128, 256>}, {pipeline_mode = #tpu.pipeline_mode<synchronous>, transform_indices = @transform_11, window_bounds = array<i64: 16, 256>}, {pipeline_mode = #tpu.pipeline_mode<synchronous>, transform_indices = @transform_12, window_bounds = array<i64: 128, 256>}, {pipeline_mode = #tpu.pipeline_mode<synchronous>, transform_indices = @transform_13, window_bounds = array<i64: 128, 256>}, {pipeline_mode = #tpu.pipeline_mode<synchronous>, transform_indices = @transform_14, window_bounds = array<i64: 16, 256>}, {pipeline_mode = #tpu.pipeline_mode<synchronous>, transform_indices = @transform_15, window_bounds = array<i64: 128, 256>}, {pipeline_mode = #tpu.pipeline_mode<synchronous>, transform_indices = @transform_16, window_bounds = array<i64: 128, 256>}, {pipeline_mode = #tpu.pipeline_mode<synchronous>, transform_indices = @transform_17, window_bounds = array<i64: 256, 128>}, {pipeline_mode = #tpu.pipeline_mode<synchronous>, transform_indices = @transform_18, window_bounds = array<i64: 128, 128>}, {pipeline_mode = #tpu.pipeline_mode<synchronous>, transform_indices = @transform_19, window_bounds = array<i64: 1, 128>}, {pipeline_mode = #tpu.pipeline_mode<synchronous>, transform_indices = @transform_20, window_bounds = array<i64: 128, 128>}, {pipeline_mode = #tpu.pipeline_mode<synchronous>, transform_indices = @transform_21, window_bounds = array<i64: 1, 128>}, {transform_indices = @transform_22, window_bounds = array<i64: 256, 128>}]} {
    %get3A = arith.constant 0 : index
    %get3A_0 = arith.constant 0 : index
    %get3A_1 = vector.load %arg1[%get3A, %get3A_0] : memref<256x128xf32, #tpu.memory_space<vmem>>, vector<256x128xf32>
    %get3A_2 = arith.constant 0 : index
    %get3A_3 = arith.constant 0 : index
    %get3A_4 = vector.load %arg7[%get3A_2, %get3A_3] : memref<1x128xf32, #tpu.memory_space<vmem>>, vector<1x128xf32>
    %cos3A = math.cos %get3A_4 : vector<1x128xf32>
    %get3A_5 = arith.constant 0 : index
    %get3A_6 = arith.constant 0 : index
    %get3A_7 = vector.load %arg8[%get3A_5, %get3A_6] : memref<128x256xf32, #tpu.memory_space<vmem>>, vector<128x256xf32>
    %dot_general3A = arith.constant dense<0.000000e+00> : vector<256x256xf32>
    %dot_general3A_8 = tpu.matmul %get3A_1, %get3A_7, %dot_general3A {dimension_numbers = #tpu.dot_dimension_numbers<[1], [0], [0], [1], [0, 0, 1, 1], [], []>, transpose_lhs_hint = false} : vector<256x128xf32>, vector<128x256xf32>, vector<256x256xf32> -> vector<256x256xf32>
    %get3A_9 = arith.constant 0 : index
    %get3A_10 = arith.constant 0 : index
    %get3A_11 = vector.load %arg9[%get3A_9, %get3A_10] : memref<128x256xf32, #tpu.memory_space<vmem>>, vector<128x256xf32>
    %dot_general3A_12 = arith.constant dense<0.000000e+00> : vector<1x256xf32>
    %dot_general3A_13 = tpu.matmul %cos3A, %get3A_11, %dot_general3A_12 {dimension_numbers = #tpu.dot_dimension_numbers<[1], [0], [0], [1], [0, 0, 1, 1], [], []>, transpose_lhs_hint = false} : vector<1x128xf32>, vector<128x256xf32>, vector<1x256xf32> -> vector<1x256xf32>
    %add3A = vector.broadcast %dot_general3A_13 : vector<1x256xf32> to vector<256x256xf32>
    %add3A_14 = arith.addf %dot_general3A_8, %add3A : vector<256x256xf32>
    %get3A_15 = arith.constant 0 : index
    %get3A_16 = arith.constant 0 : index
    %get3A_17 = vector.load %arg5[%get3A_15, %get3A_16] : memref<256x1xf32, #tpu.memory_space<vmem>>, vector<256x1xf32>
    %get3A_18 = arith.constant 0 : index
    %get3A_19 = arith.constant 0 : index
    %get3A_20 = vector.load %arg3[%get3A_18, %get3A_19] : memref<256x20xf32, #tpu.memory_space<vmem>>, vector<256x20xf32>
    %sub3A = vector.broadcast %get3A_17 : vector<256x1xf32> to vector<256x20xf32>
    %sub3A_21 = arith.subf %sub3A, %get3A_20 : vector<256x20xf32>
    %get3A_22 = arith.constant 0 : index
    %get3A_23 = arith.constant 0 : index
    %get3A_24 = vector.load %arg6[%get3A_22, %get3A_23] : memref<1x128xf32, #tpu.memory_space<vmem>>, vector<1x128xf32>
    %reshape3A = vector.shape_cast %get3A_24 : vector<1x128xf32> to vector<1x1x128xf32>
    %get3A_25 = arith.constant 0 : index
    %get3A_26 = arith.constant 0 : index
    %get3A_27 = vector.load %arg7[%get3A_25, %get3A_26] : memref<1x128xf32, #tpu.memory_space<vmem>>, vector<1x128xf32>
    %reshape3A_28 = vector.shape_cast %get3A_27 : vector<1x128xf32> to vector<1x1x128xf32>
    %broadcast_in_dim3A = vector.shape_cast %sub3A_21 : vector<256x20xf32> to vector<256x20x1xf32>
    %mul3A = vector.broadcast %broadcast_in_dim3A : vector<256x20x1xf32> to vector<256x20x128xf32>
    %mul3A_29 = vector.broadcast %reshape3A : vector<1x1x128xf32> to vector<256x20x128xf32>
    %mul3A_30 = arith.mulf %mul3A, %mul3A_29 : vector<256x20x128xf32>
    %add3A_31 = vector.broadcast %reshape3A_28 : vector<1x1x128xf32> to vector<256x20x128xf32>
    %add3A_32 = arith.addf %mul3A_30, %add3A_31 : vector<256x20x128xf32>
    %cos3A_33 = math.cos %add3A_32 : vector<256x20x128xf32>
    %get3A_34 = arith.constant 0 : index
    %get3A_35 = arith.constant 0 : index
    %get3A_36 = vector.load %arg2[%get3A_34, %get3A_35] : memref<5120x128xf32, #tpu.memory_space<vmem>>, vector<5120x128xf32>
    %reshape3A_37 = vector.shape_cast %cos3A_33 : vector<256x20x128xf32> to vector<5120x128xf32>
    %get3A_38 = arith.constant 0 : index
    %get3A_39 = arith.constant 0 : index
    %get3A_40 = vector.load %arg4[%get3A_38, %get3A_39] : memref<5120x16xf32, #tpu.memory_space<vmem>>, vector<5120x16xf32>
    %get3A_41 = arith.constant 0 : index
    %get3A_42 = arith.constant 0 : index
    %get3A_43 = vector.load %arg10[%get3A_41, %get3A_42] : memref<128x256xf32, #tpu.memory_space<vmem>>, vector<128x256xf32>
    %convert_element_type3A = arith.truncf %get3A_36 : vector<5120x128xf32> to vector<5120x128xbf16>
    %convert_element_type3A_44 = arith.truncf %get3A_43 : vector<128x256xf32> to vector<128x256xbf16>
    %dot_general3A_45 = arith.constant dense<0.000000e+00> : vector<5120x256xf32>
    %dot_general3A_46 = tpu.matmul %convert_element_type3A, %convert_element_type3A_44, %dot_general3A_45 {dimension_numbers = #tpu.dot_dimension_numbers<[1], [0], [0], [1], [0, 0, 1, 1], [], []>, transpose_lhs_hint = false} : vector<5120x128xbf16>, vector<128x256xbf16>, vector<5120x256xf32> -> vector<5120x256xf32>
    %get3A_47 = arith.constant 0 : index
    %get3A_48 = arith.constant 0 : index
    %get3A_49 = vector.load %arg11[%get3A_47, %get3A_48] : memref<128x256xf32, #tpu.memory_space<vmem>>, vector<128x256xf32>
    %convert_element_type3A_50 = arith.truncf %reshape3A_37 : vector<5120x128xf32> to vector<5120x128xbf16>
    %convert_element_type3A_51 = arith.truncf %get3A_49 : vector<128x256xf32> to vector<128x256xbf16>
    %dot_general3A_52 = arith.constant dense<0.000000e+00> : vector<5120x256xf32>
    %dot_general3A_53 = tpu.matmul %convert_element_type3A_50, %convert_element_type3A_51, %dot_general3A_52 {dimension_numbers = #tpu.dot_dimension_numbers<[1], [0], [0], [1], [0, 0, 1, 1], [], []>, transpose_lhs_hint = false} : vector<5120x128xbf16>, vector<128x256xbf16>, vector<5120x256xf32> -> vector<5120x256xf32>
    %add3A_54 = arith.addf %dot_general3A_46, %dot_general3A_53 : vector<5120x256xf32>
    %get3A_55 = arith.constant 0 : index
    %get3A_56 = arith.constant 0 : index
    %get3A_57 = vector.load %arg12[%get3A_55, %get3A_56] : memref<16x256xf32, #tpu.memory_space<vmem>>, vector<16x256xf32>
    %convert_element_type3A_58 = arith.truncf %get3A_40 : vector<5120x16xf32> to vector<5120x16xbf16>
    %convert_element_type3A_59 = arith.truncf %get3A_57 : vector<16x256xf32> to vector<16x256xbf16>
    %dot_general3A_60 = arith.constant dense<0.000000e+00> : vector<5120x256xf32>
    %dot_general3A_61 = tpu.matmul %convert_element_type3A_58, %convert_element_type3A_59, %dot_general3A_60 {dimension_numbers = #tpu.dot_dimension_numbers<[1], [0], [0], [1], [0, 0, 1, 1], [], []>, transpose_lhs_hint = false} : vector<5120x16xbf16>, vector<16x256xbf16>, vector<5120x256xf32> -> vector<5120x256xf32>
    %add3A_62 = arith.addf %add3A_54, %dot_general3A_61 : vector<5120x256xf32>
    %get3A_63 = arith.constant 0 : index
    %get3A_64 = arith.constant 0 : index
    %get3A_65 = vector.load %arg13[%get3A_63, %get3A_64] : memref<128x256xf32, #tpu.memory_space<vmem>>, vector<128x256xf32>
    %convert_element_type3A_66 = arith.truncf %get3A_36 : vector<5120x128xf32> to vector<5120x128xbf16>
    %convert_element_type3A_67 = arith.truncf %get3A_65 : vector<128x256xf32> to vector<128x256xbf16>
    %dot_general3A_68 = arith.constant dense<0.000000e+00> : vector<5120x256xf32>
    %dot_general3A_69 = tpu.matmul %convert_element_type3A_66, %convert_element_type3A_67, %dot_general3A_68 {dimension_numbers = #tpu.dot_dimension_numbers<[1], [0], [0], [1], [0, 0, 1, 1], [], []>, transpose_lhs_hint = false} : vector<5120x128xbf16>, vector<128x256xbf16>, vector<5120x256xf32> -> vector<5120x256xf32>
    %get3A_70 = arith.constant 0 : index
    %get3A_71 = arith.constant 0 : index
    %get3A_72 = vector.load %arg14[%get3A_70, %get3A_71] : memref<128x256xf32, #tpu.memory_space<vmem>>, vector<128x256xf32>
    %convert_element_type3A_73 = arith.truncf %reshape3A_37 : vector<5120x128xf32> to vector<5120x128xbf16>
    %convert_element_type3A_74 = arith.truncf %get3A_72 : vector<128x256xf32> to vector<128x256xbf16>
    %dot_general3A_75 = arith.constant dense<0.000000e+00> : vector<5120x256xf32>
    %dot_general3A_76 = tpu.matmul %convert_element_type3A_73, %convert_element_type3A_74, %dot_general3A_75 {dimension_numbers = #tpu.dot_dimension_numbers<[1], [0], [0], [1], [0, 0, 1, 1], [], []>, transpose_lhs_hint = false} : vector<5120x128xbf16>, vector<128x256xbf16>, vector<5120x256xf32> -> vector<5120x256xf32>
    %add3A_77 = arith.addf %dot_general3A_69, %dot_general3A_76 : vector<5120x256xf32>
    %get3A_78 = arith.constant 0 : index
    %get3A_79 = arith.constant 0 : index
    %get3A_80 = vector.load %arg15[%get3A_78, %get3A_79] : memref<16x256xf32, #tpu.memory_space<vmem>>, vector<16x256xf32>
    %convert_element_type3A_81 = arith.truncf %get3A_40 : vector<5120x16xf32> to vector<5120x16xbf16>
    %convert_element_type3A_82 = arith.truncf %get3A_80 : vector<16x256xf32> to vector<16x256xbf16>
    %dot_general3A_83 = arith.constant dense<0.000000e+00> : vector<5120x256xf32>
    %dot_general3A_84 = tpu.matmul %convert_element_type3A_81, %convert_element_type3A_82, %dot_general3A_83 {dimension_numbers = #tpu.dot_dimension_numbers<[1], [0], [0], [1], [0, 0, 1, 1], [], []>, transpose_lhs_hint = false} : vector<5120x16xbf16>, vector<16x256xbf16>, vector<5120x256xf32> -> vector<5120x256xf32>
    %add3A_85 = arith.addf %add3A_77, %dot_general3A_84 : vector<5120x256xf32>
    %slice3A = vector.extract_strided_slice %add3A_62 {offsets = [0, 0], sizes = [5120, 128], strides = [1, 1]} : vector<5120x256xf32> to vector<5120x128xf32>
    %reshape3A_86 = vector.shape_cast %slice3A : vector<5120x128xf32> to vector<256x20x128xf32>
    %slice3A_87 = vector.extract_strided_slice %add3A_85 {offsets = [0, 0], sizes = [5120, 128], strides = [1, 1]} : vector<5120x256xf32> to vector<5120x128xf32>
    %reshape3A_88 = vector.shape_cast %slice3A_87 : vector<5120x128xf32> to vector<256x20x128xf32>
    %slice3A_89 = vector.extract_strided_slice %add3A_14 {offsets = [0, 0], sizes = [256, 128], strides = [1, 1]} : vector<256x256xf32> to vector<256x128xf32>
    %broadcast_in_dim3A_90 = vector.shape_cast %slice3A_89 : vector<256x128xf32> to vector<256x1x128xf32>
    %mul3A_91 = vector.broadcast %broadcast_in_dim3A_90 : vector<256x1x128xf32> to vector<256x20x128xf32>
    %mul3A_92 = arith.mulf %mul3A_91, %reshape3A_86 : vector<256x20x128xf32>
    %reduce_sum3A = arith.constant dense<0.000000e+00> : vector<256x20xf32>
    %reduce_sum3A_93 = vector.multi_reduction <add>, %mul3A_92, %reduce_sum3A [2] : vector<256x20x128xf32> to vector<256x20xf32>
    %mul3A_94 = arith.constant 0.0883883461 : f32
    %mul3A_95 = vector.broadcast %mul3A_94 : f32 to vector<256x20xf32>
    %mul3A_96 = arith.mulf %reduce_sum3A_93, %mul3A_95 : vector<256x20xf32>
    %reduce_max3A = arith.constant dense<0xFF800000> : vector<256xf32>
    %reduce_max3A_97 = vector.multi_reduction <maximumf>, %mul3A_96, %reduce_max3A [1] : vector<256x20xf32> to vector<256xf32>
    %broadcast_in_dim3A_98 = vector.shape_cast %reduce_max3A_97 : vector<256xf32> to vector<256x1xf32>
    %sub3A_99 = vector.broadcast %broadcast_in_dim3A_98 : vector<256x1xf32> to vector<256x20xf32>
    %sub3A_100 = arith.subf %mul3A_96, %sub3A_99 : vector<256x20xf32>
    %exp3A = math.exp %sub3A_100 : vector<256x20xf32>
    %reduce_sum3A_101 = arith.constant dense<0.000000e+00> : vector<256xf32>
    %reduce_sum3A_102 = vector.multi_reduction <add>, %exp3A, %reduce_sum3A_101 [1] : vector<256x20xf32> to vector<256xf32>
    %broadcast_in_dim3A_103 = vector.shape_cast %reduce_sum3A_102 : vector<256xf32> to vector<256x1xf32>
    %div3A = vector.broadcast %broadcast_in_dim3A_103 : vector<256x1xf32> to vector<256x20xf32>
    %div3A_104 = arith.divf %exp3A, %div3A : vector<256x20xf32>
    %broadcast_in_dim3A_105 = vector.shape_cast %div3A_104 : vector<256x20xf32> to vector<256x20x1xf32>
    %mul3A_106 = vector.broadcast %broadcast_in_dim3A_105 : vector<256x20x1xf32> to vector<256x20x128xf32>
    %mul3A_107 = arith.mulf %mul3A_106, %reshape3A_88 : vector<256x20x128xf32>
    %reduce_sum3A_108 = arith.constant dense<0.000000e+00> : vector<256x128xf32>
    %reduce_sum3A_109 = vector.multi_reduction <add>, %mul3A_107, %reduce_sum3A_108 [1] : vector<256x20x128xf32> to vector<256x128xf32>
    %slice3A_110 = vector.extract_strided_slice %add3A_62 {offsets = [0, 128], sizes = [5120, 128], strides = [1, 1]} : vector<5120x256xf32> to vector<5120x128xf32>
    %reshape3A_111 = vector.shape_cast %slice3A_110 : vector<5120x128xf32> to vector<256x20x128xf32>
    %slice3A_112 = vector.extract_strided_slice %add3A_85 {offsets = [0, 128], sizes = [5120, 128], strides = [1, 1]} : vector<5120x256xf32> to vector<5120x128xf32>
    %reshape3A_113 = vector.shape_cast %slice3A_112 : vector<5120x128xf32> to vector<256x20x128xf32>
    %slice3A_114 = vector.extract_strided_slice %add3A_14 {offsets = [0, 128], sizes = [256, 128], strides = [1, 1]} : vector<256x256xf32> to vector<256x128xf32>
    %broadcast_in_dim3A_115 = vector.shape_cast %slice3A_114 : vector<256x128xf32> to vector<256x1x128xf32>
    %mul3A_116 = vector.broadcast %broadcast_in_dim3A_115 : vector<256x1x128xf32> to vector<256x20x128xf32>
    %mul3A_117 = arith.mulf %mul3A_116, %reshape3A_111 : vector<256x20x128xf32>
    %reduce_sum3A_118 = arith.constant dense<0.000000e+00> : vector<256x20xf32>
    %reduce_sum3A_119 = vector.multi_reduction <add>, %mul3A_117, %reduce_sum3A_118 [2] : vector<256x20x128xf32> to vector<256x20xf32>
    %mul3A_120 = arith.constant 0.0883883461 : f32
    %mul3A_121 = vector.broadcast %mul3A_120 : f32 to vector<256x20xf32>
    %mul3A_122 = arith.mulf %reduce_sum3A_119, %mul3A_121 : vector<256x20xf32>
    %reduce_max3A_123 = arith.constant dense<0xFF800000> : vector<256xf32>
    %reduce_max3A_124 = vector.multi_reduction <maximumf>, %mul3A_122, %reduce_max3A_123 [1] : vector<256x20xf32> to vector<256xf32>
    %broadcast_in_dim3A_125 = vector.shape_cast %reduce_max3A_124 : vector<256xf32> to vector<256x1xf32>
    %sub3A_126 = vector.broadcast %broadcast_in_dim3A_125 : vector<256x1xf32> to vector<256x20xf32>
    %sub3A_127 = arith.subf %mul3A_122, %sub3A_126 : vector<256x20xf32>
    %exp3A_128 = math.exp %sub3A_127 : vector<256x20xf32>
    %reduce_sum3A_129 = arith.constant dense<0.000000e+00> : vector<256xf32>
    %reduce_sum3A_130 = vector.multi_reduction <add>, %exp3A_128, %reduce_sum3A_129 [1] : vector<256x20xf32> to vector<256xf32>
    %broadcast_in_dim3A_131 = vector.shape_cast %reduce_sum3A_130 : vector<256xf32> to vector<256x1xf32>
    %div3A_132 = vector.broadcast %broadcast_in_dim3A_131 : vector<256x1xf32> to vector<256x20xf32>
    %div3A_133 = arith.divf %exp3A_128, %div3A_132 : vector<256x20xf32>
    %broadcast_in_dim3A_134 = vector.shape_cast %div3A_133 : vector<256x20xf32> to vector<256x20x1xf32>
    %mul3A_135 = vector.broadcast %broadcast_in_dim3A_134 : vector<256x20x1xf32> to vector<256x20x128xf32>
    %mul3A_136 = arith.mulf %mul3A_135, %reshape3A_113 : vector<256x20x128xf32>
    %reduce_sum3A_137 = arith.constant dense<0.000000e+00> : vector<256x128xf32>
    %reduce_sum3A_138 = vector.multi_reduction <add>, %mul3A_136, %reduce_sum3A_137 [1] : vector<256x20x128xf32> to vector<256x128xf32>
    %get3A_139 = arith.constant 0 : index
    %get3A_140 = arith.constant 0 : index
    %get3A_141 = vector.load %arg16[%get3A_139, %get3A_140] : memref<128x256xf32, #tpu.memory_space<vmem>>, vector<128x256xf32>
    %dot_general3A_142 = arith.constant dense<0.000000e+00> : vector<256x256xf32>
    %dot_general3A_143 = tpu.matmul %reduce_sum3A_109, %get3A_141, %dot_general3A_142 {dimension_numbers = #tpu.dot_dimension_numbers<[1], [0], [0], [1], [0, 0, 1, 1], [], []>, transpose_lhs_hint = false} : vector<256x128xf32>, vector<128x256xf32>, vector<256x256xf32> -> vector<256x256xf32>
    %get3A_144 = arith.constant 0 : index
    %get3A_145 = arith.constant 0 : index
    %get3A_146 = vector.load %arg17[%get3A_144, %get3A_145] : memref<128x256xf32, #tpu.memory_space<vmem>>, vector<128x256xf32>
    %dot_general3A_147 = arith.constant dense<0.000000e+00> : vector<256x256xf32>
    %dot_general3A_148 = tpu.matmul %reduce_sum3A_138, %get3A_146, %dot_general3A_147 {dimension_numbers = #tpu.dot_dimension_numbers<[1], [0], [0], [1], [0, 0, 1, 1], [], []>, transpose_lhs_hint = false} : vector<256x128xf32>, vector<128x256xf32>, vector<256x256xf32> -> vector<256x256xf32>
    %add3A_149 = arith.addf %dot_general3A_143, %dot_general3A_148 : vector<256x256xf32>
    %get3A_150 = arith.constant 0 : index
    %get3A_151 = arith.constant 0 : index
    %get3A_152 = vector.load %arg18[%get3A_150, %get3A_151] : memref<256x128xf32, #tpu.memory_space<vmem>>, vector<256x128xf32>
    %dot_general3A_153 = arith.constant dense<0.000000e+00> : vector<256x128xf32>
    %dot_general3A_154 = tpu.matmul %add3A_149, %get3A_152, %dot_general3A_153 {dimension_numbers = #tpu.dot_dimension_numbers<[1], [0], [0], [1], [0, 0, 1, 1], [], []>, transpose_lhs_hint = false} : vector<256x256xf32>, vector<256x128xf32>, vector<256x128xf32> -> vector<256x128xf32>
    %get3A_155 = arith.constant 0 : index
    %get3A_156 = arith.constant 0 : index
    %get3A_157 = vector.load %arg19[%get3A_155, %get3A_156] : memref<128x128xf32, #tpu.memory_space<vmem>>, vector<128x128xf32>
    %dot_general3A_158 = arith.constant dense<0.000000e+00> : vector<256x128xf32>
    %dot_general3A_159 = tpu.matmul %get3A_1, %get3A_157, %dot_general3A_158 {dimension_numbers = #tpu.dot_dimension_numbers<[1], [0], [0], [1], [0, 0, 1, 1], [], []>, transpose_lhs_hint = false} : vector<256x128xf32>, vector<128x128xf32>, vector<256x128xf32> -> vector<256x128xf32>
    %add3A_160 = arith.addf %dot_general3A_154, %dot_general3A_159 : vector<256x128xf32>
    %get3A_161 = arith.constant 0 : index
    %get3A_162 = arith.constant 0 : index
    %get3A_163 = vector.load %arg20[%get3A_161, %get3A_162] : memref<1x128xf32, #tpu.memory_space<vmem>>, vector<1x128xf32>
    %add3A_164 = vector.broadcast %get3A_163 : vector<1x128xf32> to vector<256x128xf32>
    %add3A_165 = arith.addf %add3A_160, %add3A_164 : vector<256x128xf32>
    %max3A = arith.constant 0.000000e+00 : f32
    %max3A_166 = vector.broadcast %max3A : f32 to vector<256x128xf32>
    %max3A_167 = arith.maximumf %add3A_165, %max3A_166 : vector<256x128xf32>
    %get3A_168 = arith.constant 0 : index
    %get3A_169 = arith.constant 0 : index
    %get3A_170 = vector.load %arg21[%get3A_168, %get3A_169] : memref<128x128xf32, #tpu.memory_space<vmem>>, vector<128x128xf32>
    %dot_general3A_171 = arith.constant dense<0.000000e+00> : vector<256x128xf32>
    %dot_general3A_172 = tpu.matmul %max3A_167, %get3A_170, %dot_general3A_171 {dimension_numbers = #tpu.dot_dimension_numbers<[1], [0], [0], [1], [0, 0, 1, 1], [], []>, transpose_lhs_hint = false} : vector<256x128xf32>, vector<128x128xf32>, vector<256x128xf32> -> vector<256x128xf32>
    %get3A_173 = arith.constant 0 : index
    %get3A_174 = arith.constant 0 : index
    %get3A_175 = vector.load %arg22[%get3A_173, %get3A_174] : memref<1x128xf32, #tpu.memory_space<vmem>>, vector<1x128xf32>
    %add3A_176 = vector.broadcast %get3A_175 : vector<1x128xf32> to vector<256x128xf32>
    %add3A_177 = arith.addf %dot_general3A_172, %add3A_176 : vector<256x128xf32>
    %swap3A = arith.constant 0 : index
    %swap3A_178 = arith.constant 0 : index
    %swap3A_179 = vector.load %arg23[%swap3A, %swap3A_178] : memref<256x128xf32, #tpu.memory_space<vmem>>, vector<256x128xf32>
    tpu.vector_store %arg23[%swap3A, %swap3A_178], %add3A_177 {strides = array<i32>} : memref<256x128xf32, #tpu.memory_space<vmem>>, vector<256x128xf32>,
    return
  }
  func.func @transform_0(%arg0: i32) -> (i32, i32) {
    %c0_i32 = arith.constant 0 : i32
    %c0_i32_0 = arith.constant 0 : i32
    return %arg0, %c0_i32 : i32, i32
  }
  func.func @transform_1(%arg0: i32) -> (i32, i32) {
    %c0_i32 = arith.constant 0 : i32
    %c0_i32_0 = arith.constant 0 : i32
    return %arg0, %c0_i32 : i32, i32
  }
  func.func @transform_2(%arg0: i32) -> (i32, i32) {
    %c0_i32 = arith.constant 0 : i32
    %c0_i32_0 = arith.constant 0 : i32
    return %arg0, %c0_i32 : i32, i32
  }
  func.func @transform_3(%arg0: i32) -> (i32, i32) {
    %c0_i32 = arith.constant 0 : i32
    %c0_i32_0 = arith.constant 0 : i32
    return %arg0, %c0_i32 : i32, i32
  }
  func.func @transform_4(%arg0: i32) -> (i32, i32) {
    %jit3A = arith.constant 16 : i32
    %eq3A = arith.constant 0 : i32
    %eq3A_0 = arith.cmpi eq, %jit3A, %eq3A : i32
    %jit3A_1 = arith.constant 1 : i32
    %select_n3A = arith.select %eq3A_0, %jit3A_1, %jit3A : i32
    %rem3A = arith.remsi %arg0, %select_n3A : i32
    %ne3A = arith.constant 0 : i32
    %ne3A_2 = arith.cmpi ne, %rem3A, %ne3A : i32
    %lt3A = arith.constant 0 : i32
    %lt3A_3 = arith.cmpi slt, %rem3A, %lt3A : i32
    %lt3A_4 = arith.constant 0 : i32
    %lt3A_5 = arith.cmpi slt, %select_n3A, %lt3A_4 : i32
    %ne3A_6 = arith.xori %lt3A_3, %lt3A_5 : i1
    %and3A = arith.andi %ne3A_6, %ne3A_2 : i1
    %add3A = arith.addi %rem3A, %select_n3A : i32
    %select_n3A_7 = arith.select %and3A, %add3A, %rem3A : i32
    %c0_i32 = arith.constant 0 : i32
    %c0_i32_8 = arith.constant 0 : i32
    return %select_n3A_7, %c0_i32 : i32, i32
  }
  func.func @transform_5(%arg0: i32) -> (i32, i32) {
    %c0_i32 = arith.constant 0 : i32
    %c0_i32_0 = arith.constant 0 : i32
    %c0_i32_1 = arith.constant 0 : i32
    return %c0_i32, %c0_i32_0 : i32, i32
  }
  func.func @transform_6(%arg0: i32) -> (i32, i32) {
    %c0_i32 = arith.constant 0 : i32
    %c0_i32_0 = arith.constant 0 : i32
    %c0_i32_1 = arith.constant 0 : i32
    return %c0_i32, %c0_i32_0 : i32, i32
  }
  func.func @transform_7(%arg0: i32) -> (i32, i32) {
    %c0_i32 = arith.constant 0 : i32
    %c0_i32_0 = arith.constant 0 : i32
    %c0_i32_1 = arith.constant 0 : i32
    return %c0_i32, %c0_i32_0 : i32, i32
  }
  func.func @transform_8(%arg0: i32) -> (i32, i32) {
    %c0_i32 = arith.constant 0 : i32
    %c0_i32_0 = arith.constant 0 : i32
    %c0_i32_1 = arith.constant 0 : i32
    return %c0_i32, %c0_i32_0 : i32, i32
  }
  func.func @transform_9(%arg0: i32) -> (i32, i32) {
    %c0_i32 = arith.constant 0 : i32
    %c0_i32_0 = arith.constant 0 : i32
    %c0_i32_1 = arith.constant 0 : i32
    return %c0_i32, %c0_i32_0 : i32, i32
  }
  func.func @transform_10(%arg0: i32) -> (i32, i32) {
    %c0_i32 = arith.constant 0 : i32
    %c0_i32_0 = arith.constant 0 : i32
    %c0_i32_1 = arith.constant 0 : i32
    return %c0_i32, %c0_i32_0 : i32, i32
  }
  func.func @transform_11(%arg0: i32) -> (i32, i32) {
    %c0_i32 = arith.constant 0 : i32
    %c0_i32_0 = arith.constant 0 : i32
    %c0_i32_1 = arith.constant 0 : i32
    return %c0_i32, %c0_i32_0 : i32, i32
  }
  func.func @transform_12(%arg0: i32) -> (i32, i32) {
    %c0_i32 = arith.constant 0 : i32
    %c0_i32_0 = arith.constant 0 : i32
    %c0_i32_1 = arith.constant 0 : i32
    return %c0_i32, %c0_i32_0 : i32, i32
  }
  func.func @transform_13(%arg0: i32) -> (i32, i32) {
    %c0_i32 = arith.constant 0 : i32
    %c0_i32_0 = arith.constant 0 : i32
    %c0_i32_1 = arith.constant 0 : i32
    return %c0_i32, %c0_i32_0 : i32, i32
  }
  func.func @transform_14(%arg0: i32) -> (i32, i32) {
    %c0_i32 = arith.constant 0 : i32
    %c0_i32_0 = arith.constant 0 : i32
    %c0_i32_1 = arith.constant 0 : i32
    return %c0_i32, %c0_i32_0 : i32, i32
  }
  func.func @transform_15(%arg0: i32) -> (i32, i32) {
    %c0_i32 = arith.constant 0 : i32
    %c0_i32_0 = arith.constant 0 : i32
    %c0_i32_1 = arith.constant 0 : i32
    return %c0_i32, %c0_i32_0 : i32, i32
  }
  func.func @transform_16(%arg0: i32) -> (i32, i32) {
    %c0_i32 = arith.constant 0 : i32
    %c0_i32_0 = arith.constant 0 : i32
    %c0_i32_1 = arith.constant 0 : i32
    return %c0_i32, %c0_i32_0 : i32, i32
  }
  func.func @transform_17(%arg0: i32) -> (i32, i32) {
    %c0_i32 = arith.constant 0 : i32
    %c0_i32_0 = arith.constant 0 : i32
    %c0_i32_1 = arith.constant 0 : i32
    return %c0_i32, %c0_i32_0 : i32, i32
  }
  func.func @transform_18(%arg0: i32) -> (i32, i32) {
    %c0_i32 = arith.constant 0 : i32
    %c0_i32_0 = arith.constant 0 : i32
    %c0_i32_1 = arith.constant 0 : i32
    return %c0_i32, %c0_i32_0 : i32, i32
  }
  func.func @transform_19(%arg0: i32) -> (i32, i32) {
    %c0_i32 = arith.constant 0 : i32
    %c0_i32_0 = arith.constant 0 : i32
    %c0_i32_1 = arith.constant 0 : i32
    return %c0_i32, %c0_i32_0 : i32, i32
  }
  func.func @transform_20(%arg0: i32) -> (i32, i32) {
    %c0_i32 = arith.constant 0 : i32
    %c0_i32_0 = arith.constant 0 : i32
    %c0_i32_1 = arith.constant 0 : i32
    return %c0_i32, %c0_i32_0 : i32, i32
  }
  func.func @transform_21(%arg0: i32) -> (i32, i32) {
    %c0_i32 = arith.constant 0 : i32
    %c0_i32_0 = arith.constant 0 : i32
    %c0_i32_1 = arith.constant 0 : i32
    return %c0_i32, %c0_i32_0 : i32, i32
  }
  func.func @transform_22(%arg0: i32) -> (i32, i32) {
    %c0_i32 = arith.constant 0 : i32
    %c0_i32_0 = arith.constant 0 : i32
    return %arg0, %c0_i32 : i32, i32
  }
}

module attributes {stable_mosaic.version = 14 : i64} {
  func.func @_aff_body(%arg0: memref<12288x128xf32, #tpu.memory_space<vmem>>, %arg1: memref<128x128xf32, #tpu.memory_space<vmem>>, %arg2: memref<128x128xf32, #tpu.memory_space<vmem>>, %arg3: memref<1x128xf32, #tpu.memory_space<vmem>>, %arg4: memref<128x1xf32, #tpu.memory_space<vmem>>, %arg5: memref<1x1xf32, #tpu.memory_space<vmem>>, %arg6: memref<8192x1xf32, #tpu.memory_space<vmem>>) attributes {dimension_semantics = [], scalar_prefetch = 0 : i64, scratch_operands = 0 : i64, tpu.core_type = #tpu.core_type<tc>} {
    %get3A = arith.constant 0 : index
    %get3A_0 = arith.constant 0 : index
    %get3A_1 = vector.load %arg0[%get3A, %get3A_0] : memref<12288x128xf32, #tpu.memory_space<vmem>>, vector<4096x128xf32>
    %get3A_2 = arith.constant 4096 : index
    %get3A_3 = arith.constant 0 : index
    %get3A_4 = vector.load %arg0[%get3A_2, %get3A_3] : memref<12288x128xf32, #tpu.memory_space<vmem>>, vector<4096x128xf32>
    %get3A_5 = arith.constant 8192 : index
    %get3A_6 = arith.constant 0 : index
    %get3A_7 = vector.load %arg0[%get3A_5, %get3A_6] : memref<12288x128xf32, #tpu.memory_space<vmem>>, vector<4096x128xf32>
    %get3A_8 = arith.constant 0 : index
    %get3A_9 = arith.constant 0 : index
    %get3A_10 = vector.load %arg1[%get3A_8, %get3A_9] : memref<128x128xf32, #tpu.memory_space<vmem>>, vector<128x128xf32>
    %dot_general3A = arith.constant dense<0.000000e+00> : vector<4096x128xf32>
    %dot_general3A_11 = tpu.matmul %get3A_1, %get3A_10, %dot_general3A {dimension_numbers = #tpu.dot_dimension_numbers<[1], [0], [0], [1], [0, 0, 1, 1], [], []>, transpose_lhs_hint = false} : vector<4096x128xf32>, vector<128x128xf32>, vector<4096x128xf32> -> vector<4096x128xf32>
    %get3A_12 = arith.constant 0 : index
    %get3A_13 = arith.constant 0 : index
    %get3A_14 = vector.load %arg2[%get3A_12, %get3A_13] : memref<128x128xf32, #tpu.memory_space<vmem>>, vector<128x128xf32>
    %dot_general3A_15 = arith.constant dense<0.000000e+00> : vector<4096x128xf32>
    %dot_general3A_16 = tpu.matmul %get3A_4, %get3A_14, %dot_general3A_15 {dimension_numbers = #tpu.dot_dimension_numbers<[1], [0], [0], [1], [0, 0, 1, 1], [], []>, transpose_lhs_hint = false} : vector<4096x128xf32>, vector<128x128xf32>, vector<4096x128xf32> -> vector<4096x128xf32>
    %add3A = arith.addf %dot_general3A_11, %dot_general3A_16 : vector<4096x128xf32>
    %get3A_17 = arith.constant 0 : index
    %get3A_18 = arith.constant 0 : index
    %get3A_19 = vector.load %arg3[%get3A_17, %get3A_18] : memref<1x128xf32, #tpu.memory_space<vmem>>, vector<1x128xf32>
    %add3A_20 = vector.broadcast %get3A_19 : vector<1x128xf32> to vector<4096x128xf32>
    %add3A_21 = arith.addf %add3A, %add3A_20 : vector<4096x128xf32>
    %max3A = arith.constant 0.000000e+00 : f32
    %max3A_22 = vector.broadcast %max3A : f32 to vector<4096x128xf32>
    %max3A_23 = arith.maximumf %add3A_21, %max3A_22 : vector<4096x128xf32>
    %get3A_24 = arith.constant 0 : index
    %get3A_25 = arith.constant 0 : index
    %get3A_26 = vector.load %arg2[%get3A_24, %get3A_25] : memref<128x128xf32, #tpu.memory_space<vmem>>, vector<128x128xf32>
    %dot_general3A_27 = arith.constant dense<0.000000e+00> : vector<4096x128xf32>
    %dot_general3A_28 = tpu.matmul %get3A_7, %get3A_26, %dot_general3A_27 {dimension_numbers = #tpu.dot_dimension_numbers<[1], [0], [0], [1], [0, 0, 1, 1], [], []>, transpose_lhs_hint = false} : vector<4096x128xf32>, vector<128x128xf32>, vector<4096x128xf32> -> vector<4096x128xf32>
    %add3A_29 = arith.addf %dot_general3A_11, %dot_general3A_28 : vector<4096x128xf32>
    %get3A_30 = arith.constant 0 : index
    %get3A_31 = arith.constant 0 : index
    %get3A_32 = vector.load %arg3[%get3A_30, %get3A_31] : memref<1x128xf32, #tpu.memory_space<vmem>>, vector<1x128xf32>
    %add3A_33 = vector.broadcast %get3A_32 : vector<1x128xf32> to vector<4096x128xf32>
    %add3A_34 = arith.addf %add3A_29, %add3A_33 : vector<4096x128xf32>
    %max3A_35 = arith.constant 0.000000e+00 : f32
    %max3A_36 = vector.broadcast %max3A_35 : f32 to vector<4096x128xf32>
    %max3A_37 = arith.maximumf %add3A_34, %max3A_36 : vector<4096x128xf32>
    %get3A_38 = arith.constant 0 : index
    %get3A_39 = arith.constant 0 : index
    %get3A_40 = vector.load %arg4[%get3A_38, %get3A_39] : memref<128x1xf32, #tpu.memory_space<vmem>>, vector<128x1xf32>
    %dot_general3A_41 = arith.constant dense<0.000000e+00> : vector<4096x1xf32>
    %dot_general3A_42 = tpu.matmul %max3A_23, %get3A_40, %dot_general3A_41 {dimension_numbers = #tpu.dot_dimension_numbers<[1], [0], [0], [1], [0, 0, 1, 1], [], []>, transpose_lhs_hint = false} : vector<4096x128xf32>, vector<128x1xf32>, vector<4096x1xf32> -> vector<4096x1xf32>
    %get3A_43 = arith.constant 0 : index
    %get3A_44 = arith.constant 0 : index
    %get3A_45 = vector.load %arg5[%get3A_43, %get3A_44] : memref<1x1xf32, #tpu.memory_space<vmem>>, vector<1x1xf32>
    %add3A_46 = vector.broadcast %get3A_45 : vector<1x1xf32> to vector<4096x1xf32>
    %add3A_47 = arith.addf %dot_general3A_42, %add3A_46 : vector<4096x1xf32>
    %swap3A = arith.constant 0 : index
    %swap3A_48 = arith.constant 0 : index
    %swap3A_49 = vector.load %arg6[%swap3A, %swap3A_48] : memref<8192x1xf32, #tpu.memory_space<vmem>>, vector<4096x1xf32>
    tpu.vector_store %arg6[%swap3A, %swap3A_48], %add3A_47 {strides = array<i32>} : memref<8192x1xf32, #tpu.memory_space<vmem>>, vector<4096x1xf32>,
    %get3A_50 = arith.constant 0 : index
    %get3A_51 = arith.constant 0 : index
    %get3A_52 = vector.load %arg4[%get3A_50, %get3A_51] : memref<128x1xf32, #tpu.memory_space<vmem>>, vector<128x1xf32>
    %dot_general3A_53 = arith.constant dense<0.000000e+00> : vector<4096x1xf32>
    %dot_general3A_54 = tpu.matmul %max3A_37, %get3A_52, %dot_general3A_53 {dimension_numbers = #tpu.dot_dimension_numbers<[1], [0], [0], [1], [0, 0, 1, 1], [], []>, transpose_lhs_hint = false} : vector<4096x128xf32>, vector<128x1xf32>, vector<4096x1xf32> -> vector<4096x1xf32>
    %get3A_55 = arith.constant 0 : index
    %get3A_56 = arith.constant 0 : index
    %get3A_57 = vector.load %arg5[%get3A_55, %get3A_56] : memref<1x1xf32, #tpu.memory_space<vmem>>, vector<1x1xf32>
    %add3A_58 = vector.broadcast %get3A_57 : vector<1x1xf32> to vector<4096x1xf32>
    %add3A_59 = arith.addf %dot_general3A_54, %add3A_58 : vector<4096x1xf32>
    %swap3A_60 = arith.constant 4096 : index
    %swap3A_61 = arith.constant 0 : index
    %swap3A_62 = vector.load %arg6[%swap3A_60, %swap3A_61] : memref<8192x1xf32, #tpu.memory_space<vmem>>, vector<4096x1xf32>
    tpu.vector_store %arg6[%swap3A_60, %swap3A_61], %add3A_59 {strides = array<i32>} : memref<8192x1xf32, #tpu.memory_space<vmem>>, vector<4096x1xf32>,
    return
  }
}

</mosaic_0001>

<sc_bundles>
// kernel: kernel.11.cloned.1.call-start
scs
__scs_entry_jumppad:
0x0: {  	(pc) =	sbr.rel $0x88, $3  }
0x1: {  	(tag) =	ssettag $0x0;
	lr =	simm.s32 $0x1  }
0x2: {  	[smem:$0x3F7F] =	sst lr;
	_ =	strace $0xD0000000  }
0x3: {  	_ = 	snop  }
0x4: {  	_ = 	snop  }
0x5: {  	_ = 	snop  }
0x6: {  	_ = 	snop  }
0x7: {  	_ = 	snop  }
__scs_overlays_trampoline_lowered:
0x8: {  	[smem:$0x3F8E] =	sst s0  }
0x9: {  	[smem:$0x3F8F] =	sst s1  }
0xa: {  	[smem:$0x3F90] =	sst s2  }
0xb: {  	[smem:$0x3F91] =	sst s3  }
0xc: {  	[smem:$0x3F92] =	sst s4  }
0xd: {  	[smem:$0x3F93] =	sst s5  }
0xe: {  	[smem:$0x3F94] =	sst s6  }
0xf: {  	[smem:$0x3F95] =	sst s7  }
0x10: {  	[smem:$0x3F96] =	sst s8  }
0x11: {  	[smem:$0x3F97] =	sst s9;
	s0 =	simm.s32 @!p0 $0x0  }
0x12: {  	s1 =	sld [smem:$0x3F7D];
	s0 =	simm.s32 @p0 $0x1  }
0x13: {  	[smem:$0x3F98] =	sst s0;
	s0 =	simm.s32 @!p1 $0x0  }
0x14: {  	s2 =	sld [smem:$0x3F7C];
	s0 =	simm.s32 @p1 $0x1  }
0x15: {  	[smem:$0x3F99] =	sst s0;
	s0 =	simm.s32 @!p2 $0x0  }
0x16: {  	s3 =	sld [smem:$0x3FDB];
	s0 =	simm.s32 @p2 $0x1  }
0x17: {  	s4 =	simm.s32 $0x1BF5;
	[smem:$0x3F9B] =	sst s0  }
0x18: {  	s0 =	sld [smem:$0x3F7E];
	_ =	swait.ge [sflag:s4], $0x0  }
0x19: {  	s7 =	sld [smem:$0x3F7F]  }
0x1a: {  	s8 =	sadd.s32 $0xFFFFE003, lr  }
0x1b: {  	s9 =	sadd.s32 $0xFFFFFEF7, lr;
	s5 =	simm.s32 $0xFFFFFFFF;
	p2 =	slt.u32 s8, $0xFFFFF086  }
0x1c: {  	p1 =	slt.u32 s9, $0xF7A;
	s5 =	simm.s32 @!p2 $0x0  }
0x1d: {  	s5 =	simm.s32 @p1 $0x1;
	p0 =	seq.s32 s7, s2  }
0x1e: {  	s7 =	smul.u32 @!p0 $0xF7A, s2;
	p2 =	seq.s32 @!p0 s5, $0x0  }
0x1f: {  	s9 =	smul.u32 $0xF7A, s1;
	s8 =	simm.s32 @!p0 $0x1BF5;
	p2 =	por !p2, p0  }
0x20: {  	[sflag:s8] =	ssyncset.s32 @!p0 $0xFFFFF086;
	s6 =	sadd.s32 @!p0 s3, s7;
	s7 =	simm.s32 @!p0 $0x108  }
0x21: {  	s3 =	sadd.s32 s3, s9;
	s6 =	sadd.s32 @!p0 $0x88, s6;
	s7 =	simm.s32 @p2 $0x1082  }
0x22: {  	[simem:s7], [sflag:s8] =	dma.local @!p0 [hbm:s6], $0xF7A  }
0x23: {  	s9 =	sor.u32 $0xD0000000, s2;
	s6 =	simm.s32 $0x108;
	_ =	swait.ge @!p0 [sflag:s8], $0x0  }
0x24: {  	s3 =	sadd.s32 $0x88, s3;
	s6 =	simm.s32 @!p1 $0x1082;
	[sflag:s4] =	ssyncset.s32 $0xFFFFF086  }
0x25: {  	[simem:s6], [sflag:s4] =	dma.local [hbm:s3], $0xF7A  }
0x26: {  	[smem:$0x3F7F] =	sst s1;
	(tag) =	ssettag s2;
	_ =	strace s9  }
0x27: {  	s1 =	sld [smem:$0x3F8F]  }
0x28: {  	s2 =	sld [smem:$0x3F90]  }
0x29: {  	s4 =	sld [smem:$0x3F92]  }
0x2a: {  	p0 =	seq.s32 s5, $0x0;
	s5 =	sld [smem:$0x3F93]  }
0x2b: {  	s6 =	sld [smem:$0x3F94]  }
0x2c: {  	s7 =	sld [smem:$0x3F95]  }
0x2d: {  	s3 =	simm.s32 $0x108;
	s8 =	sld [smem:$0x3F96]  }
0x2e: {  	s3 =	simm.s32 @!p0 $0x1082;
	s9 =	sld [smem:$0x3F97]  }
0x2f: {  	lr =	sadd.s32 s0, s3;
	s0 =	sld [smem:$0x3F8E]  }
0x30: {  	s3 =	sld [smem:$0x3F91]  }
0x31: {  	[smem:$0x3F9A] =	sst s10  }
0x32: {  	s10 =	sld [smem:$0x3F98];
	_ =	sdelay $0x3  }
0x33: {  	p0 =	seq.s32 s10, $0x1;
	s10 =	sld [smem:$0x3F9A];
	_ =	sdelay $0x3  }
0x34: {  	[smem:$0x3F9A] =	sst s10  }
0x35: {  	s10 =	sld [smem:$0x3F99];
	_ =	sdelay $0x3  }
0x36: {  	p1 =	seq.s32 s10, $0x1;
	s10 =	sld [smem:$0x3F9A];
	_ =	sdelay $0x3  }
0x37: {  	[smem:$0x3F9A] =	sst s10  }
0x38: {  	s10 =	sld [smem:$0x3F9B]  }
0x39: {  	_ = 	snop;
	(pc) =	sbr.ind lr, $3  }
0x3a: {  	_ = 	snop  }
0x3b: {  	_ = 	snop  }
0x3c: {  	p2 =	seq.s32 s10, $0x1;
	s10 =	sld [smem:$0x3F9A]  }
0x3d: {  	_ =	shalt  }
0x3e: {  	_ =	shalt  }
0x3f: {  	_ =	shalt  }
0x40: {  	_ =	shalt  }
0x41: {  	_ =	shalt  }
0x42: {  	_ =	shalt  }
0x43: {  	_ =	shalt  }
0x44: {  	_ =	shalt  }
0x45: {  	_ =	shalt  }
0x46: {  	_ =	shalt  }
0x47: {  	_ =	shalt  }
0x48: {  	_ =	shalt  }
0x49: {  	_ =	shalt  }
0x4a: {  	_ =	shalt  }
0x4b: {  	_ =	shalt  }
0x4c: {  	_ =	shalt  }
0x4d: {  	_ =	shalt  }
0x4e: {  	_ =	shalt  }
0x4f: {  	_ =	shalt  }
0x50: {  	_ =	shalt  }
0x51: {  	_ =	shalt  }
0x52: {  	_ =	shalt  }
0x53: {  	_ =	shalt  }
0x54: {  	_ =	shalt  }
0x55: {  	_ =	shalt  }
0x56: {  	_ =	shalt  }
0x57: {  	_ =	shalt  }
0x58: {  	_ =	shalt  }
0x59: {  	_ =	shalt  }
0x5a: {  	_ =	shalt  }
0x5b: {  	_ =	shalt  }
0x5c: {  	_ =	shalt  }
0x5d: {  	_ =	shalt  }
0x5e: {  	_ =	shalt  }
0x5f: {  	_ =	shalt  }
0x60: {  	_ =	shalt  }
0x61: {  	_ =	shalt  }
0x62: {  	_ =	shalt  }
0x63: {  	_ =	shalt  }
0x64: {  	_ =	shalt  }
0x65: {  	_ =	shalt  }
0x66: {  	_ =	shalt  }
0x67: {  	_ =	shalt  }
0x68: {  	_ =	shalt  }
0x69: {  	_ =	shalt  }
0x6a: {  	_ =	shalt  }
0x6b: {  	_ =	shalt  }
0x6c: {  	_ =	shalt  }
0x6d: {  	_ =	shalt  }
0x6e: {  	_ =	shalt  }
0x6f: {  	_ =	shalt  }
0x70: {  	_ =	shalt  }
0x71: {  	_ =	shalt  }
0x72: {  	_ =	shalt  }
0x73: {  	_ =	shalt  }
0x74: {  	_ =	shalt  }
0x75: {  	_ =	shalt  }
0x76: {  	_ =	shalt  }
0x77: {  	_ =	shalt  }
0x78: {  	_ =	shalt  }
0x79: {  	_ =	shalt  }
0x7a: {  	_ =	shalt  }
0x7b: {  	_ =	shalt  }
0x7c: {  	_ =	shalt  }
0x7d: {  	_ =	shalt  }
0x7e: {  	_ =	shalt  }
0x7f: {  	_ =	shalt  }
0x80: {  	_ =	shalt  }
0x81: {  	_ =	shalt  }
0x82: {  	_ =	shalt  }
0x83: {  	_ =	shalt  }
0x84: {  	_ =	shalt  }
0x85: {  	_ =	shalt  }
0x86: {  	_ =	shalt  }
0x87: {  	_ =	shalt  }
.Lfunc_end0:
.L_simem_size_0:
called_computation.1_lowered:
.L_overlay_start_0:
0x88: {  	s0 =	sld [smem:$0x3FD9]  }
0x89: {  	s1 =	sld [smem:$0x3FFE];
	_ =	sdelay $0x3  }
0x8a: {  	s0 =	sadd.s32 s1, s0  }
0x8b: {  	[smem:$0x3FA6] =	sst s0  }
0x8c: {  	_ = 	snop  }
0x8d: {  	s0 =	sld [smem:$0x3FC1]  }
0x8e: {  	s16 =	sld [smem:$0x3FBF]  }
0x8f: {  	s2 =	sld [smem:$0x3FD0];
	(tm) =	ssettm $0x1  }
0x90: {  	s3 =	sld [smem:$0x3FFB];
	_ =	sdelay $0x3  }
0x91: {  	_ =	strace s3  }
0x92: {  	s3 =	sld [smem:$0x3FFC];
	_ =	sdelay $0x3  }
0x93: {  	_ =	strace s3  }
0x94: {  	s3 =	sld [smem:$0x3FFD];
	_ =	sdelay $0x3  }
0x95: {  	_ =	strace s3  }
0x96: {  	_ =	strace $0x8FFFFFFF  }
0x97: {  	s17 =	sld [smem:$0x3FDB];
	_ =	sdelay $0x1  }
0x98: {  	s4 =	simm.s32 $_scs_section_size  }
0x99: {  	s5 =	simm.s32 $_size__tile_overlayer_lowered;
	s6 =	simm.s32 $_tile_overlayer_lowered  }
0x9a: {  	s20 =	simm.s32 $0x1BFF;
	s19 =	sshll.u32 s6, $0x1;
	s3 =	sadd.s32 s4, s17  }
0x9b: {  	s7 =	simm.s32 $0x0;
	s18 =	sshll.u32 s5, $0x1;
	s5 =	sadd.s32 s19, s3  }
0x9c: {  	[timem:s7], [sflag:s20] =	dma.local [hbm:s5], s18  }
0x9d: {  	_ =	swait.ge [sflag:s20], s18  }
0x9e: {  	s4 =	ssub.s32 $0x0, s18;
	[sflag:s20] =	ssyncset.done $0x0  }
0x9f: {  	[sflag:s20] =	ssyncadd.s32 s4;
	_ =	sdelay $0x1  }
0xa0: {  	s21 =	simm.s32 $0x1B8B  }
0xa1: {  	_ =	swait.ge [sflag:s21], $0x1  }
0xa2: {  	[sflag:s21] =	ssyncset.done $0x0  }
0xa3: {  	s23 =	simm.s32 $0x1B8E;
	s22 =	sld [smem:$0x3FFE];
	[sflag:s21] =	ssyncadd.s32 $0xFFFFFFFF  }
0xa4: {  	s24 =	simm.s32 $execute0_lowered;
	[smem:$0x3FD2] =	sst s23  }
0xa5: {  	s5 =	sshll.u32 s24, $0x1;
	_ =	strace $0x80000049;
	[dreg:$0x1] =	wrdreg $0xFFFFFFFF  }
0xa6: {  	s25 =	simm.s32 $_size_execute0_lowered;
	s3 =	sadd.s32 s3, s5;
	[dreg:$0x0] =	wrdreg $0x0  }
0xa7: {  	s5 =	sshll.u32 s25, $0x1;
	[dreg:$0x2] =	wrdreg s3  }
0xa8: {  	[dreg:$0x3] =	wrdreg s5  }
0xa9: {  	[dreg:$0x4] =	wrdreg $0xC0  }
0xaa: {  	_ =	task [dreg:s7], $0x5FFFF  }
0xab: {  	[dreg:$0x1] =	wrdreg $0xFFFFFFFF  }
0xac: {  	[dreg:$0x0] =	wrdreg $0x60  }
0xad: {  	[dreg:$0x2] =	wrdreg s0  }
0xae: {  	[dreg:$0x3] =	wrdreg s16  }
0xaf: {  	[dreg:$0x4] =	wrdreg s2  }
0xb0: {  	[dreg:$0x5] =	wrdreg s22  }
0xb1: {  	[dreg:$0x6] =	wrdreg $0x9  }
0xb2: {  	_ =	task.clear_ibuf [dreg:s7], $0x7FFFF;
	_ =	strace $0x90000049  }
0xb3: {  	s26 =	simm.s32 $0x9;
	_ =	strace $0x8000004B  }
0xb4: {  	_ =	swait.ge [sflag:s26], $0x1  }
0xb5: {  	[sflag:s26] =	ssyncadd.s32 $0xFFFFFFFF  }
0xb6: {  	_ =	strace $0x9000004B  }
0xb7: {  	_ =	sfence  }
0xb8: {  	s28 =	sld [smem:$0x0];
	_ =	sdelay $0x1  }
0xb9: {  	s29 =	srdreg.scid  }
0xba: {  	s30 =	sshll.u32 s29, $0xD;
	s31 =	sshrl.u32 s29, $0x2  }
0xbb: {  	s1 =	sand.u32 $0x1, s29;
	s2 =	sand.u32 $0x4000, s30;
	s0 =	sadd.s32 s31, s28  }
0xbc: {  	s1 =	sor.u32 s2, s1;
	s0 =	sshll.u32 s0, $0x11  }
0xbd: {  	s0 =	sor.u32 s0, s1  }
0xbe: {  	s0 =	sadd.s32 $0x8F2B, s0  }
0xbf: {  	[sflag:s0] =	ssyncadd.remote.s32 $0x1  }
0xc0: {  	_ =	sfence.sel $0xFFFF  }
0xc1: {  	[dreg:$0x0] =	wrdreg $0xFFFFFFFF;
	(pc) =	sbr.abs _section_cstart, $3  }
0xc2: {  	[dreg:$0x1] =	wrdreg $0xFFFFFFFF  }
0xc3: {  	_ =	task.clear_ibuf [dreg:s7], $0x2FFFF;
	_ =	strace $0x9FFFFFFF  }
0xc4: {  	(tm) =	ssettm $0x7FFFFFFF  }
0xc5: {  	_ =	shalt  }
tec
execute0_lowered:
.L_overlay_start_1:
0x0: {  	(tag) =	ssettag $0x1  }
0x1: {  	s4 =	rddreg [dreg:$0x0]  }
0x2: {  	s5 =	rddreg [dreg:$0x1]  }
0x3: {  	s14 =	rddreg [dreg:$0x2]  }
0x4: {  	s7 =	rddreg [dreg:$0x3]  }
0x5: {  	s0 =	rddreg [dreg:$0x4];
	s6 =	simm.s32 $0x0;
	s1 =	stileid.u32  }
0x6: {  	s16 =	simm.s32 $0x4;
	s17 =	simm.s32 $0x7D00;
	[smem:$0x7FF] =	sst s6  }
0x7: {  	s15 =	sadd.s32 $0x6200, s7;
	s2 =	sadd.s32 $0x1870200, s7;
	s13 =	sadd.s32 $0x67600, s7  }
0x8: {  	s11 =	sadd.s32 $0x5FE00, s7;
	s10 =	sadd.s32 $0x58600, s7;
	s12 =	sadd.s32 $0x266600, s7  }
0x9: {  	s18 =	simm.s32 $0x0;
	s9 =	sadd.s32 $0x296600, s7;
	s8 =	sadd.s32 $0x1EE600, s7  }
0xa: {  	s3 =	sadd.s32 $0x67C00, s7;
	s7 =	smul.u32 $0x186A, s1;
	_ =	strace $0x8000004A  }
.LBB2_1:
0xb: {  	s19 =	smul.u32 $0xFA, s18;
	_ =	sdelay $0x1  }
0xc: {  	s19 =	sadd.s32 s7, s19  }
0xd: {  	s19 =	sshll.u32 s19, $0x4  }
0xe: {  	s20 =	sadd.s32 s4, s19  }
0xf: {  	[tilespmem:s6], [sflag:$0x4] =	stream.linear.gather [hbm4b:s20+s6], $0x7D00, $0x38;
	[tilespmem:$0x18C00] =	vst v63  }
0x10: {  	_ =	swait.ge [sflag:s16], $0x7D00  }
0x11: {  	[sflag:s16] =	ssyncset.done $0x0  }
0x12: {  	s31 =	sadd.s32 s5, s19;
	[sflag:s16] =	ssyncadd.s32 $0xFFFF8300  }
0x13: {  	[tilespmem:s17], [sflag:$0x4] =	stream.linear.gather [hbm4b:s31+s6], $0x7D00, $0x38;
	[tilespmem:$0x18C00] =	vst v63  }
0x14: {  	_ =	swait.ge [sflag:s16], $0x7D00  }
0x15: {  	[sflag:s16] =	ssyncset.done $0x0  }
0x16: {  	s20 =	simm.s32 $0x0;
	[sflag:s16] =	ssyncadd.s32 $0xFFFF8300  }
0x17: {  	v7 =	vld [tilespmem:s20+$0x7D00]  }
0x18: {  	v11 =	vld [tilespmem:s20+$0x7D10]  }
0x19: {  	v5 =	vld [tilespmem:s20+$0x7D20]  }
0x1a: {  	v4 =	vld [tilespmem:s20+$0x7D30]  }
0x1b: {  	v3 =	vld [tilespmem:s20+$0x7D40]  }
0x1c: {  	v2 =	vld [tilespmem:s20+$0x7D50]  }
0x1d: {  	v1 =	vld [tilespmem:s20+$0x7D60]  }
0x1e: {  	v0 =	vld [tilespmem:s20+$0x7D70]  }
0x1f: {  	v12 =	vld [tilespmem:s20+$0x0]  }
0x20: {  	v13 =	vld [tilespmem:s20+$0x10]  }
0x21: {  	v10 =	vld [tilespmem:s20+$0x20]  }
0x22: {  	v9 =	vld [tilespmem:s20+$0x30]  }
0x23: {  	v8 =	vld [tilespmem:s20+$0x40]  }
0x24: {  	v6 =	vld [tilespmem:s20+$0x50];
	v12 =	vadd.f32 v7, v12  }
0x25: {  	s21 =	simm.s32 $0x200;
	v11 =	vadd.f32 v11, v13;
	v7 =	vld [tilespmem:s20+$0x60]  }
.LBB2_2:
0x26: {  	s22 =	sshra.s32 s21, $0x2;
	p0 =	sne.s32 s21, $0x1F200;
	[tilespmem:s20+$0x0] =	vst v12;
	v5 =	vadd.f32 v5, v10;
	v10 =	vld [tilespmem:s20+$0x70]  }
0x27: {  	v12 =	vld [tilespmem:s22+$0x7D00];
	[tilespmem:s20+$0x10] =	vst v11;
	v4 =	vadd.f32 v4, v9  }
0x28: {  	v11 =	vld [tilespmem:s22+$0x7D10];
	[tilespmem:s20+$0x20] =	vst v5;
	v3 =	vadd.f32 v3, v8  }
0x29: {  	v5 =	vld [tilespmem:s22+$0x7D20];
	[tilespmem:s20+$0x30] =	vst v4;
	v2 =	vadd.f32 v2, v6  }
0x2a: {  	v4 =	vld [tilespmem:s22+$0x7D30];
	[tilespmem:s20+$0x40] =	vst v3;
	v1 =	vadd.f32 v1, v7  }
0x2b: {  	v3 =	vld [tilespmem:s22+$0x7D40];
	[tilespmem:s20+$0x50] =	vst v2;
	v0 =	vadd.f32 v0, v10  }
0x2c: {  	v2 =	vld [tilespmem:s22+$0x7D50];
	[tilespmem:s20+$0x60] =	vst v1  }
0x2d: {  	v1 =	vld [tilespmem:s22+$0x7D60];
	[tilespmem:s20+$0x70] =	vst v0;
	s20 =	smov.u32 s22  }
0x2e: {  	v0 =	vld [tilespmem:s20+$0x7D70]  }
0x2f: {  	v6 =	vld [tilespmem:s20+$0x0]  }
0x30: {  	v7 =	vld [tilespmem:s20+$0x10]  }
.Ltmp0:
0x31: {  	v10 =	vld [tilespmem:s20+$0x20];
	(pc) =	sbr.rel @p0 .LBB2_2-.Ltmp0, $4  }
0x32: {  	v9 =	vld [tilespmem:s20+$0x30]  }
0x33: {  	v8 =	vld [tilespmem:s20+$0x40]  }
0x34: {  	v12 =	vadd.f32 v12, v6;
	v6 =	vld [tilespmem:s20+$0x50]  }
0x35: {  	s21 =	sadd.s32 $0x200, s21;
	v11 =	vadd.f32 v11, v7;
	v7 =	vld [tilespmem:s20+$0x60]  }
0x36: {  	[tilespmem:s20+$0x0] =	vst v12;
	v5 =	vadd.f32 v5, v10;
	v63 =	vld [tilespmem:s20+$0x70]  }
0x37: {  	[tilespmem:s20+$0x10] =	vst v11;
	v4 =	vadd.f32 v4, v9  }
0x38: {  	[tilespmem:s20+$0x20] =	vst v5;
	v3 =	vadd.f32 v3, v8  }
0x39: {  	[tilespmem:s20+$0x30] =	vst v4;
	v2 =	vadd.f32 v2, v6  }
0x3a: {  	[tilespmem:s20+$0x40] =	vst v3;
	v1 =	vadd.f32 v1, v7  }
0x3b: {  	s18 =	sadd.s32 $0x1, s18;
	[tilespmem:s20+$0x50] =	vst v2;
	v0 =	vadd.f32 v0, v63  }
0x3c: {  	p0 =	sne.s32 s18, $0x19;
	[tilespmem:s20+$0x60] =	vst v1  }
.Ltmp1:
0x3d: {  	s19 =	sadd.s32 s3, s19;
	[tilespmem:s20+$0x70] =	vst v0;
	(pc) =	sbr.rel @p0 .LBB2_1-.Ltmp1, $4  }
0x3e: {  	[hbm4b:s19+s6] =	stream.linear.scatter [tilespmem:s6], [sflag:$0x4], $0x7D00, $0x38;
	[tilespmem:$0x18C00] =	vst v63  }
0x3f: {  	_ =	swait.ge [sflag:s16], $0x7D00  }
0x40: {  	[sflag:s16] =	ssyncset.done $0x0  }
0x41: {  	[sflag:s16] =	ssyncadd.s32 $0xFFFF8300  }
0x42: {  	[bflag:$0x0] =	sbarrier.arrive $0xFFFF;
	s4 =	sshll.u32 s1, $0x6  }
0x43: {  	s16 =	simm.s32 $0xFA00;
	s5 =	sadd.s32 s14, s4;
	s4 =	simm.s32 $0x0  }
0x44: {  	[tilespmem:s16], [sflag:$0x4] =	stream.linear.gather [hbm4b:s5+s4], $0x80, $0x38;
	[tilespmem:$0x18C00] =	vst v63  }
0x45: {  	s5 =	simm.s32 $0x4  }
0x46: {  	_ =	swait.ge [sflag:s5], $0x80  }
0x47: {  	s6 =	sshll.u32 s1, $0xD;
	[sflag:s5] =	ssyncset.done $0x0  }
0x48: {  	s7 =	sadd.s32 s15, s6;
	s6 =	simm.s32 $0xFB00;
	[sflag:s5] =	ssyncadd.s32 $0xFFFFFF80  }
0x49: {  	[tilespmem:s6], [sflag:$0x4] =	stream.linear.gather [hbm4b:s7+s4], $0x4000, $0x38;
	[tilespmem:$0x18C00] =	vst v63  }
0x4a: {  	_ =	swait.ge [sflag:s5], $0x4000  }
0x4b: {  	s18 =	sshll.u32 s1, $0x9;
	[sflag:s5] =	ssyncset.done $0x0  }
0x4c: {  	s17 =	simm.s32 $0x1;
	s7 =	simm.s32 $0x80;
	[sflag:s5] =	ssyncadd.s32 $0xFFFFC000  }
0x4d: {  	[hbm4b:s3+s7] =	stream.indirect.scatter [tilespmem:s6], [sflag:$0x1], $0x80, s16, s7, $0xb8;
	[tilespmem:$0x18C00] =	vst v63  }
0x4e: {  	s19 =	sor.u32 $0x80, s18;
	_ =	swait.ge [sflag:s17], $0x4000  }
0x4f: {  	s20 =	sshrl.u32 s19, $0x3;
	[sflag:s17] =	ssyncset.done $0x0  }
0x50: {  	s20 =	sadd.s32 s14, s20;
	[sflag:s17] =	ssyncadd.s32 $0xFFFFC000  }
0x51: {  	[tilespmem:s16], [sflag:$0x4] =	stream.linear.gather [hbm4b:s20+s4], $0x80, $0x38;
	[tilespmem:$0x18C00] =	vst v63  }
0x52: {  	_ =	swait.ge [sflag:s5], $0x80  }
0x53: {  	s19 =	sshll.u32 s19, $0x4;
	[sflag:s5] =	ssyncset.done $0x0  }
0x54: {  	s19 =	sadd.s32 s15, s19;
	[sflag:s5] =	ssyncadd.s32 $0xFFFFFF80  }
0x55: {  	[tilespmem:s6], [sflag:$0x4] =	stream.linear.gather [hbm4b:s19+s4], $0x4000, $0x38;
	[tilespmem:$0x18C00] =	vst v63  }
0x56: {  	_ =	swait.ge [sflag:s5], $0x4000  }
0x57: {  	[sflag:s5] =	ssyncset.done $0x0  }
0x58: {  	[sflag:s5] =	ssyncadd.s32 $0xFFFFC000  }
0x59: {  	[hbm4b:s3+s7] =	stream.indirect.scatter [tilespmem:s6], [sflag:$0x1], $0x80, s16, s7, $0xb8;
	[tilespmem:$0x18C00] =	vst v63  }
0x5a: {  	s28 =	sor.u32 $0x100, s18;
	_ =	swait.ge [sflag:s17], $0x4000  }
0x5b: {  	s29 =	sshrl.u32 s28, $0x3;
	[sflag:s17] =	ssyncset.done $0x0  }
0x5c: {  	s20 =	sadd.s32 s14, s29;
	[sflag:s17] =	ssyncadd.s32 $0xFFFFC000  }
0x5d: {  	[tilespmem:s16], [sflag:$0x4] =	stream.linear.gather [hbm4b:s20+s4], $0x80, $0x38;
	[tilespmem:$0x18C00] =	vst v63  }
0x5e: {  	_ =	swait.ge [sflag:s5], $0x80  }
0x5f: {  	s19 =	sshll.u32 s28, $0x4;
	[sflag:s5] =	ssyncset.done $0x0  }
0x60: {  	s19 =	sadd.s32 s15, s19;
	[sflag:s5] =	ssyncadd.s32 $0xFFFFFF80  }
0x61: {  	[tilespmem:s6], [sflag:$0x4] =	stream.linear.gather [hbm4b:s19+s4], $0x4000, $0x38;
	[tilespmem:$0x18C00] =	vst v63  }
0x62: {  	_ =	swait.ge [sflag:s5], $0x4000  }
0x63: {  	[sflag:s5] =	ssyncset.done $0x0  }
0x64: {  	[sflag:s5] =	ssyncadd.s32 $0xFFFFC000  }
0x65: {  	[hbm4b:s3+s7] =	stream.indirect.scatter [tilespmem:s6], [sflag:$0x1], $0x80, s16, s7, $0xb8;
	[tilespmem:$0x18C00] =	vst v63  }
0x66: {  	s18 =	sor.u32 $0x180, s18;
	_ =	swait.ge [sflag:s17], $0x4000  }
0x67: {  	s30 =	sshrl.u32 s18, $0x3;
	[sflag:s17] =	ssyncset.done $0x0  }
0x68: {  	s31 =	sadd.s32 s14, s30;
	[sflag:s17] =	ssyncadd.s32 $0xFFFFC000  }
0x69: {  	[tilespmem:s16], [sflag:$0x4] =	stream.linear.gather [hbm4b:s31+s4], $0x80, $0x38;
	[tilespmem:$0x18C00] =	vst v63  }
0x6a: {  	_ =	swait.ge [sflag:s5], $0x80  }
0x6b: {  	s19 =	sshll.u32 s18, $0x4;
	[sflag:s5] =	ssyncset.done $0x0  }
0x6c: {  	s14 =	sadd.s32 s15, s19;
	[sflag:s5] =	ssyncadd.s32 $0xFFFFFF80  }
0x6d: {  	[tilespmem:s6], [sflag:$0x4] =	stream.linear.gather [hbm4b:s14+s4], $0x4000, $0x38;
	[tilespmem:$0x18C00] =	vst v63  }
0x6e: {  	_ =	swait.ge [sflag:s5], $0x4000  }
0x6f: {  	[sflag:s5] =	ssyncset.done $0x0  }
0x70: {  	[sflag:s5] =	ssyncadd.s32 $0xFFFFC000  }
0x71: {  	[hbm4b:s3+s7] =	stream.indirect.scatter [tilespmem:s6], [sflag:$0x1], $0x80, s16, s7, $0xb8;
	[tilespmem:$0x18C00] =	vst v63  }
0x72: {  	s20 =	smul.u32 $0x300, s1;
	_ =	swait.ge [sflag:s17], $0x4000  }
0x73: {  	[sflag:s17] =	ssyncset.done $0x0  }
0x74: {  	s21 =	sshrl.u32 s20, $0x3;
	[sflag:s17] =	ssyncadd.s32 $0xFFFFC000  }
0x75: {  	s15 =	sadd.s32 s13, s21;
	[bflag:$0x0] =	sbarrier.arrive $0xFFFF  }
0x76: {  	[tilespmem:s16], [sflag:$0x4] =	stream.linear.gather [hbm4b:s15+s4], $0x80, $0x38;
	[tilespmem:$0x18C00] =	vst v63  }
0x77: {  	_ =	swait.ge [sflag:s5], $0x80  }
0x78: {  	[sflag:s5] =	ssyncset.done $0x0  }
0x79: {  	[sflag:s5] =	ssyncadd.s32 $0xFFFFFF80  }
0x7a: {  	[tilespmem:s6], [sflag:$0x1] =	stream.indirect.gather [hbm4b:s3+s7], $0x80, s16, s7, $0xb8;
	[tilespmem:$0x18C00] =	vst v63  }
0x7b: {  	s22 =	smul.u32 $0x3000, s1;
	_ =	swait.ge [sflag:s17], $0x4000  }
0x7c: {  	[sflag:s17] =	ssyncset.done $0x0  }
0x7d: {  	s15 =	sadd.s32 s12, s22;
	[sflag:s17] =	ssyncadd.s32 $0xFFFFC000  }
0x7e: {  	[hbm4b:s15+s4] =	stream.linear.scatter [tilespmem:s6], [sflag:$0x4], $0x4000, $0x38;
	[tilespmem:$0x18C00] =	vst v63  }
0x7f: {  	s23 =	sor.u32 $0x80, s20;
	_ =	swait.ge [sflag:s5], $0x4000  }
0x80: {  	s24 =	sshrl.u32 s23, $0x3;
	[sflag:s5] =	ssyncset.done $0x0  }
0x81: {  	s18 =	sadd.s32 s13, s24;
	[sflag:s5] =	ssyncadd.s32 $0xFFFFC000  }
0x82: {  	[tilespmem:s16], [sflag:$0x4] =	stream.linear.gather [hbm4b:s18+s4], $0x80, $0x38;
	[tilespmem:$0x18C00] =	vst v63  }
0x83: {  	_ =	swait.ge [sflag:s5], $0x80  }
0x84: {  	[sflag:s5] =	ssyncset.done $0x0  }
0x85: {  	[sflag:s5] =	ssyncadd.s32 $0xFFFFFF80  }
0x86: {  	[tilespmem:s6], [sflag:$0x1] =	stream.indirect.gather [hbm4b:s3+s7], $0x80, s16, s7, $0xb8;
	[tilespmem:$0x18C00] =	vst v63  }
0x87: {  	_ =	swait.ge [sflag:s17], $0x4000  }
0x88: {  	s15 =	sshll.u32 s23, $0x4;
	[sflag:s17] =	ssyncset.done $0x0  }
0x89: {  	s15 =	sadd.s32 s12, s15;
	[sflag:s17] =	ssyncadd.s32 $0xFFFFC000  }
0x8a: {  	[hbm4b:s15+s4] =	stream.linear.scatter [tilespmem:s6], [sflag:$0x4], $0x4000, $0x38;
	[tilespmem:$0x18C00] =	vst v63  }
0x8b: {  	s25 =	sadd.s32 $0x100, s20;
	_ =	swait.ge [sflag:s5], $0x4000  }
0x8c: {  	s26 =	sshrl.u32 s25, $0x3;
	[sflag:s5] =	ssyncset.done $0x0  }
0x8d: {  	s18 =	sadd.s32 s13, s26;
	[sflag:s5] =	ssyncadd.s32 $0xFFFFC000  }
0x8e: {  	[tilespmem:s16], [sflag:$0x4] =	stream.linear.gather [hbm4b:s18+s4], $0x80, $0x38;
	[tilespmem:$0x18C00] =	vst v63  }
0x8f: {  	_ =	swait.ge [sflag:s5], $0x80  }
0x90: {  	[sflag:s5] =	ssyncset.done $0x0  }
0x91: {  	[sflag:s5] =	ssyncadd.s32 $0xFFFFFF80  }
0x92: {  	[tilespmem:s6], [sflag:$0x1] =	stream.indirect.gather [hbm4b:s3+s7], $0x80, s16, s7, $0xb8;
	[tilespmem:$0x18C00] =	vst v63  }
0x93: {  	_ =	swait.ge [sflag:s17], $0x4000  }
0x94: {  	s15 =	sshll.u32 s25, $0x4;
	[sflag:s17] =	ssyncset.done $0x0  }
0x95: {  	s15 =	sadd.s32 s12, s15;
	[sflag:s17] =	ssyncadd.s32 $0xFFFFC000  }
0x96: {  	[hbm4b:s15+s4] =	stream.linear.scatter [tilespmem:s6], [sflag:$0x4], $0x4000, $0x38;
	[tilespmem:$0x18C00] =	vst v63  }
0x97: {  	s28 =	sadd.s32 $0x180, s20;
	_ =	swait.ge [sflag:s5], $0x4000  }
0x98: {  	s29 =	sshrl.u32 s28, $0x3;
	[sflag:s5] =	ssyncset.done $0x0  }
0x99: {  	s18 =	sadd.s32 s13, s29;
	[sflag:s5] =	ssyncadd.s32 $0xFFFFC000  }
0x9a: {  	[tilespmem:s16], [sflag:$0x4] =	stream.linear.gather [hbm4b:s18+s4], $0x80, $0x38;
	[tilespmem:$0x18C00] =	vst v63  }
0x9b: {  	_ =	swait.ge [sflag:s5], $0x80  }
0x9c: {  	[sflag:s5] =	ssyncset.done $0x0  }
0x9d: {  	[sflag:s5] =	ssyncadd.s32 $0xFFFFFF80  }
0x9e: {  	[tilespmem:s6], [sflag:$0x1] =	stream.indirect.gather [hbm4b:s3+s7], $0x80, s16, s7, $0xb8;
	[tilespmem:$0x18C00] =	vst v63  }
0x9f: {  	_ =	swait.ge [sflag:s17], $0x4000  }
0xa0: {  	s15 =	sshll.u32 s28, $0x4;
	[sflag:s17] =	ssyncset.done $0x0  }
0xa1: {  	s15 =	sadd.s32 s12, s15;
	[sflag:s17] =	ssyncadd.s32 $0xFFFFC000  }
0xa2: {  	[hbm4b:s15+s4] =	stream.linear.scatter [tilespmem:s6], [sflag:$0x4], $0x4000, $0x38;
	[tilespmem:$0x18C00] =	vst v63  }
0xa3: {  	s30 =	sadd.s32 $0x200, s20;
	_ =	swait.ge [sflag:s5], $0x4000  }
0xa4: {  	s31 =	sshrl.u32 s30, $0x3;
	[sflag:s5] =	ssyncset.done $0x0  }
0xa5: {  	s18 =	sadd.s32 s13, s31;
	[sflag:s5] =	ssyncadd.s32 $0xFFFFC000  }
0xa6: {  	[tilespmem:s16], [sflag:$0x4] =	stream.linear.gather [hbm4b:s18+s4], $0x80, $0x38;
	[tilespmem:$0x18C00] =	vst v63  }
0xa7: {  	_ =	swait.ge [sflag:s5], $0x80  }
0xa8: {  	[sflag:s5] =	ssyncset.done $0x0  }
0xa9: {  	[sflag:s5] =	ssyncadd.s32 $0xFFFFFF80  }
0xaa: {  	[tilespmem:s6], [sflag:$0x1] =	stream.indirect.gather [hbm4b:s3+s7], $0x80, s16, s7, $0xb8;
	[tilespmem:$0x18C00] =	vst v63  }
0xab: {  	_ =	swait.ge [sflag:s17], $0x4000  }
0xac: {  	s15 =	sshll.u32 s30, $0x4;
	[sflag:s17] =	ssyncset.done $0x0  }
0xad: {  	s15 =	sadd.s32 s12, s15;
	[sflag:s17] =	ssyncadd.s32 $0xFFFFC000  }
0xae: {  	[hbm4b:s15+s4] =	stream.linear.scatter [tilespmem:s6], [sflag:$0x4], $0x4000, $0x38;
	[tilespmem:$0x18C00] =	vst v63  }
0xaf: {  	s14 =	sadd.s32 $0x280, s20;
	_ =	swait.ge [sflag:s5], $0x4000  }
0xb0: {  	s19 =	sshrl.u32 s14, $0x3;
	[sflag:s5] =	ssyncset.done $0x0  }
0xb1: {  	s20 =	sadd.s32 s13, s19;
	[sflag:s5] =	ssyncadd.s32 $0xFFFFC000  }
0xb2: {  	[tilespmem:s16], [sflag:$0x4] =	stream.linear.gather [hbm4b:s20+s4], $0x80, $0x38;
	[tilespmem:$0x18C00] =	vst v63  }
0xb3: {  	_ =	swait.ge [sflag:s5], $0x80  }
0xb4: {  	[sflag:s5] =	ssyncset.done $0x0  }
0xb5: {  	[sflag:s5] =	ssyncadd.s32 $0xFFFFFF80  }
0xb6: {  	[tilespmem:s6], [sflag:$0x1] =	stream.indirect.gather [hbm4b:s3+s7], $0x80, s16, s7, $0xb8;
	[tilespmem:$0x18C00] =	vst v63  }
0xb7: {  	_ =	swait.ge [sflag:s17], $0x4000  }
0xb8: {  	s21 =	sshll.u32 s14, $0x4;
	[sflag:s17] =	ssyncset.done $0x0  }
0xb9: {  	s22 =	sadd.s32 s12, s21;
	s23 =	smul.u32 $0x3C00, s1;
	[sflag:s17] =	ssyncadd.s32 $0xFFFFC000  }
0xba: {  	[hbm4b:s22+s4] =	stream.linear.scatter [tilespmem:s6], [sflag:$0x4], $0x4000, $0x38;
	[tilespmem:$0x18C00] =	vst v63  }
0xbb: {  	_ =	swait.ge [sflag:s5], $0x4000  }
0xbc: {  	s12 =	sshrl.u32 s23, $0x3;
	[sflag:s5] =	ssyncset.done $0x0  }
0xbd: {  	s24 =	sadd.s32 s11, s12;
	[sflag:s5] =	ssyncadd.s32 $0xFFFFC000  }
0xbe: {  	[tilespmem:s16], [sflag:$0x4] =	stream.linear.gather [hbm4b:s24+s4], $0x80, $0x38;
	[tilespmem:$0x18C00] =	vst v63  }
0xbf: {  	_ =	swait.ge [sflag:s5], $0x80  }
0xc0: {  	[sflag:s5] =	ssyncset.done $0x0  }
0xc1: {  	s25 =	simm.s32 $0x17B00;
	s12 =	sadd.s32 s10, s12;
	[sflag:s5] =	ssyncadd.s32 $0xFFFFFF80  }
0xc2: {  	[tilespmem:s25], [sflag:$0x4] =	stream.linear.gather [hbm4b:s12+s4], $0x80, $0x38;
	[tilespmem:$0x18C00] =	vst v63  }
0xc3: {  	s26 =	smul.u32 $0x780, s1;
	_ =	swait.ge [sflag:s5], $0x80  }
0xc4: {  	[sflag:s5] =	ssyncset.done $0x0  }
0xc5: {  	s14 =	sadd.s32 s26, s11;
	[sflag:s5] =	ssyncadd.s32 $0xFFFFFF80  }
0xc6: {  	[tilespmem:s6], [sflag:$0x2] =	stream.indirect.gather [hbm4b:s3+s7], $0x80, s16, s7, $0xb8;
	[tilespmem:$0x18C00] =	vst v63  }
0xc7: {  	s13 =	simm.s32 $0x17C00;
	s11 =	sadd.s32 $0x0, s14  }
0xc8: {  	[tilespmem:s13], [sflag:$0x2] =	stream.indirect.gather [hbm4b:s2+s7], $0x10, s25, s7, $0xb8;
	[tilespmem:$0x18C00] =	vst v63  }
0xc9: {  	s11 =	sadd.s32 $0x10, s11;
	s15 =	simm.s32 $0xFA80  }
0xca: {  	[tilespmem:s15], [sflag:$0x4] =	stream.linear.gather [hbm4b:s11+s4], $0x80, $0x38;
	[tilespmem:$0x18C00] =	vst v63  }
0xcb: {  	s12 =	sadd.s32 s26, s10;
	_ =	swait.ge [sflag:s5], $0x80  }
0xcc: {  	s10 =	sadd.s32 $0x0, s12;
	[sflag:s5] =	ssyncset.done $0x0  }
0xcd: {  	s10 =	sadd.s32 $0x10, s10;
	s16 =	simm.s32 $0x17B80;
	[sflag:s5] =	ssyncadd.s32 $0xFFFFFF80  }
0xce: {  	[tilespmem:s16], [sflag:$0x4] =	stream.linear.gather [hbm4b:s10+s4], $0x80, $0x38;
	[tilespmem:$0x18C00] =	vst v63  }
0xcf: {  	_ =	swait.ge [sflag:s5], $0x80  }
0xd0: {  	[sflag:s5] =	ssyncset.done $0x0  }
0xd1: {  	s11 =	simm.s32 $0x13B00;
	[sflag:s5] =	ssyncadd.s32 $0xFFFFFF80  }
0xd2: {  	[tilespmem:s11], [sflag:$0x3] =	stream.indirect.gather [hbm4b:s3+s7], $0x80, s15, s7, $0xb8;
	[tilespmem:$0x18C00] =	vst v63  }
0xd3: {  	s17 =	simm.s32 $0x2;
	s10 =	simm.s32 $0x18400  }
0xd4: {  	[tilespmem:s10], [sflag:$0x3] =	stream.indirect.gather [hbm4b:s2+s7], $0x10, s16, s7, $0xb8;
	[tilespmem:$0x18C00] =	vst v63  }
0xd5: {  	_ =	swait.ge [sflag:s17], $0x4000  }
0xd6: {  	[sflag:s17] =	ssyncset.done $0x0  }
0xd7: {  	[sflag:s17] =	ssyncadd.s32 $0xFFFFC000  }
0xd8: {  	s28 =	smul.u32 $0x3C000, s1;
	_ =	swait.ge [sflag:s17], $0x800  }
0xd9: {  	[sflag:s17] =	ssyncset.done $0x0  }
0xda: {  	s9 =	sadd.s32 s28, s9;
	[sflag:s17] =	ssyncadd.s32 $0xFFFFF800  }
0xdb: {  	[hbm4b:s9+s4] =	stream.linear.scatter [tilespmem:s6], [sflag:$0x4], $0x4000, $0x38;
	[tilespmem:$0x18C00] =	vst v63  }
0xdc: {  	s29 =	smul.u32 $0x7800, s1;
	_ =	swait.ge [sflag:s5], $0x4000  }
0xdd: {  	[sflag:s5] =	ssyncset.done $0x0  }
0xde: {  	p0 =	por $0x0, $0x0;
	s22 =	sadd.s32 s29, s8;
	[sflag:s5] =	ssyncadd.s32 $0xFFFFC000  }
0xdf: {  	[hbm4b:s22+s4] =	stream.linear.scatter [tilespmem:s13], [sflag:$0x4], $0x800, $0x38;
	[tilespmem:$0x18C00] =	vst v63  }
0xe0: {  	s19 =	simm.s32 @!p0 $0xFA00;
	_ =	swait.ge [sflag:s5], $0x800  }
0xe1: {  	s18 =	simm.s32 @!p0 $0x0;
	s8 =	sadd.s32 @!p0 $0x0, s14;
	[sflag:s5] =	ssyncset.done $0x0  }
0xe2: {  	s20 =	simm.s32 @!p0 $0x4;
	s8 =	sadd.s32 @!p0 $0x20, s8;
	[sflag:s5] =	ssyncadd.s32 $0xFFFFF800  }
0xe3: {  	[tilespmem:s19], [sflag:$0x4] =	stream.linear.gather @!p0 [hbm4b:s8+s18], $0x80, $0x38;
	[tilespmem:$0x18C00] =	vst v63  }
0xe4: {  	_ =	swait.ge @!p0 [sflag:s20], $0x80  }
0xe5: {  	s8 =	sadd.s32 @!p0 $0x0, s12;
	[sflag:s20] =	ssyncset.done @!p0 $0x0  }
0xe6: {  	s21 =	simm.s32 @!p0 $0x17B00;
	s8 =	sadd.s32 @!p0 $0x20, s8;
	[sflag:s20] =	ssyncadd.s32 @!p0 $0xFFFFFF80  }
0xe7: {  	[tilespmem:s21], [sflag:$0x4] =	stream.linear.gather @!p0 [hbm4b:s8+s18], $0x80, $0x38;
	[tilespmem:$0x18C00] =	vst v63  }
0xe8: {  	_ =	swait.ge @!p0 [sflag:s20], $0x80  }
0xe9: {  	[sflag:s20] =	ssyncset.done @!p0 $0x0  }
0xea: {  	s18 =	simm.s32 @!p0 $0x80;
	s8 =	simm.s32 @!p0 $0xFB00;
	[sflag:s20] =	ssyncadd.s32 @!p0 $0xFFFFFF80  }
0xeb: {  	[tilespmem:s8], [sflag:$0x2] =	stream.indirect.gather @!p0 [hbm4b:s3+s18], $0x80, s19, s18, $0xb8;
	[tilespmem:$0x18C00] =	vst v63  }
0xec: {  	s8 =	simm.s32 $0x3;
	s19 =	simm.s32 @!p0 $0x17C00  }
0xed: {  	[tilespmem:s19], [sflag:$0x2] =	stream.indirect.gather @!p0 [hbm4b:s2+s18], $0x10, s21, s18, $0xb8;
	[tilespmem:$0x18C00] =	vst v63  }
0xee: {  	_ =	swait.ge [sflag:s8], $0x4000  }
0xef: {  	[sflag:s8] =	ssyncset.done $0x0  }
0xf0: {  	[sflag:s8] =	ssyncadd.s32 $0xFFFFC000  }
0xf1: {  	_ =	swait.ge [sflag:s8], $0x800  }
0xf2: {  	[sflag:s8] =	ssyncset.done $0x0  }
0xf3: {  	s30 =	sadd.s32 $0x800, s9;
	[sflag:s8] =	ssyncadd.s32 $0xFFFFF800  }
0xf4: {  	[hbm4b:s30+s4] =	stream.linear.scatter [tilespmem:s11], [sflag:$0x4], $0x4000, $0x38;
	[tilespmem:$0x18C00] =	vst v63  }
0xf5: {  	_ =	swait.ge [sflag:s5], $0x4000  }
0xf6: {  	s31 =	sadd.s32 $0x100, s22;
	s20 =	simm.s32 $0x40;
	[sflag:s5] =	ssyncset.done $0x0  }
0xf7: {  	s19 =	simm.s32 $0x20;
	s18 =	sadd.s32 $0x1000, s9;
	[sflag:s5] =	ssyncadd.s32 $0xFFFFC000  }
0xf8: {  	[hbm4b:s31+s4] =	stream.linear.scatter [tilespmem:s10], [sflag:$0x4], $0x800, $0x38;
	[tilespmem:$0x18C00] =	vst v63  }
0xf9: {  	s21 =	sadd.s32 $0x20, s14;
	s9 =	sadd.s32 $0x200, s22;
	_ =	swait.ge [sflag:s5], $0x800  }
.LBB2_5:
0xfa: {  	s22 =	sadd.s32 $0x10, s21  }
0xfb: {  	[sflag:s5] =	ssyncset.done $0x0;
	s21 =	smov.u32 s20;
	s20 =	sadd.s32 $0x20, s20  }
0xfc: {  	p0 =	sne.s32 s20, $0x780;
	[sflag:s5] =	ssyncadd.s32 $0xFFFFF800  }
0xfd: {  	[tilespmem:s15], [sflag:$0x4] =	stream.linear.gather [hbm4b:s22+s4], $0x80, $0x38;
	[tilespmem:$0x18C00] =	vst v63  }
0xfe: {  	s22 =	sadd.s32 s19, s12;
	_ =	swait.ge [sflag:s5], $0x80  }
0xff: {  	s22 =	sadd.s32 $0x10, s22;
	[sflag:s5] =	ssyncset.done $0x0  }
0x100: {  	[sflag:s5] =	ssyncadd.s32 $0xFFFFFF80  }
0x101: {  	[tilespmem:s16], [sflag:$0x4] =	stream.linear.gather [hbm4b:s22+s4], $0x80, $0x38;
	[tilespmem:$0x18C00] =	vst v63  }
0x102: {  	_ =	swait.ge [sflag:s5], $0x80  }
0x103: {  	[sflag:s5] =	ssyncset.done $0x0  }
0x104: {  	[sflag:s5] =	ssyncadd.s32 $0xFFFFFF80  }
0x105: {  	[tilespmem:s11], [sflag:$0x3] =	stream.indirect.gather [hbm4b:s3+s7], $0x80, s15, s7, $0xb8;
	[tilespmem:$0x18C00] =	vst v63  }
0x106: {  	_ = 	snop  }
0x107: {  	[tilespmem:s10], [sflag:$0x3] =	stream.indirect.gather [hbm4b:s2+s7], $0x10, s16, s7, $0xb8;
	[tilespmem:$0x18C00] =	vst v63  }
0x108: {  	_ =	swait.ge [sflag:s17], $0x4000  }
0x109: {  	[sflag:s17] =	ssyncset.done $0x0  }
0x10a: {  	[sflag:s17] =	ssyncadd.s32 $0xFFFFC000  }
0x10b: {  	_ =	swait.ge [sflag:s17], $0x800  }
0x10c: {  	[sflag:s17] =	ssyncset.done $0x0  }
0x10d: {  	[sflag:s17] =	ssyncadd.s32 $0xFFFFF800  }
0x10e: {  	[hbm4b:s18+s4] =	stream.linear.scatter [tilespmem:s6], [sflag:$0x4], $0x4000, $0x38;
	[tilespmem:$0x18C00] =	vst v63  }
0x10f: {  	_ =	swait.ge [sflag:s5], $0x4000  }
0x110: {  	[sflag:s5] =	ssyncset.done $0x0  }
0x111: {  	p1 =	seq.s32 s19, $0x760;
	[sflag:s5] =	ssyncadd.s32 $0xFFFFC000  }
0x112: {  	[hbm4b:s9+s4] =	stream.linear.scatter [tilespmem:s13], [sflag:$0x4], $0x800, $0x38;
	[tilespmem:$0x18C00] =	vst v63  }
0x113: {  	s23 =	simm.s32 @!p1 $0x0;
	s22 =	sadd.s32 @!p1 s19, s14;
	_ =	swait.ge [sflag:s5], $0x800  }
0x114: {  	s24 =	simm.s32 @!p1 $0xFA00;
	s22 =	sadd.s32 @!p1 $0x20, s22;
	[sflag:s5] =	ssyncset.done $0x0  }
0x115: {  	s25 =	simm.s32 @!p1 $0x4;
	s19 =	sadd.s32 @!p1 s19, s12;
	[sflag:s5] =	ssyncadd.s32 $0xFFFFF800  }
0x116: {  	[tilespmem:s24], [sflag:$0x4] =	stream.linear.gather @!p1 [hbm4b:s22+s23], $0x80, $0x38;
	[tilespmem:$0x18C00] =	vst v63  }
0x117: {  	s22 =	sadd.s32 @!p1 $0x20, s19;
	s19 =	smov.u32 s21;
	_ =	swait.ge @!p1 [sflag:s25], $0x80  }
0x118: {  	s21 =	simm.s32 @!p1 $0x17B00;
	[sflag:s25] =	ssyncset.done @!p1 $0x0  }
0x119: {  	[sflag:s25] =	ssyncadd.s32 @!p1 $0xFFFFFF80  }
0x11a: {  	[tilespmem:s21], [sflag:$0x4] =	stream.linear.gather @!p1 [hbm4b:s22+s23], $0x80, $0x38;
	[tilespmem:$0x18C00] =	vst v63  }
0x11b: {  	_ =	swait.ge @!p1 [sflag:s25], $0x80  }
0x11c: {  	s22 =	simm.s32 @!p1 $0x80;
	s23 =	simm.s32 @!p1 $0xFB00;
	[sflag:s25] =	ssyncset.done @!p1 $0x0  }
0x11d: {  	[sflag:s25] =	ssyncadd.s32 @!p1 $0xFFFFFF80;
	s25 =	simm.s32 @!p1 $0x17C00  }
0x11e: {  	[tilespmem:s23], [sflag:$0x2] =	stream.indirect.gather @!p1 [hbm4b:s3+s22], $0x80, s24, s22, $0xb8;
	[tilespmem:$0x18C00] =	vst v63  }
0x11f: {  	_ = 	snop  }
0x120: {  	[tilespmem:s25], [sflag:$0x2] =	stream.indirect.gather @!p1 [hbm4b:s2+s22], $0x10, s21, s22, $0xb8;
	[tilespmem:$0x18C00] =	vst v63  }
0x121: {  	_ =	swait.ge [sflag:s8], $0x4000  }
0x122: {  	[sflag:s8] =	ssyncset.done $0x0  }
0x123: {  	[sflag:s8] =	ssyncadd.s32 $0xFFFFC000  }
0x124: {  	_ =	swait.ge [sflag:s8], $0x800  }
0x125: {  	s21 =	sadd.s32 $0x800, s18;
	[sflag:s8] =	ssyncset.done $0x0  }
0x126: {  	[sflag:s8] =	ssyncadd.s32 $0xFFFFF800  }
0x127: {  	[hbm4b:s21+s4] =	stream.linear.scatter [tilespmem:s11], [sflag:$0x4], $0x4000, $0x38;
	[tilespmem:$0x18C00] =	vst v63  }
.Ltmp2:
0x128: {  	_ =	swait.ge [sflag:s5], $0x4000;
	(pc) =	sbr.rel @p0 .LBB2_5-.Ltmp2, $4  }
0x129: {  	s21 =	sadd.s32 $0x100, s9;
	[sflag:s5] =	ssyncset.done $0x0  }
0x12a: {  	s18 =	sadd.s32 $0x1000, s18;
	[sflag:s5] =	ssyncadd.s32 $0xFFFFC000  }
0x12b: {  	[hbm4b:s21+s4] =	stream.linear.scatter [tilespmem:s10], [sflag:$0x4], $0x800, $0x38;
	[tilespmem:$0x18C00] =	vst v63  }
0x12c: {  	s9 =	sadd.s32 $0x200, s9;
	s21 =	sadd.s32 s19, s14;
	_ =	swait.ge [sflag:s5], $0x800  }
0x12d: {  	[sflag:s5] =	ssyncset.done $0x0  }
0x12e: {  	s20 =	sadd.s32 $0x10, s21;
	[sflag:s5] =	ssyncadd.s32 $0xFFFFF800  }
0x12f: {  	[tilespmem:s15], [sflag:$0x4] =	stream.linear.gather [hbm4b:s20+s4], $0x80, $0x38;
	[tilespmem:$0x18C00] =	vst v63  }
0x130: {  	_ =	swait.ge [sflag:s5], $0x80  }
0x131: {  	s29 =	sadd.s32 s19, s12;
	[sflag:s5] =	ssyncset.done $0x0  }
0x132: {  	s20 =	sadd.s32 $0x10, s29;
	[sflag:s5] =	ssyncadd.s32 $0xFFFFFF80  }
0x133: {  	[tilespmem:s16], [sflag:$0x4] =	stream.linear.gather [hbm4b:s20+s4], $0x80, $0x38;
	[tilespmem:$0x18C00] =	vst v63  }
0x134: {  	_ =	swait.ge [sflag:s5], $0x80  }
0x135: {  	[sflag:s5] =	ssyncset.done $0x0  }
0x136: {  	[sflag:s5] =	ssyncadd.s32 $0xFFFFFF80  }
0x137: {  	[tilespmem:s11], [sflag:$0x3] =	stream.indirect.gather [hbm4b:s3+s7], $0x80, s15, s7, $0xb8;
	[tilespmem:$0x18C00] =	vst v63  }
0x138: {  	_ = 	snop  }
0x139: {  	[tilespmem:s10], [sflag:$0x3] =	stream.indirect.gather [hbm4b:s2+s7], $0x10, s16, s7, $0xb8;
	[tilespmem:$0x18C00] =	vst v63  }
0x13a: {  	_ =	swait.ge [sflag:s17], $0x4000  }
0x13b: {  	[sflag:s17] =	ssyncset.done $0x0  }
0x13c: {  	[sflag:s17] =	ssyncadd.s32 $0xFFFFC000  }
0x13d: {  	_ =	swait.ge [sflag:s17], $0x800  }
0x13e: {  	[sflag:s17] =	ssyncset.done $0x0  }
0x13f: {  	[sflag:s17] =	ssyncadd.s32 $0xFFFFF800  }
0x140: {  	[hbm4b:s18+s4] =	stream.linear.scatter [tilespmem:s6], [sflag:$0x4], $0x4000, $0x38;
	[tilespmem:$0x18C00] =	vst v63  }
0x141: {  	_ =	swait.ge [sflag:s5], $0x4000  }
0x142: {  	[sflag:s5] =	ssyncset.done $0x0  }
0x143: {  	p0 =	seq.s32 s19, $0x760;
	[sflag:s5] =	ssyncadd.s32 $0xFFFFC000  }
0x144: {  	[hbm4b:s9+s4] =	stream.linear.scatter [tilespmem:s13], [sflag:$0x4], $0x800, $0x38;
	[tilespmem:$0x18C00] =	vst v63  }
0x145: {  	s7 =	simm.s32 @!p0 $0x0;
	_ =	swait.ge [sflag:s5], $0x800  }
0x146: {  	s6 =	sadd.s32 @!p0 s19, s14;
	s14 =	simm.s32 @!p0 $0x4;
	[sflag:s5] =	ssyncset.done $0x0  }
0x147: {  	s6 =	sadd.s32 @!p0 $0x20, s6;
	s13 =	simm.s32 @!p0 $0xFA00;
	[sflag:s5] =	ssyncadd.s32 $0xFFFFF800  }
0x148: {  	[tilespmem:s13], [sflag:$0x4] =	stream.linear.gather @!p0 [hbm4b:s6+s7], $0x80, $0x38;
	[tilespmem:$0x18C00] =	vst v63  }
0x149: {  	_ =	swait.ge @!p0 [sflag:s14], $0x80  }
0x14a: {  	s6 =	sadd.s32 @!p0 s19, s12;
	[sflag:s14] =	ssyncset.done @!p0 $0x0  }
0x14b: {  	s12 =	simm.s32 @!p0 $0x17B00;
	s6 =	sadd.s32 @!p0 $0x20, s6;
	[sflag:s14] =	ssyncadd.s32 @!p0 $0xFFFFFF80  }
0x14c: {  	[tilespmem:s12], [sflag:$0x4] =	stream.linear.gather @!p0 [hbm4b:s6+s7], $0x80, $0x38;
	[tilespmem:$0x18C00] =	vst v63  }
0x14d: {  	_ =	swait.ge @!p0 [sflag:s14], $0x80  }
0x14e: {  	[sflag:s14] =	ssyncset.done @!p0 $0x0  }
0x14f: {  	s6 =	simm.s32 @!p0 $0x80;
	s7 =	simm.s32 @!p0 $0xFB00;
	[sflag:s14] =	ssyncadd.s32 @!p0 $0xFFFFFF80  }
0x150: {  	[tilespmem:s7], [sflag:$0x2] =	stream.indirect.gather @!p0 [hbm4b:s3+s6], $0x80, s13, s6, $0xb8;
	[tilespmem:$0x18C00] =	vst v63  }
0x151: {  	s3 =	simm.s32 @!p0 $0x17C00  }
0x152: {  	[tilespmem:s3], [sflag:$0x2] =	stream.indirect.gather @!p0 [hbm4b:s2+s6], $0x10, s12, s6, $0xb8;
	[tilespmem:$0x18C00] =	vst v63  }
0x153: {  	_ =	swait.ge [sflag:s8], $0x4000  }
0x154: {  	[sflag:s8] =	ssyncset.done $0x0  }
0x155: {  	[sflag:s8] =	ssyncadd.s32 $0xFFFFC000  }
0x156: {  	_ =	swait.ge [sflag:s8], $0x800  }
0x157: {  	[sflag:s8] =	ssyncset.done $0x0  }
0x158: {  	s30 =	sadd.s32 $0x800, s18;
	[sflag:s8] =	ssyncadd.s32 $0xFFFFF800  }
0x159: {  	[hbm4b:s30+s4] =	stream.linear.scatter [tilespmem:s11], [sflag:$0x4], $0x4000, $0x38;
	[tilespmem:$0x18C00] =	vst v63  }
0x15a: {  	_ =	swait.ge [sflag:s5], $0x4000  }
0x15b: {  	[sflag:s5] =	ssyncset.done $0x0  }
0x15c: {  	s31 =	sadd.s32 $0x100, s9;
	[sflag:s5] =	ssyncadd.s32 $0xFFFFC000  }
0x15d: {  	[hbm4b:s31+s4] =	stream.linear.scatter [tilespmem:s10], [sflag:$0x4], $0x800, $0x38;
	[tilespmem:$0x18C00] =	vst v63  }
0x15e: {  	_ =	swait.ge [sflag:s5], $0x800  }
0x15f: {  	[sflag:s5] =	ssyncset.done $0x0  }
0x160: {  	[sflag:s5] =	ssyncadd.s32 $0xFFFFF800  }
0x161: {  	_ =	sfence.sel $0x180000  }
0x162: {  	[bflag:$0x0] =	sbarrier.arrive $0xFFFF  }
0x163: {  	p0 =	sne.s32 s1, $0x0;
	_ =	strace $0x9000004A  }
0x164: {  	s0 =	sadd.s32 @!p0 $0x100000, s0;
	[bflag:$0x2] =	sbarrier.arrive $0xFFFF  }
0x165: {  	[sflag:s0] =	ssyncadd.tile.s32 @!p0 $0x1;
	_ =	shalt  }
.Lfunc_end2:
_tile_overlayer_lowered:
.L_overlay_start_2:
0x166: {  	(tag) =	ssettag $0x2  }
0x167: {  	s0 =	rddreg [dreg:$0x0];
	s2 =	stileid.u32  }
0x168: {  	s1 =	rddreg [dreg:$0x1];
	p0 =	sne.s32 s2, $0x0  }
0x169: {  	s3 =	rddreg [dreg:$0x2];
	[bflag:$0x3] =	sbarrier.arrive $0xFFFF;
	s2 =	simm.s32 @!p0 $0x1C04  }
0x16a: {  	[timem:s3], [sflag:s2] =	dma.local @!p0 [hbm:s0], s1  }
0x16b: {  	s0 =	simm.s32 @!p0 $0x4  }
0x16c: {  	_ =	swait.ge @!p0 [sflag:s0], s1  }
0x16d: {  	s1 =	ssub.s32 @!p0 $0x0, s1;
	[sflag:s0] =	ssyncset.done @!p0 $0x0  }
0x16e: {  	[sflag:s0] =	ssyncadd.s32 @!p0 s1  }
0x16f: {  	[bflag:$0x3] =	sbarrier.arrive $0xFFFF  }
0x170: {  	_ =	shalt  }

// kernel: kernel.8.cloned.1.call-start
scs
__scs_entry_jumppad:
0x0: {  	(pc) =	sbr.rel $0x88, $3  }
0x1: {  	(tag) =	ssettag $0x0;
	lr =	simm.s32 $0x1  }
0x2: {  	[smem:$0x3F7F] =	sst lr;
	_ =	strace $0xD0000000  }
0x3: {  	_ = 	snop  }
0x4: {  	_ = 	snop  }
0x5: {  	_ = 	snop  }
0x6: {  	_ = 	snop  }
0x7: {  	_ = 	snop  }
__scs_overlays_trampoline_lowered:
0x8: {  	[smem:$0x3F8E] =	sst s0  }
0x9: {  	[smem:$0x3F8F] =	sst s1  }
0xa: {  	[smem:$0x3F90] =	sst s2  }
0xb: {  	[smem:$0x3F91] =	sst s3  }
0xc: {  	[smem:$0x3F92] =	sst s4  }
0xd: {  	[smem:$0x3F93] =	sst s5  }
0xe: {  	[smem:$0x3F94] =	sst s6  }
0xf: {  	[smem:$0x3F95] =	sst s7  }
0x10: {  	[smem:$0x3F96] =	sst s8  }
0x11: {  	[smem:$0x3F97] =	sst s9;
	s0 =	simm.s32 @!p0 $0x0  }
0x12: {  	s1 =	sld [smem:$0x3F7D];
	s0 =	simm.s32 @p0 $0x1  }
0x13: {  	[smem:$0x3F98] =	sst s0;
	s0 =	simm.s32 @!p1 $0x0  }
0x14: {  	s2 =	sld [smem:$0x3F7C];
	s0 =	simm.s32 @p1 $0x1  }
0x15: {  	[smem:$0x3F99] =	sst s0;
	s0 =	simm.s32 @!p2 $0x0  }
0x16: {  	s3 =	sld [smem:$0x3FDB];
	s0 =	simm.s32 @p2 $0x1  }
0x17: {  	s4 =	simm.s32 $0x1BF5;
	[smem:$0x3F9B] =	sst s0  }
0x18: {  	s0 =	sld [smem:$0x3F7E];
	_ =	swait.ge [sflag:s4], $0x0  }
0x19: {  	s7 =	sld [smem:$0x3F7F]  }
0x1a: {  	s8 =	sadd.s32 $0xFFFFE003, lr  }
0x1b: {  	s9 =	sadd.s32 $0xFFFFFEF7, lr;
	s5 =	simm.s32 $0xFFFFFFFF;
	p2 =	slt.u32 s8, $0xFFFFF086  }
0x1c: {  	p1 =	slt.u32 s9, $0xF7A;
	s5 =	simm.s32 @!p2 $0x0  }
0x1d: {  	s5 =	simm.s32 @p1 $0x1;
	p0 =	seq.s32 s7, s2  }
0x1e: {  	s7 =	smul.u32 @!p0 $0xF7A, s2;
	p2 =	seq.s32 @!p0 s5, $0x0  }
0x1f: {  	s9 =	smul.u32 $0xF7A, s1;
	s8 =	simm.s32 @!p0 $0x1BF5;
	p2 =	por !p2, p0  }
0x20: {  	[sflag:s8] =	ssyncset.s32 @!p0 $0xFFFFF086;
	s6 =	sadd.s32 @!p0 s3, s7;
	s7 =	simm.s32 @!p0 $0x108  }
0x21: {  	s3 =	sadd.s32 s3, s9;
	s6 =	sadd.s32 @!p0 $0x88, s6;
	s7 =	simm.s32 @p2 $0x1082  }
0x22: {  	[simem:s7], [sflag:s8] =	dma.local @!p0 [hbm:s6], $0xF7A  }
0x23: {  	s9 =	sor.u32 $0xD0000000, s2;
	s6 =	simm.s32 $0x108;
	_ =	swait.ge @!p0 [sflag:s8], $0x0  }
0x24: {  	s3 =	sadd.s32 $0x88, s3;
	s6 =	simm.s32 @!p1 $0x1082;
	[sflag:s4] =	ssyncset.s32 $0xFFFFF086  }
0x25: {  	[simem:s6], [sflag:s4] =	dma.local [hbm:s3], $0xF7A  }
0x26: {  	[smem:$0x3F7F] =	sst s1;
	(tag) =	ssettag s2;
	_ =	strace s9  }
0x27: {  	s1 =	sld [smem:$0x3F8F]  }
0x28: {  	s2 =	sld [smem:$0x3F90]  }
0x29: {  	s4 =	sld [smem:$0x3F92]  }
0x2a: {  	p0 =	seq.s32 s5, $0x0;
	s5 =	sld [smem:$0x3F93]  }
0x2b: {  	s6 =	sld [smem:$0x3F94]  }
0x2c: {  	s7 =	sld [smem:$0x3F95]  }
0x2d: {  	s3 =	simm.s32 $0x108;
	s8 =	sld [smem:$0x3F96]  }
0x2e: {  	s3 =	simm.s32 @!p0 $0x1082;
	s9 =	sld [smem:$0x3F97]  }
0x2f: {  	lr =	sadd.s32 s0, s3;
	s0 =	sld [smem:$0x3F8E]  }
0x30: {  	s3 =	sld [smem:$0x3F91]  }
0x31: {  	[smem:$0x3F9A] =	sst s10  }
0x32: {  	s10 =	sld [smem:$0x3F98];
	_ =	sdelay $0x3  }
0x33: {  	p0 =	seq.s32 s10, $0x1;
	s10 =	sld [smem:$0x3F9A];
	_ =	sdelay $0x3  }
0x34: {  	[smem:$0x3F9A] =	sst s10  }
0x35: {  	s10 =	sld [smem:$0x3F99];
	_ =	sdelay $0x3  }
0x36: {  	p1 =	seq.s32 s10, $0x1;
	s10 =	sld [smem:$0x3F9A];
	_ =	sdelay $0x3  }
0x37: {  	[smem:$0x3F9A] =	sst s10  }
0x38: {  	s10 =	sld [smem:$0x3F9B]  }
0x39: {  	_ = 	snop;
	(pc) =	sbr.ind lr, $3  }
0x3a: {  	_ = 	snop  }
0x3b: {  	_ = 	snop  }
0x3c: {  	p2 =	seq.s32 s10, $0x1;
	s10 =	sld [smem:$0x3F9A]  }
0x3d: {  	_ =	shalt  }
0x3e: {  	_ =	shalt  }
0x3f: {  	_ =	shalt  }
0x40: {  	_ =	shalt  }
0x41: {  	_ =	shalt  }
0x42: {  	_ =	shalt  }
0x43: {  	_ =	shalt  }
0x44: {  	_ =	shalt  }
0x45: {  	_ =	shalt  }
0x46: {  	_ =	shalt  }
0x47: {  	_ =	shalt  }
0x48: {  	_ =	shalt  }
0x49: {  	_ =	shalt  }
0x4a: {  	_ =	shalt  }
0x4b: {  	_ =	shalt  }
0x4c: {  	_ =	shalt  }
0x4d: {  	_ =	shalt  }
0x4e: {  	_ =	shalt  }
0x4f: {  	_ =	shalt  }
0x50: {  	_ =	shalt  }
0x51: {  	_ =	shalt  }
0x52: {  	_ =	shalt  }
0x53: {  	_ =	shalt  }
0x54: {  	_ =	shalt  }
0x55: {  	_ =	shalt  }
0x56: {  	_ =	shalt  }
0x57: {  	_ =	shalt  }
0x58: {  	_ =	shalt  }
0x59: {  	_ =	shalt  }
0x5a: {  	_ =	shalt  }
0x5b: {  	_ =	shalt  }
0x5c: {  	_ =	shalt  }
0x5d: {  	_ =	shalt  }
0x5e: {  	_ =	shalt  }
0x5f: {  	_ =	shalt  }
0x60: {  	_ =	shalt  }
0x61: {  	_ =	shalt  }
0x62: {  	_ =	shalt  }
0x63: {  	_ =	shalt  }
0x64: {  	_ =	shalt  }
0x65: {  	_ =	shalt  }
0x66: {  	_ =	shalt  }
0x67: {  	_ =	shalt  }
0x68: {  	_ =	shalt  }
0x69: {  	_ =	shalt  }
0x6a: {  	_ =	shalt  }
0x6b: {  	_ =	shalt  }
0x6c: {  	_ =	shalt  }
0x6d: {  	_ =	shalt  }
0x6e: {  	_ =	shalt  }
0x6f: {  	_ =	shalt  }
0x70: {  	_ =	shalt  }
0x71: {  	_ =	shalt  }
0x72: {  	_ =	shalt  }
0x73: {  	_ =	shalt  }
0x74: {  	_ =	shalt  }
0x75: {  	_ =	shalt  }
0x76: {  	_ =	shalt  }
0x77: {  	_ =	shalt  }
0x78: {  	_ =	shalt  }
0x79: {  	_ =	shalt  }
0x7a: {  	_ =	shalt  }
0x7b: {  	_ =	shalt  }
0x7c: {  	_ =	shalt  }
0x7d: {  	_ =	shalt  }
0x7e: {  	_ =	shalt  }
0x7f: {  	_ =	shalt  }
0x80: {  	_ =	shalt  }
0x81: {  	_ =	shalt  }
0x82: {  	_ =	shalt  }
0x83: {  	_ =	shalt  }
0x84: {  	_ =	shalt  }
0x85: {  	_ =	shalt  }
0x86: {  	_ =	shalt  }
0x87: {  	_ =	shalt  }
.Lfunc_end0:
.L_simem_size_0:
called_computation_lowered:
.L_overlay_start_0:
0x88: {  	s2 =	sld [smem:$0x3FD9]  }
0x89: {  	s3 =	sld [smem:$0x3FFE];
	_ =	sdelay $0x1  }
0x8a: {  	s1 =	srdreg.scid  }
0x8b: {  	s0 =	sand.u32 $0x1, s1  }
0x8c: {  	s17 =	sshll.u32 s0, $0xA;
	s2 =	sadd.s32 s3, s2  }
0x8d: {  	s2 =	sadd.s32 s2, s17  }
0x8e: {  	[smem:$0x3FA6] =	sst s2  }
0x8f: {  	_ = 	snop  }
0x90: {  	s2 =	sld [smem:$0x3FC9]  }
0x91: {  	s18 =	sld [smem:$0x3FC8]  }
0x92: {  	s4 =	sld [smem:$0x3FC5]  }
0x93: {  	s5 =	sld [smem:$0x3FC1]  }
0x94: {  	s6 =	sld [smem:$0x3FBF]  }
0x95: {  	s7 =	sld [smem:$0x3FBE];
	(tm) =	ssettm $0x1  }
0x96: {  	s8 =	sld [smem:$0x3FFB];
	_ =	sdelay $0x3  }
0x97: {  	_ =	strace s8  }
0x98: {  	s8 =	sld [smem:$0x3FFC];
	_ =	sdelay $0x3  }
0x99: {  	_ =	strace s8  }
0x9a: {  	s8 =	sld [smem:$0x3FFD];
	_ =	sdelay $0x3  }
0x9b: {  	_ =	strace s8  }
0x9c: {  	_ =	strace $0x8FFFFFFF  }
0x9d: {  	s19 =	sld [smem:$0x3FDB];
	_ =	sdelay $0x1  }
0x9e: {  	s9 =	simm.s32 $_scs_section_size  }
0x9f: {  	s10 =	simm.s32 $_size__tile_overlayer_lowered;
	s11 =	simm.s32 $_tile_overlayer_lowered  }
0xa0: {  	s22 =	simm.s32 $0x1BFF;
	s21 =	sshll.u32 s11, $0x1;
	s8 =	sadd.s32 s9, s19  }
0xa1: {  	s12 =	simm.s32 $0x0;
	s20 =	sshll.u32 s10, $0x1;
	s10 =	sadd.s32 s21, s8  }
0xa2: {  	[timem:s12], [sflag:s22] =	dma.local [hbm:s10], s20  }
0xa3: {  	_ =	swait.ge [sflag:s22], s20  }
0xa4: {  	s9 =	ssub.s32 $0x0, s20;
	[sflag:s22] =	ssyncset.done $0x0  }
0xa5: {  	[sflag:s22] =	ssyncadd.s32 s9;
	_ =	sdelay $0x1  }
0xa6: {  	s23 =	simm.s32 $0x1B8B  }
0xa7: {  	_ =	swait.ge [sflag:s23], $0x1  }
0xa8: {  	[sflag:s23] =	ssyncset.done $0x0  }
0xa9: {  	s25 =	simm.s32 $0x1B8E;
	s24 =	sld [smem:$0x3FFE];
	[sflag:s23] =	ssyncadd.s32 $0xFFFFFFFF  }
0xaa: {  	s26 =	simm.s32 $execute0_lowered;
	[smem:$0x3FD2] =	sst s25  }
0xab: {  	s10 =	sshll.u32 s26, $0x1;
	_ =	strace $0x80000046;
	[dreg:$0x1] =	wrdreg $0xFFFFFFFF  }
0xac: {  	s28 =	simm.s32 $_size_execute0_lowered;
	s8 =	sadd.s32 s8, s10;
	[dreg:$0x0] =	wrdreg $0x0  }
0xad: {  	s10 =	sshll.u32 s28, $0x1;
	[dreg:$0x2] =	wrdreg s8  }
0xae: {  	[dreg:$0x3] =	wrdreg s10  }
0xaf: {  	[dreg:$0x4] =	wrdreg $0xC0  }
0xb0: {  	_ =	task [dreg:s12], $0x5FFFF  }
0xb1: {  	[dreg:$0x1] =	wrdreg $0xFFFFFFFF  }
0xb2: {  	[dreg:$0x0] =	wrdreg $0x60  }
0xb3: {  	[dreg:$0x2] =	wrdreg s6  }
0xb4: {  	[dreg:$0x3] =	wrdreg s5  }
0xb5: {  	[dreg:$0x4] =	wrdreg s24  }
0xb6: {  	[dreg:$0x5] =	wrdreg s7  }
0xb7: {  	[dreg:$0x6] =	wrdreg s2  }
0xb8: {  	[dreg:$0x7] =	wrdreg s18  }
0xb9: {  	[dreg:$0x8] =	wrdreg s4  }
0xba: {  	[dreg:$0x9] =	wrdreg $0x9  }
0xbb: {  	_ =	task.clear_ibuf [dreg:s12], $0xAFFFF;
	_ =	strace $0x90000046  }
0xbc: {  	s29 =	simm.s32 $0x9;
	_ =	strace $0x80000048  }
0xbd: {  	_ =	swait.ge [sflag:s29], $0x1  }
0xbe: {  	[sflag:s29] =	ssyncadd.s32 $0xFFFFFFFF  }
0xbf: {  	_ =	strace $0x90000048  }
0xc0: {  	_ =	sfence  }
0xc1: {  	s30 =	sld [smem:$0x0];
	_ =	sdelay $0x2  }
0xc2: {  	s31 =	sshll.u32 s1, $0xD;
	s1 =	sshrl.u32 s1, $0x2  }
0xc3: {  	s3 =	sand.u32 $0x4000, s31;
	s1 =	sadd.s32 s1, s30  }
0xc4: {  	s0 =	sor.u32 s3, s0;
	s1 =	sshll.u32 s1, $0x11  }
0xc5: {  	s0 =	sor.u32 s1, s0  }
0xc6: {  	s0 =	sadd.s32 $0x8F2B, s0  }
0xc7: {  	[sflag:s0] =	ssyncadd.remote.s32 $0x1  }
0xc8: {  	_ =	sfence.sel $0xFFFF  }
0xc9: {  	[dreg:$0x0] =	wrdreg $0xFFFFFFFF;
	(pc) =	sbr.abs _section_cstart, $3  }
0xca: {  	[dreg:$0x1] =	wrdreg $0xFFFFFFFF  }
0xcb: {  	_ =	task.clear_ibuf [dreg:s12], $0x2FFFF;
	_ =	strace $0x9FFFFFFF  }
0xcc: {  	(tm) =	ssettm $0x7FFFFFFF  }
0xcd: {  	_ =	shalt  }
tec
execute0_lowered:
.L_overlay_start_1:
0x0: {  	(tag) =	ssettag $0x1  }
0x1: {  	s0 =	rddreg [dreg:$0x0]  }
0x2: {  	s2 =	rddreg [dreg:$0x1]  }
0x3: {  	s7 =	rddreg [dreg:$0x2]  }
0x4: {  	s3 =	rddreg [dreg:$0x3]  }
0x5: {  	s8 =	rddreg [dreg:$0x4]  }
0x6: {  	s11 =	rddreg [dreg:$0x5]  }
0x7: {  	s15 =	rddreg [dreg:$0x6]  }
0x8: {  	s1 =	rddreg [dreg:$0x7];
	s5 =	simm.s32 $0x0;
	s6 =	srdreg.scid  }
0x9: {  	s4 =	stileid.u32;
	s21 =	simm.s32 $0x1;
	s22 =	simm.s32 $0x1CF20  }
0xa: {  	s23 =	simm.s32 $0x4080;
	[smem:$0x7FF] =	sst s5;
	s9 =	sand.u32 $0x1, s6  }
0xb: {  	s10 =	sshll.u32 s4, $0x8;
	s6 =	sadd.s32 $0x1870200, s7;
	s13 =	sadd.s32 $0x8600, s7  }
0xc: {  	s14 =	sadd.s32 $0x28600, s7;
	s12 =	sshll.u32 s9, $0x7;
	s9 =	ssub.s32 $0x2, s9  }
0xd: {  	_ =	strace $0x80000047;
	s10 =	sor.u32 s12, s10;
	s18 =	sshrl.u32 s9, $0x1  }
0xe: {  	s16 =	sshrl.u32 s10, $0x3;
	s12 =	sshll.u32 s10, $0x1;
	s18 =	ssub.s32 s9, s18  }
0xf: {  	s31 =	sshll.u32 s10, $0x4;
	s17 =	sadd.s32 s16, s7;
	s19 =	sadd.s32 s12, s7  }
0x10: {  	s7 =	sadd.s32 s8, s16;
	s8 =	sadd.s32 s13, s31;
	s9 =	sadd.s32 s14, s31  }
0x11: {  	s11 =	sadd.s32 s11, s16;
	s20 =	sor.u32 $0x10000, s31;
	s15 =	sadd.s32 s15, s16  }
0x12: {  	s10 =	sadd.s32 $0x6200, s17;
	s12 =	sadd.s32 s13, s20;
	s13 =	sadd.s32 s14, s20  }
0x13: {  	s14 =	sadd.s32 $0x6400, s17;
	s16 =	sadd.s32 $0x6600, s19;
	s17 =	smax.u32 s18, $0x1  }
0x14: {  	s18 =	simm.s32 $0x4880;
	s19 =	simm.s32 $0x2;
	s20 =	simm.s32 $0x80  }
.LBB2_1:
0x15: {  	[tilespmem:s18], [sflag:$0x2] =	stream.linear.gather [hbm4b:s3+s5], $0x186A0, $0x38;
	[tilespmem:$0x1CFA0] =	vst v63  }
0x16: {  	_ =	swait.ge [sflag:s19], $0x186A0  }
0x17: {  	[sflag:s19] =	ssyncset.done $0x0  }
0x18: {  	[sflag:s19] =	ssyncadd.s32 $0xFFFE7960  }
0x19: {  	[tilespmem:s5], [sflag:$0x2] =	stream.linear.gather [hbm4b:s7+s5], $0x80, $0x38;
	[tilespmem:$0x1CFA0] =	vst v63  }
0x1a: {  	_ =	swait.ge [sflag:s19], $0x80  }
0x1b: {  	[sflag:s19] =	ssyncset.done $0x0  }
0x1c: {  	[sflag:s19] =	ssyncadd.s32 $0xFFFFFF80  }
0x1d: {  	[tilespmem:s20], [sflag:$0x1] =	stream.indirect.gather [hbm4b:s0+s20], $0x80, s5, s20, $0xb8;
	[tilespmem:$0x1CFA0] =	vst v63  }
0x1e: {  	_ =	swait.ge [sflag:s21], $0x4000  }
0x1f: {  	[sflag:s21] =	ssyncset.done $0x0  }
0x20: {  	[sflag:s21] =	ssyncadd.s32 $0xFFFFC000  }
0x21: {  	[hbm4b:s8+s5] =	stream.linear.scatter [tilespmem:s20], [sflag:$0x2], $0x4000, $0x38;
	[tilespmem:$0x1CFA0] =	vst v63  }
0x22: {  	_ =	swait.ge [sflag:s19], $0x4000  }
0x23: {  	[sflag:s19] =	ssyncset.done $0x0  }
0x24: {  	[sflag:s19] =	ssyncadd.s32 $0xFFFFC000  }
0x25: {  	[tilespmem:s20], [sflag:$0x1] =	stream.indirect.gather [hbm4b:s2+s20], $0x80, s5, s20, $0xb8;
	[tilespmem:$0x1CFA0] =	vst v63  }
0x26: {  	_ =	swait.ge [sflag:s21], $0x4000  }
0x27: {  	[sflag:s21] =	ssyncset.done $0x0  }
0x28: {  	[sflag:s21] =	ssyncadd.s32 $0xFFFFC000  }
0x29: {  	[hbm4b:s9+s5] =	stream.linear.scatter [tilespmem:s20], [sflag:$0x2], $0x4000, $0x38;
	[tilespmem:$0x1CFA0] =	vst v63  }
0x2a: {  	_ =	swait.ge [sflag:s19], $0x4000  }
0x2b: {  	[sflag:s19] =	ssyncset.done $0x0  }
0x2c: {  	[sflag:s19] =	ssyncadd.s32 $0xFFFFC000  }
0x2d: {  	v0 =	vld [tilespmem:$0x0];
	_ =	sdelay $0x5  }
0x2e: {  	v1 =	vld [tilespmem:$0x10];
	_ =	sdelay $0x1  }
0x2f: {  	v0 =	vld.idx.msk [tilespmem:v0+s18+$0x0], $0xffff;
	_ =	sdelay $0x3  }
0x30: {  	v2 =	vld [tilespmem:$0x20]  }
0x31: {  	[tilespmem:$0x1CF20] =	vst v0  }
0x32: {  	v0 =	vld.idx.msk [tilespmem:v1+s18+$0x0], $0xffff;
	_ =	sdelay $0x3  }
0x33: {  	v51 =	vld [tilespmem:$0x30]  }
0x34: {  	[tilespmem:$0x1CF30] =	vst v0  }
0x35: {  	v0 =	vld.idx.msk [tilespmem:v2+s18+$0x0], $0xffff;
	_ =	sdelay $0x3  }
0x36: {  	v52 =	vld [tilespmem:$0x40]  }
0x37: {  	[tilespmem:$0x1CF40] =	vst v0  }
0x38: {  	v0 =	vld.idx.msk [tilespmem:v51+s18+$0x0], $0xffff;
	_ =	sdelay $0x3  }
0x39: {  	v53 =	vld [tilespmem:$0x50]  }
0x3a: {  	[tilespmem:$0x1CF50] =	vst v0  }
0x3b: {  	v0 =	vld.idx.msk [tilespmem:v52+s18+$0x0], $0xffff;
	_ =	sdelay $0x3  }
0x3c: {  	v54 =	vld [tilespmem:$0x60]  }
0x3d: {  	[tilespmem:$0x1CF60] =	vst v0  }
0x3e: {  	v0 =	vld.idx.msk [tilespmem:v53+s18+$0x0], $0xffff;
	_ =	sdelay $0x3  }
0x3f: {  	v55 =	vld [tilespmem:$0x70]  }
0x40: {  	[tilespmem:$0x1CF70] =	vst v0  }
0x41: {  	v0 =	vld.idx.msk [tilespmem:v54+s18+$0x0], $0xffff;
	_ =	sdelay $0x4  }
0x42: {  	[tilespmem:$0x1CF80] =	vst v0  }
0x43: {  	v0 =	vld.idx.msk [tilespmem:v55+s18+$0x0], $0xffff;
	_ =	sdelay $0x4  }
0x44: {  	[tilespmem:$0x1CF90] =	vst v0  }
0x45: {  	[hbm4b:s10+s5] =	stream.linear.scatter [tilespmem:s22], [sflag:$0x2], $0x80, $0x38;
	[tilespmem:$0x1CFA0] =	vst v63  }
0x46: {  	_ =	swait.ge [sflag:s19], $0x80  }
0x47: {  	[sflag:s19] =	ssyncset.done $0x0  }
0x48: {  	[sflag:s19] =	ssyncadd.s32 $0xFFFFFF80  }
0x49: {  	[tilespmem:s5], [sflag:$0x2] =	stream.linear.gather [hbm4b:s11+s5], $0x80, $0x38;
	[tilespmem:$0x1CFA0] =	vst v63  }
0x4a: {  	_ =	swait.ge [sflag:s19], $0x80  }
0x4b: {  	[sflag:s19] =	ssyncset.done $0x0  }
0x4c: {  	[sflag:s19] =	ssyncadd.s32 $0xFFFFFF80  }
0x4d: {  	[tilespmem:s20], [sflag:$0x1] =	stream.indirect.gather [hbm4b:s0+s20], $0x80, s5, s20, $0xb8;
	[tilespmem:$0x1CFA0] =	vst v63  }
0x4e: {  	_ =	swait.ge [sflag:s21], $0x4000  }
0x4f: {  	[sflag:s21] =	ssyncset.done $0x0  }
0x50: {  	[sflag:s21] =	ssyncadd.s32 $0xFFFFC000  }
0x51: {  	[hbm4b:s12+s5] =	stream.linear.scatter [tilespmem:s20], [sflag:$0x2], $0x4000, $0x38;
	[tilespmem:$0x1CFA0] =	vst v63  }
0x52: {  	_ =	swait.ge [sflag:s19], $0x4000  }
0x53: {  	[sflag:s19] =	ssyncset.done $0x0  }
0x54: {  	[sflag:s19] =	ssyncadd.s32 $0xFFFFC000  }
0x55: {  	[tilespmem:s20], [sflag:$0x1] =	stream.indirect.gather [hbm4b:s2+s20], $0x80, s5, s20, $0xb8;
	[tilespmem:$0x1CFA0] =	vst v63  }
0x56: {  	_ =	swait.ge [sflag:s21], $0x4000  }
0x57: {  	[sflag:s21] =	ssyncset.done $0x0  }
0x58: {  	[sflag:s21] =	ssyncadd.s32 $0xFFFFC000  }
0x59: {  	[hbm4b:s13+s5] =	stream.linear.scatter [tilespmem:s20], [sflag:$0x2], $0x4000, $0x38;
	[tilespmem:$0x1CFA0] =	vst v63  }
0x5a: {  	_ =	swait.ge [sflag:s19], $0x4000  }
0x5b: {  	[sflag:s19] =	ssyncset.done $0x0  }
0x5c: {  	[sflag:s19] =	ssyncadd.s32 $0xFFFFC000  }
0x5d: {  	v56 =	vld [tilespmem:$0x0];
	_ =	sdelay $0x5  }
0x5e: {  	v57 =	vld [tilespmem:$0x10];
	_ =	sdelay $0x1  }
0x5f: {  	v0 =	vld.idx.msk [tilespmem:v56+s18+$0x0], $0xffff;
	_ =	sdelay $0x3  }
0x60: {  	v58 =	vld [tilespmem:$0x20]  }
0x61: {  	[tilespmem:$0x1CF20] =	vst v0  }
0x62: {  	v0 =	vld.idx.msk [tilespmem:v57+s18+$0x0], $0xffff;
	_ =	sdelay $0x3  }
0x63: {  	v59 =	vld [tilespmem:$0x30]  }
0x64: {  	[tilespmem:$0x1CF30] =	vst v0  }
0x65: {  	v0 =	vld.idx.msk [tilespmem:v58+s18+$0x0], $0xffff;
	_ =	sdelay $0x3  }
0x66: {  	v60 =	vld [tilespmem:$0x40]  }
0x67: {  	[tilespmem:$0x1CF40] =	vst v0  }
0x68: {  	v0 =	vld.idx.msk [tilespmem:v59+s18+$0x0], $0xffff;
	_ =	sdelay $0x3  }
0x69: {  	v61 =	vld [tilespmem:$0x50]  }
0x6a: {  	[tilespmem:$0x1CF50] =	vst v0  }
0x6b: {  	v0 =	vld.idx.msk [tilespmem:v60+s18+$0x0], $0xffff;
	_ =	sdelay $0x3  }
0x6c: {  	v62 =	vld [tilespmem:$0x60]  }
0x6d: {  	[tilespmem:$0x1CF60] =	vst v0  }
0x6e: {  	v0 =	vld.idx.msk [tilespmem:v61+s18+$0x0], $0xffff;
	_ =	sdelay $0x3  }
0x6f: {  	v63 =	vld [tilespmem:$0x70]  }
0x70: {  	[tilespmem:$0x1CF70] =	vst v0  }
0x71: {  	v0 =	vld.idx.msk [tilespmem:v62+s18+$0x0], $0xffff;
	_ =	sdelay $0x4  }
0x72: {  	[tilespmem:$0x1CF80] =	vst v0  }
0x73: {  	v0 =	vld.idx.msk [tilespmem:v63+s18+$0x0], $0xffff;
	_ =	sdelay $0x4  }
0x74: {  	[tilespmem:$0x1CF90] =	vst v0  }
0x75: {  	[hbm4b:s14+s5] =	stream.linear.scatter [tilespmem:s22], [sflag:$0x2], $0x80, $0x38;
	[tilespmem:$0x1CFA0] =	vst v63  }
0x76: {  	_ =	swait.ge [sflag:s19], $0x80  }
0x77: {  	[sflag:s19] =	ssyncset.done $0x0  }
0x78: {  	[sflag:s19] =	ssyncadd.s32 $0xFFFFFF80  }
0x79: {  	[tilespmem:s5], [sflag:$0x2] =	stream.linear.gather [hbm4b:s15+s5], $0x80, $0x38;
	[tilespmem:$0x1CFA0] =	vst v63  }
0x7a: {  	_ =	swait.ge [sflag:s19], $0x80  }
0x7b: {  	[sflag:s19] =	ssyncset.done $0x0  }
0x7c: {  	[sflag:s19] =	ssyncadd.s32 $0xFFFFFF80  }
0x7d: {  	[tilespmem:s23], [sflag:$0x1] =	stream.indirect.gather [hbm4b:s6+s20], $0x10, s5, s20, $0xb8;
	[tilespmem:$0x1CFA0] =	vst v63  }
0x7e: {  	_ =	swait.ge [sflag:s21], $0x800  }
0x7f: {  	p0 =	sne.s32 s17, $0x1;
	[sflag:s21] =	ssyncset.done $0x0  }
.Ltmp0:
0x80: {  	[sflag:s21] =	ssyncadd.s32 $0xFFFFF800;
	(pc) =	sbr.rel @p0 .LBB2_1-.Ltmp0, $4  }
0x81: {  	[hbm4b:s16+s5] =	stream.linear.scatter [tilespmem:s23], [sflag:$0x2], $0x800, $0x38;
	[tilespmem:$0x1CFA0] =	vst v63  }
0x82: {  	_ =	swait.ge [sflag:s19], $0x800  }
0x83: {  	[sflag:s19] =	ssyncset.done $0x0  }
0x84: {  	s17 =	sadd.s32 $0xFFFFFFFF, s17;
	[sflag:s19] =	ssyncadd.s32 $0xFFFFF800  }
0x85: {  	_ =	sfence.sel $0x180000  }
0x86: {  	[bflag:$0x0] =	sbarrier.arrive $0xFFFF  }
0x87: {  	p0 =	sne.s32 s4, $0x0;
	_ =	strace $0x90000047  }
0x88: {  	s0 =	sadd.s32 @!p0 $0x100000, s1;
	[bflag:$0x2] =	sbarrier.arrive $0xFFFF  }
0x89: {  	[sflag:s0] =	ssyncadd.tile.s32 @!p0 $0x1;
	_ =	shalt  }
.Lfunc_end2:
_tile_overlayer_lowered:
.L_overlay_start_2:
0x8a: {  	(tag) =	ssettag $0x2  }
0x8b: {  	s0 =	rddreg [dreg:$0x0];
	s2 =	stileid.u32  }
0x8c: {  	s1 =	rddreg [dreg:$0x1];
	p0 =	sne.s32 s2, $0x0  }
0x8d: {  	s3 =	rddreg [dreg:$0x2];
	[bflag:$0x3] =	sbarrier.arrive $0xFFFF;
	s2 =	simm.s32 @!p0 $0x1C02  }
0x8e: {  	[timem:s3], [sflag:s2] =	dma.local @!p0 [hbm:s0], s1  }
0x8f: {  	s0 =	simm.s32 @!p0 $0x2  }
0x90: {  	_ =	swait.ge @!p0 [sflag:s0], s1  }
0x91: {  	s1 =	ssub.s32 @!p0 $0x0, s1;
	[sflag:s0] =	ssyncset.done @!p0 $0x0  }
0x92: {  	[sflag:s0] =	ssyncadd.s32 @!p0 s1  }
0x93: {  	[bflag:$0x3] =	sbarrier.arrive $0xFFFF  }
0x94: {  	_ =	shalt  }

</sc_bundles>
